<compile_context>
chip_gen: v7x
topology: tpu7x:2x2x1
jax: 0.10.2.dev20260603
libtpu: 0.0.44.dev20260713+nightly
codegen_flags: <defaults>
</compile_context>

<pallas_src>
import jax
import jax.numpy as jnp
from jax import lax
from jax.experimental import pallas as pl
from jax.experimental.pallas import tpu as pltpu
from jax.experimental.pallas import tpu_sc as plsc

VOCAB = 100000
D = 128
B = 16384
NW = 32
ROWS_PER_W = B // NW
CHUNK = 128
NCHUNK = ROWS_PER_W // CHUNK
NSEG = D // 16


def _lane_sum(v):
    lanes = lax.iota(jnp.int32, 16)
    dnums = lax.GatherDimensionNumbers(
        offset_dims=(), collapsed_slice_dims=(0,), start_index_map=(0,))
    for sh in (8, 4, 2, 1):
        perm = lax.gather(v, (lanes ^ sh)[:, None], dnums, (1,),
                          mode=lax.GatherScatterMode.PROMISE_IN_BOUNDS)
        v = v + perm
    return v


def _rsqrt_vec(s):
    i = lax.bitcast_convert_type(s, jnp.int32)
    i = jnp.int32(0x5F3759DF) - (i >> 1)
    y = lax.bitcast_convert_type(i, jnp.float32)
    half = s * 0.5
    for _ in range(3):
        y = y * (1.5 - half * y * y)
    return y


def _sc_body(rep_hbm, idx_hbm, table_hbm, part_hbm, outr_hbm, outc_hbm,
             idx_v, rep_v, comp_v, acc_v, sem):
    wid = lax.axis_index("s") * 2 + lax.axis_index("c")
    base = wid * ROWS_PER_W

    pltpu.sync_copy(idx_hbm.at[wid], idx_v)

    err_acc = jnp.zeros((16,), jnp.float32)
    for j in range(NCHUNK):
        off = base + j * CHUNK
        pltpu.async_copy(table_hbm.at[idx_v.at[j]], comp_v, sem).wait()
        pltpu.sync_copy(rep_hbm.at[pl.ds(off, CHUNK)], rep_v)

        def row_body(r, acc):
            vr = [rep_v[r, pl.ds(16 * k, 16)] for k in range(NSEG)]
            vc = [comp_v[r, pl.ds(16 * k, 16)] for k in range(NSEG)]
            sr_v = vr[0] * vr[0]
            sc_v = vc[0] * vc[0]
            for k in range(1, NSEG):
                sr_v = sr_v + vr[k] * vr[k]
                sc_v = sc_v + vc[k] * vc[k]
            for k in range(NSEG):
                d = vc[k] - vr[k]
                acc = acc + d * d
            rr = _rsqrt_vec(jnp.maximum(_lane_sum(sr_v), 1e-24))
            rc = _rsqrt_vec(jnp.maximum(_lane_sum(sc_v), 1e-24))
            for k in range(NSEG):
                rep_v[r, pl.ds(16 * k, 16)] = vr[k] * rr
                comp_v[r, pl.ds(16 * k, 16)] = vc[k] * rc
            return acc

        err_acc = lax.fori_loop(0, CHUNK, row_body, err_acc)
        pltpu.sync_copy(rep_v, outr_hbm.at[pl.ds(off, CHUNK)])
        pltpu.sync_copy(comp_v, outc_hbm.at[pl.ds(off, CHUNK)])

    acc_v[...] = err_acc
    pltpu.sync_copy(acc_v, part_hbm.at[wid])


@jax.jit
def kernel(rep, expr, emb_weight):
    idx = expr.astype(jnp.int32).reshape(NW, NCHUNK, CHUNK)
    mesh = plsc.VectorSubcoreMesh(core_axis_name="c", subcore_axis_name="s")
    part, out_rep, out_comp = pl.kernel(
        _sc_body,
        out_type=(
            jax.ShapeDtypeStruct((NW, 16), jnp.float32),
            jax.ShapeDtypeStruct((B, D), jnp.float32),
            jax.ShapeDtypeStruct((B, D), jnp.float32),
        ),
        mesh=mesh,
        scratch_types=[
            pltpu.VMEM((NCHUNK, CHUNK), jnp.int32),
            pltpu.VMEM((CHUNK, D), jnp.float32),
            pltpu.VMEM((CHUNK, D), jnp.float32),
            pltpu.VMEM((16,), jnp.float32),
            pltpu.SemaphoreType.DMA,
        ],
    )(rep, idx, emb_weight)
    err = jnp.sum(part) * (1.0 / (B * D))
    return (err, out_rep, out_comp)

# --- scband reference (transcript-rebuilt; emitter-appended) ---
"""Pipeline reference for scband-objective-56736517980520 (READ-ONLY COPY).

The authoritative reference and input builder live on the scoring server;
editing this copy changes nothing except your own understanding.
"""

import jax, jax.numpy as jnp
import numpy as np

VOCAB = 100000
D = 128
B = 16384


def _l2_normalize(x, eps=1e-12):
    # matches torch.nn.functional.normalize(p=2, dim=1): x / max(||x||_2, eps)
    norm = jnp.linalg.norm(x, axis=1, keepdims=True)
    return x / jnp.maximum(norm, eps)


def setup_inputs(seed: int = 0) -> dict:
    key = jax.random.key(seed)
    k1, k2, k3 = jax.random.split(key, 3)
    rep = jax.random.normal(k1, (B, D), dtype=jnp.float32)
    expr = jax.random.randint(k2, (B,), 0, VOCAB)
    # learned parameter: embedding table (zero_init=False -> random init)
    emb_weight = jax.random.normal(k3, (VOCAB, D), dtype=jnp.float32)
    return {"rep": rep, "expr": expr, "emb_weight": emb_weight}


def reference(rep, expr, emb_weight):
    # compose(expr): expr is a flat index tensor (not a tuple), so compose
    # reduces to a single embedding lookup; comp_fn (elementwise add) is only
    # invoked for tuple-structured expressions.
    comp = jnp.take(emb_weight, expr, axis=0)
    # err_fn = MSE between composed representation and target representation
    err = jnp.mean((comp - rep) ** 2)
    # torch returns .tolist(); here we return the normalized arrays directly
    return (err, _l2_normalize(rep), _l2_normalize(comp))

if __name__ == "__main__":
    import jax
    _d = setup_inputs()
    print(jax.jit(kernel)(*tuple(_d.values())))

</pallas_src>

<mosaic_0001>
#map = affine_map<(d0, d1) -> (0, 0)>
#map1 = affine_map<(d0, d1) -> (0, 0, 0)>
module attributes {stable_mosaic.version = 14 : i64} {
  func.func @_sc_body(%arg0: i32, %arg1: i32, %arg2: memref<16384x128xf32, #tpu.memory_space<hbm>>, %arg3: memref<32x4x128xi32, #tpu.memory_space<hbm>>, %arg4: memref<100000x128xf32, #tpu.memory_space<hbm>>, %arg5: memref<32x16xf32, #tpu.memory_space<hbm>>, %arg6: memref<16384x128xf32, #tpu.memory_space<hbm>>, %arg7: memref<16384x128xf32, #tpu.memory_space<hbm>>, %arg8: memref<4x128xi32, #tpu.memory_space<vmem>>, %arg9: memref<128x128xf32, #tpu.memory_space<vmem>>, %arg10: memref<128x128xf32, #tpu.memory_space<vmem>>, %arg11: memref<16xf32, #tpu.memory_space<vmem>>, %arg12: memref<!tpu.dma_semaphore, #tpu.memory_space<semaphore_mem>>) attributes {dimension_semantics = [#tpu.dimension_semantics<core_parallel>, #tpu.dimension_semantics<subcore_parallel>], iteration_bounds = array<i64: 2, 16>, scalar_prefetch = 0 : i64, scratch_operands = 5 : i64, tpu.core_type = #tpu.core_type<sc_vector_subcore>, window_params = [{transform_indices = #map}, {transform_indices = #map1}, {transform_indices = #map}, {transform_indices = #map}, {transform_indices = #map}, {transform_indices = #map}]} {
    %mul3A = arith.constant 2 : i32
    %mul3A_0 = arith.muli %arg1, %mul3A : i32
    %add3A = arith.addi %mul3A_0, %arg0 : i32
    %mul3A_1 = arith.constant 512 : i32
    %mul3A_2 = arith.muli %add3A, %mul3A_1 : i32
    "tpu.region"() ({
      %run_scoped3A = tpu.sem_alloc : memref<!tpu.dma_semaphore, #tpu.memory_space<semaphore_mem>>
      %dma_start3A_92 = arith.constant 0 : i32
      %dma_start3A_93 = arith.constant 0 : i32
      %dma_start3A_94 = tpu.memref_slice %arg3[%add3A, %dma_start3A_92, %dma_start3A_93] : memref<32x4x128xi32, #tpu.memory_space<hbm>> -> memref<1x4x128xi32, #tpu.memory_space<hbm>>
      %dma_start3A_95 = tpu.memref_squeeze %dma_start3A_94 : memref<1x4x128xi32, #tpu.memory_space<hbm>> -> memref<4x128xi32, #tpu.memory_space<hbm>>
      %dma_start3A_96 = arith.constant 0 : i32
      %dma_start3A_97 = arith.constant 0 : i32
      %dma_start3A_98 = tpu.memref_slice %arg3[%add3A, %dma_start3A_96, %dma_start3A_97] : memref<32x4x128xi32, #tpu.memory_space<hbm>> -> memref<1x4x128xi32, #tpu.memory_space<hbm>>
      %dma_start3A_99 = tpu.memref_squeeze %dma_start3A_98 : memref<1x4x128xi32, #tpu.memory_space<hbm>> -> memref<4x128xi32, #tpu.memory_space<hbm>>
      tpu.enqueue_dma source(%dma_start3A_99 : memref<4x128xi32, #tpu.memory_space<hbm>>) target(%arg8 : memref<4x128xi32, #tpu.memory_space<vmem>>) target_semaphore(%run_scoped3A : memref<!tpu.dma_semaphore, #tpu.memory_space<semaphore_mem>>)
      %dma_wait3A_100 = arith.constant 0 : i32
      %dma_wait3A_101 = arith.constant 0 : i32
      %dma_wait3A_102 = tpu.memref_slice %arg3[%add3A, %dma_wait3A_100, %dma_wait3A_101] : memref<32x4x128xi32, #tpu.memory_space<hbm>> -> memref<1x4x128xi32, #tpu.memory_space<hbm>>
      %dma_wait3A_103 = tpu.memref_squeeze %dma_wait3A_102 : memref<1x4x128xi32, #tpu.memory_space<hbm>> -> memref<4x128xi32, #tpu.memory_space<hbm>>
      %dma_wait3A_104 = arith.constant 0 : i32
      %dma_wait3A_105 = arith.constant 0 : i32
      %dma_wait3A_106 = tpu.memref_slice %arg3[%add3A, %dma_wait3A_104, %dma_wait3A_105] : memref<32x4x128xi32, #tpu.memory_space<hbm>> -> memref<1x4x128xi32, #tpu.memory_space<hbm>>
      %dma_wait3A_107 = tpu.memref_squeeze %dma_wait3A_106 : memref<1x4x128xi32, #tpu.memory_space<hbm>> -> memref<4x128xi32, #tpu.memory_space<hbm>>
      tpu.wait_dma2 semaphore(%run_scoped3A : memref<!tpu.dma_semaphore, #tpu.memory_space<semaphore_mem>>) src(%dma_wait3A_107 : memref<4x128xi32, #tpu.memory_space<hbm>>) dst(%arg8 : memref<4x128xi32, #tpu.memory_space<vmem>>)
      tpu.yield
    }) : () -> ()
    %broadcast_in_dim3A = arith.constant 0.000000e+00 : f32
    %broadcast_in_dim3A_3 = vector.broadcast %broadcast_in_dim3A : f32 to vector<16xf32>
    %add3A_4 = arith.constant 0 : i32
    %add3A_5 = arith.addi %mul3A_2, %add3A_4 : i32
    %dma_start3A = arith.constant 0 : i32
    %dma_start3A_6 = arith.constant 0 : i32
    %dma_start3A_7 = tpu.memref_slice %arg8[%dma_start3A, %dma_start3A_6] : memref<4x128xi32, #tpu.memory_space<vmem>> -> memref<1x128xi32, #tpu.memory_space<vmem>>
    %dma_start3A_8 = tpu.memref_squeeze %dma_start3A_7 : memref<1x128xi32, #tpu.memory_space<vmem>> -> memref<128xi32, #tpu.memory_space<vmem>>
    %dma_start3A_9 = arith.constant 0 : i32
    %dma_start3A_10 = arith.constant 0 : i32
    %dma_start3A_11 = tpu.memref_slice %arg4[%dma_start3A_9, %dma_start3A_10] : memref<100000x128xf32, #tpu.memory_space<hbm>> -> memref<100000x128xf32, #tpu.memory_space<hbm>>
    tpu.enqueue_indirect_dma source(%dma_start3A_11 : memref<100000x128xf32, #tpu.memory_space<hbm>>) target(%arg10 : memref<128x128xf32, #tpu.memory_space<vmem>>) offsets(%dma_start3A_8 : memref<128xi32, #tpu.memory_space<vmem>>) semaphore(%arg12 : memref<!tpu.dma_semaphore, #tpu.memory_space<semaphore_mem>>)
    %dma_wait3A = arith.constant 0 : i32
    %dma_wait3A_12 = arith.constant 0 : i32
    %dma_wait3A_13 = tpu.memref_slice %arg8[%dma_wait3A, %dma_wait3A_12] : memref<4x128xi32, #tpu.memory_space<vmem>> -> memref<1x128xi32, #tpu.memory_space<vmem>>
    %dma_wait3A_14 = tpu.memref_squeeze %dma_wait3A_13 : memref<1x128xi32, #tpu.memory_space<vmem>> -> memref<128xi32, #tpu.memory_space<vmem>>
    %dma_wait3A_15 = arith.constant 0 : i32
    %dma_wait3A_16 = arith.constant 0 : i32
    %dma_wait3A_17 = tpu.memref_slice %arg4[%dma_wait3A_15, %dma_wait3A_16] : memref<100000x128xf32, #tpu.memory_space<hbm>> -> memref<100000x128xf32, #tpu.memory_space<hbm>>
    tpu.wait_indirect_dma semaphore(%arg12 : memref<!tpu.dma_semaphore, #tpu.memory_space<semaphore_mem>>) src(%dma_wait3A_17 : memref<100000x128xf32, #tpu.memory_space<hbm>>) dst(%arg10 : memref<128x128xf32, #tpu.memory_space<vmem>>)
    "tpu.region"() ({
      %run_scoped3A = tpu.sem_alloc : memref<!tpu.dma_semaphore, #tpu.memory_space<semaphore_mem>>
      %dma_start3A_92 = arith.constant 0 : i32
      %dma_start3A_93 = tpu.memref_slice %arg2[%add3A_5, %dma_start3A_92] : memref<16384x128xf32, #tpu.memory_space<hbm>> -> memref<128x128xf32, #tpu.memory_space<hbm>>
      %dma_start3A_94 = arith.constant 0 : i32
      %dma_start3A_95 = tpu.memref_slice %arg2[%add3A_5, %dma_start3A_94] : memref<16384x128xf32, #tpu.memory_space<hbm>> -> memref<128x128xf32, #tpu.memory_space<hbm>>
      tpu.enqueue_dma source(%dma_start3A_95 : memref<128x128xf32, #tpu.memory_space<hbm>>) target(%arg9 : memref<128x128xf32, #tpu.memory_space<vmem>>) target_semaphore(%run_scoped3A : memref<!tpu.dma_semaphore, #tpu.memory_space<semaphore_mem>>)
      %dma_wait3A_96 = arith.constant 0 : i32
      %dma_wait3A_97 = tpu.memref_slice %arg2[%add3A_5, %dma_wait3A_96] : memref<16384x128xf32, #tpu.memory_space<hbm>> -> memref<128x128xf32, #tpu.memory_space<hbm>>
      %dma_wait3A_98 = arith.constant 0 : i32
      %dma_wait3A_99 = tpu.memref_slice %arg2[%add3A_5, %dma_wait3A_98] : memref<16384x128xf32, #tpu.memory_space<hbm>> -> memref<128x128xf32, #tpu.memory_space<hbm>>
      tpu.wait_dma2 semaphore(%run_scoped3A : memref<!tpu.dma_semaphore, #tpu.memory_space<semaphore_mem>>) src(%dma_wait3A_99 : memref<128x128xf32, #tpu.memory_space<hbm>>) dst(%arg9 : memref<128x128xf32, #tpu.memory_space<vmem>>)
      tpu.yield
    }) : () -> ()
    %scan3A = arith.constant 0 : i32
    %scan3A_18 = arith.constant 128 : i32
    %scan3A_19 = arith.addi %scan3A, %scan3A_18 : i32
    %scan3A_20 = arith.constant 1 : i32
    %scan3A_21 = scf.for %scan3A_92 = %scan3A to %scan3A_19 step %scan3A_20 iter_args(%scan3A_93 = %broadcast_in_dim3A_3) -> (vector<16xf32>)  : i32 {
      %get3A = arith.index_cast %scan3A_92 : i32 to index
      %get3A_94 = arith.constant 0 : index
      %get3A_95 = tpu.vector_load %arg9[%get3A, %get3A_94] {strides = array<i32>} : memref<128x128xf32, #tpu.memory_space<vmem>>, vector<1x16xf32>,
      %get3A_96 = vector.shape_cast %get3A_95 : vector<1x16xf32> to vector<16xf32>
      %get3A_97 = arith.index_cast %scan3A_92 : i32 to index
      %get3A_98 = arith.constant 16 : index
      %get3A_99 = tpu.vector_load %arg9[%get3A_97, %get3A_98] {strides = array<i32>} : memref<128x128xf32, #tpu.memory_space<vmem>>, vector<1x16xf32>,
      %get3A_100 = vector.shape_cast %get3A_99 : vector<1x16xf32> to vector<16xf32>
      %get3A_101 = arith.index_cast %scan3A_92 : i32 to index
      %get3A_102 = arith.constant 32 : index
      %get3A_103 = tpu.vector_load %arg9[%get3A_101, %get3A_102] {strides = array<i32>} : memref<128x128xf32, #tpu.memory_space<vmem>>, vector<1x16xf32>,
      %get3A_104 = vector.shape_cast %get3A_103 : vector<1x16xf32> to vector<16xf32>
      %get3A_105 = arith.index_cast %scan3A_92 : i32 to index
      %get3A_106 = arith.constant 48 : index
      %get3A_107 = tpu.vector_load %arg9[%get3A_105, %get3A_106] {strides = array<i32>} : memref<128x128xf32, #tpu.memory_space<vmem>>, vector<1x16xf32>,
      %get3A_108 = vector.shape_cast %get3A_107 : vector<1x16xf32> to vector<16xf32>
      %get3A_109 = arith.index_cast %scan3A_92 : i32 to index
      %get3A_110 = arith.constant 64 : index
      %get3A_111 = tpu.vector_load %arg9[%get3A_109, %get3A_110] {strides = array<i32>} : memref<128x128xf32, #tpu.memory_space<vmem>>, vector<1x16xf32>,
      %get3A_112 = vector.shape_cast %get3A_111 : vector<1x16xf32> to vector<16xf32>
      %get3A_113 = arith.index_cast %scan3A_92 : i32 to index
      %get3A_114 = arith.constant 80 : index
      %get3A_115 = tpu.vector_load %arg9[%get3A_113, %get3A_114] {strides = array<i32>} : memref<128x128xf32, #tpu.memory_space<vmem>>, vector<1x16xf32>,
      %get3A_116 = vector.shape_cast %get3A_115 : vector<1x16xf32> to vector<16xf32>
      %get3A_117 = arith.index_cast %scan3A_92 : i32 to index
      %get3A_118 = arith.constant 96 : index
      %get3A_119 = tpu.vector_load %arg9[%get3A_117, %get3A_118] {strides = array<i32>} : memref<128x128xf32, #tpu.memory_space<vmem>>, vector<1x16xf32>,
      %get3A_120 = vector.shape_cast %get3A_119 : vector<1x16xf32> to vector<16xf32>
      %get3A_121 = arith.index_cast %scan3A_92 : i32 to index
      %get3A_122 = arith.constant 112 : index
      %get3A_123 = tpu.vector_load %arg9[%get3A_121, %get3A_122] {strides = array<i32>} : memref<128x128xf32, #tpu.memory_space<vmem>>, vector<1x16xf32>,
      %get3A_124 = vector.shape_cast %get3A_123 : vector<1x16xf32> to vector<16xf32>
      %get3A_125 = arith.index_cast %scan3A_92 : i32 to index
      %get3A_126 = arith.constant 0 : index
      %get3A_127 = tpu.vector_load %arg10[%get3A_125, %get3A_126] {strides = array<i32>} : memref<128x128xf32, #tpu.memory_space<vmem>>, vector<1x16xf32>,
      %get3A_128 = vector.shape_cast %get3A_127 : vector<1x16xf32> to vector<16xf32>
      %get3A_129 = arith.index_cast %scan3A_92 : i32 to index
      %get3A_130 = arith.constant 16 : index
      %get3A_131 = tpu.vector_load %arg10[%get3A_129, %get3A_130] {strides = array<i32>} : memref<128x128xf32, #tpu.memory_space<vmem>>, vector<1x16xf32>,
      %get3A_132 = vector.shape_cast %get3A_131 : vector<1x16xf32> to vector<16xf32>
      %get3A_133 = arith.index_cast %scan3A_92 : i32 to index
      %get3A_134 = arith.constant 32 : index
      %get3A_135 = tpu.vector_load %arg10[%get3A_133, %get3A_134] {strides = array<i32>} : memref<128x128xf32, #tpu.memory_space<vmem>>, vector<1x16xf32>,
      %get3A_136 = vector.shape_cast %get3A_135 : vector<1x16xf32> to vector<16xf32>
      %get3A_137 = arith.index_cast %scan3A_92 : i32 to index
      %get3A_138 = arith.constant 48 : index
      %get3A_139 = tpu.vector_load %arg10[%get3A_137, %get3A_138] {strides = array<i32>} : memref<128x128xf32, #tpu.memory_space<vmem>>, vector<1x16xf32>,
      %get3A_140 = vector.shape_cast %get3A_139 : vector<1x16xf32> to vector<16xf32>
      %get3A_141 = arith.index_cast %scan3A_92 : i32 to index
      %get3A_142 = arith.constant 64 : index
      %get3A_143 = tpu.vector_load %arg10[%get3A_141, %get3A_142] {strides = array<i32>} : memref<128x128xf32, #tpu.memory_space<vmem>>, vector<1x16xf32>,
      %get3A_144 = vector.shape_cast %get3A_143 : vector<1x16xf32> to vector<16xf32>
      %get3A_145 = arith.index_cast %scan3A_92 : i32 to index
      %get3A_146 = arith.constant 80 : index
      %get3A_147 = tpu.vector_load %arg10[%get3A_145, %get3A_146] {strides = array<i32>} : memref<128x128xf32, #tpu.memory_space<vmem>>, vector<1x16xf32>,
      %get3A_148 = vector.shape_cast %get3A_147 : vector<1x16xf32> to vector<16xf32>
      %get3A_149 = arith.index_cast %scan3A_92 : i32 to index
      %get3A_150 = arith.constant 96 : index
      %get3A_151 = tpu.vector_load %arg10[%get3A_149, %get3A_150] {strides = array<i32>} : memref<128x128xf32, #tpu.memory_space<vmem>>, vector<1x16xf32>,
      %get3A_152 = vector.shape_cast %get3A_151 : vector<1x16xf32> to vector<16xf32>
      %get3A_153 = arith.index_cast %scan3A_92 : i32 to index
      %get3A_154 = arith.constant 112 : index
      %get3A_155 = tpu.vector_load %arg10[%get3A_153, %get3A_154] {strides = array<i32>} : memref<128x128xf32, #tpu.memory_space<vmem>>, vector<1x16xf32>,
      %get3A_156 = vector.shape_cast %get3A_155 : vector<1x16xf32> to vector<16xf32>
      %mul3A_157 = arith.mulf %get3A_96, %get3A_96 : vector<16xf32>
      %mul3A_158 = arith.mulf %get3A_128, %get3A_128 : vector<16xf32>
      %mul3A_159 = arith.mulf %get3A_100, %get3A_100 : vector<16xf32>
      %add3A_160 = arith.addf %mul3A_157, %mul3A_159 : vector<16xf32>
      %mul3A_161 = arith.mulf %get3A_132, %get3A_132 : vector<16xf32>
      %add3A_162 = arith.addf %mul3A_158, %mul3A_161 : vector<16xf32>
      %mul3A_163 = arith.mulf %get3A_104, %get3A_104 : vector<16xf32>
      %add3A_164 = arith.addf %add3A_160, %mul3A_163 : vector<16xf32>
      %mul3A_165 = arith.mulf %get3A_136, %get3A_136 : vector<16xf32>
      %add3A_166 = arith.addf %add3A_162, %mul3A_165 : vector<16xf32>
      %mul3A_167 = arith.mulf %get3A_108, %get3A_108 : vector<16xf32>
      %add3A_168 = arith.addf %add3A_164, %mul3A_167 : vector<16xf32>
      %mul3A_169 = arith.mulf %get3A_140, %get3A_140 : vector<16xf32>
      %add3A_170 = arith.addf %add3A_166, %mul3A_169 : vector<16xf32>
      %mul3A_171 = arith.mulf %get3A_112, %get3A_112 : vector<16xf32>
      %add3A_172 = arith.addf %add3A_168, %mul3A_171 : vector<16xf32>
      %mul3A_173 = arith.mulf %get3A_144, %get3A_144 : vector<16xf32>
      %add3A_174 = arith.addf %add3A_170, %mul3A_173 : vector<16xf32>
      %mul3A_175 = arith.mulf %get3A_116, %get3A_116 : vector<16xf32>
      %add3A_176 = arith.addf %add3A_172, %mul3A_175 : vector<16xf32>
      %mul3A_177 = arith.mulf %get3A_148, %get3A_148 : vector<16xf32>
      %add3A_178 = arith.addf %add3A_174, %mul3A_177 : vector<16xf32>
      %mul3A_179 = arith.mulf %get3A_120, %get3A_120 : vector<16xf32>
      %add3A_180 = arith.addf %add3A_176, %mul3A_179 : vector<16xf32>
      %mul3A_181 = arith.mulf %get3A_152, %get3A_152 : vector<16xf32>
      %add3A_182 = arith.addf %add3A_178, %mul3A_181 : vector<16xf32>
      %mul3A_183 = arith.mulf %get3A_124, %get3A_124 : vector<16xf32>
      %add3A_184 = arith.addf %add3A_180, %mul3A_183 : vector<16xf32>
      %mul3A_185 = arith.mulf %get3A_156, %get3A_156 : vector<16xf32>
      %add3A_186 = arith.addf %add3A_182, %mul3A_185 : vector<16xf32>
      %sub3A = arith.subf %get3A_128, %get3A_96 : vector<16xf32>
      %mul3A_187 = arith.mulf %sub3A, %sub3A : vector<16xf32>
      %add3A_188 = arith.addf %scan3A_93, %mul3A_187 : vector<16xf32>
      %sub3A_189 = arith.subf %get3A_132, %get3A_100 : vector<16xf32>
      %mul3A_190 = arith.mulf %sub3A_189, %sub3A_189 : vector<16xf32>
      %add3A_191 = arith.addf %add3A_188, %mul3A_190 : vector<16xf32>
      %sub3A_192 = arith.subf %get3A_136, %get3A_104 : vector<16xf32>
      %mul3A_193 = arith.mulf %sub3A_192, %sub3A_192 : vector<16xf32>
      %add3A_194 = arith.addf %add3A_191, %mul3A_193 : vector<16xf32>
      %sub3A_195 = arith.subf %get3A_140, %get3A_108 : vector<16xf32>
      %mul3A_196 = arith.mulf %sub3A_195, %sub3A_195 : vector<16xf32>
      %add3A_197 = arith.addf %add3A_194, %mul3A_196 : vector<16xf32>
      %sub3A_198 = arith.subf %get3A_144, %get3A_112 : vector<16xf32>
      %mul3A_199 = arith.mulf %sub3A_198, %sub3A_198 : vector<16xf32>
      %add3A_200 = arith.addf %add3A_197, %mul3A_199 : vector<16xf32>
      %sub3A_201 = arith.subf %get3A_148, %get3A_116 : vector<16xf32>
      %mul3A_202 = arith.mulf %sub3A_201, %sub3A_201 : vector<16xf32>
      %add3A_203 = arith.addf %add3A_200, %mul3A_202 : vector<16xf32>
      %sub3A_204 = arith.subf %get3A_152, %get3A_120 : vector<16xf32>
      %mul3A_205 = arith.mulf %sub3A_204, %sub3A_204 : vector<16xf32>
      %add3A_206 = arith.addf %add3A_203, %mul3A_205 : vector<16xf32>
      %sub3A_207 = arith.subf %get3A_156, %get3A_124 : vector<16xf32>
      %mul3A_208 = arith.mulf %sub3A_207, %sub3A_207 : vector<16xf32>
      %add3A_209 = arith.addf %add3A_206, %mul3A_208 : vector<16xf32>
      %iota3A = tpu.iota {dimensions = array<i32: 0>} : vector<16xi32>
      %xor3A = arith.constant 8 : i32
      %xor3A_210 = vector.broadcast %xor3A : i32 to vector<16xi32>
      %xor3A_211 = arith.xori %iota3A, %xor3A_210 : vector<16xi32>
      %broadcast_in_dim3A_212 = vector.shape_cast %xor3A_211 : vector<16xi32> to vector<16x1xi32>
      %gather3A = vector.shape_cast %broadcast_in_dim3A_212 : vector<16x1xi32> to vector<16xi32>
      %gather3A_213 = tpu.dynamic_gather %add3A_184[%gather3A] in [0] : vector<16xf32>, vector<16xi32> -> vector<16xf32>
      %add3A_214 = arith.addf %add3A_184, %gather3A_213 : vector<16xf32>
      %xor3A_215 = arith.constant 4 : i32
      %xor3A_216 = vector.broadcast %xor3A_215 : i32 to vector<16xi32>
      %xor3A_217 = arith.xori %iota3A, %xor3A_216 : vector<16xi32>
      %broadcast_in_dim3A_218 = vector.shape_cast %xor3A_217 : vector<16xi32> to vector<16x1xi32>
      %gather3A_219 = vector.shape_cast %broadcast_in_dim3A_218 : vector<16x1xi32> to vector<16xi32>
      %gather3A_220 = tpu.dynamic_gather %add3A_214[%gather3A_219] in [0] : vector<16xf32>, vector<16xi32> -> vector<16xf32>
      %add3A_221 = arith.addf %add3A_214, %gather3A_220 : vector<16xf32>
      %xor3A_222 = arith.constant 2 : i32
      %xor3A_223 = vector.broadcast %xor3A_222 : i32 to vector<16xi32>
      %xor3A_224 = arith.xori %iota3A, %xor3A_223 : vector<16xi32>
      %broadcast_in_dim3A_225 = vector.shape_cast %xor3A_224 : vector<16xi32> to vector<16x1xi32>
      %gather3A_226 = vector.shape_cast %broadcast_in_dim3A_225 : vector<16x1xi32> to vector<16xi32>
      %gather3A_227 = tpu.dynamic_gather %add3A_221[%gather3A_226] in [0] : vector<16xf32>, vector<16xi32> -> vector<16xf32>
      %add3A_228 = arith.addf %add3A_221, %gather3A_227 : vector<16xf32>
      %xor3A_229 = arith.constant 1 : i32
      %xor3A_230 = vector.broadcast %xor3A_229 : i32 to vector<16xi32>
      %xor3A_231 = arith.xori %iota3A, %xor3A_230 : vector<16xi32>
      %broadcast_in_dim3A_232 = vector.shape_cast %xor3A_231 : vector<16xi32> to vector<16x1xi32>
      %gather3A_233 = vector.shape_cast %broadcast_in_dim3A_232 : vector<16x1xi32> to vector<16xi32>
      %gather3A_234 = tpu.dynamic_gather %add3A_228[%gather3A_233] in [0] : vector<16xf32>, vector<16xi32> -> vector<16xf32>
      %add3A_235 = arith.addf %add3A_228, %gather3A_234 : vector<16xf32>
      %max3A = arith.constant 1.000000e-24 : f32
      %max3A_236 = vector.broadcast %max3A : f32 to vector<16xf32>
      %max3A_237 = arith.maximumf %add3A_235, %max3A_236 : vector<16xf32>
      %bitcast_convert_type3A = tpu.bitcast %max3A_237 : vector<16xf32> -> vector<16xi32>
      %shift_right_arithmetic3A = arith.constant 1 : i32
      %shift_right_arithmetic3A_238 = vector.broadcast %shift_right_arithmetic3A : i32 to vector<16xi32>
      %shift_right_arithmetic3A_239 = arith.shrsi %bitcast_convert_type3A, %shift_right_arithmetic3A_238 : vector<16xi32>
      %sub3A_240 = arith.constant 1597463007 : i32
      %sub3A_241 = vector.broadcast %sub3A_240 : i32 to vector<16xi32>
      %sub3A_242 = arith.subi %sub3A_241, %shift_right_arithmetic3A_239 : vector<16xi32>
      %bitcast_convert_type3A_243 = tpu.bitcast %sub3A_242 : vector<16xi32> -> vector<16xf32>
      %mul3A_244 = arith.constant 5.000000e-01 : f32
      %mul3A_245 = vector.broadcast %mul3A_244 : f32 to vector<16xf32>
      %mul3A_246 = arith.mulf %max3A_237, %mul3A_245 : vector<16xf32>
      %mul3A_247 = arith.mulf %mul3A_246, %bitcast_convert_type3A_243 : vector<16xf32>
      %mul3A_248 = arith.mulf %mul3A_247, %bitcast_convert_type3A_243 : vector<16xf32>
      %sub3A_249 = arith.constant 1.500000e+00 : f32
      %sub3A_250 = vector.broadcast %sub3A_249 : f32 to vector<16xf32>
      %sub3A_251 = arith.subf %sub3A_250, %mul3A_248 : vector<16xf32>
      %mul3A_252 = arith.mulf %bitcast_convert_type3A_243, %sub3A_251 : vector<16xf32>
      %mul3A_253 = arith.mulf %mul3A_246, %mul3A_252 : vector<16xf32>
      %mul3A_254 = arith.mulf %mul3A_253, %mul3A_252 : vector<16xf32>
      %sub3A_255 = arith.constant 1.500000e+00 : f32
      %sub3A_256 = vector.broadcast %sub3A_255 : f32 to vector<16xf32>
      %sub3A_257 = arith.subf %sub3A_256, %mul3A_254 : vector<16xf32>
      %mul3A_258 = arith.mulf %mul3A_252, %sub3A_257 : vector<16xf32>
      %mul3A_259 = arith.mulf %mul3A_246, %mul3A_258 : vector<16xf32>
      %mul3A_260 = arith.mulf %mul3A_259, %mul3A_258 : vector<16xf32>
      %sub3A_261 = arith.constant 1.500000e+00 : f32
      %sub3A_262 = vector.broadcast %sub3A_261 : f32 to vector<16xf32>
      %sub3A_263 = arith.subf %sub3A_262, %mul3A_260 : vector<16xf32>
      %mul3A_264 = arith.mulf %mul3A_258, %sub3A_263 : vector<16xf32>
      %iota3A_265 = tpu.iota {dimensions = array<i32: 0>} : vector<16xi32>
      %xor3A_266 = arith.constant 8 : i32
      %xor3A_267 = vector.broadcast %xor3A_266 : i32 to vector<16xi32>
      %xor3A_268 = arith.xori %iota3A_265, %xor3A_267 : vector<16xi32>
      %broadcast_in_dim3A_269 = vector.shape_cast %xor3A_268 : vector<16xi32> to vector<16x1xi32>
      %gather3A_270 = vector.shape_cast %broadcast_in_dim3A_269 : vector<16x1xi32> to vector<16xi32>
      %gather3A_271 = tpu.dynamic_gather %add3A_186[%gather3A_270] in [0] : vector<16xf32>, vector<16xi32> -> vector<16xf32>
      %add3A_272 = arith.addf %add3A_186, %gather3A_271 : vector<16xf32>
      %xor3A_273 = arith.constant 4 : i32
      %xor3A_274 = vector.broadcast %xor3A_273 : i32 to vector<16xi32>
      %xor3A_275 = arith.xori %iota3A_265, %xor3A_274 : vector<16xi32>
      %broadcast_in_dim3A_276 = vector.shape_cast %xor3A_275 : vector<16xi32> to vector<16x1xi32>
      %gather3A_277 = vector.shape_cast %broadcast_in_dim3A_276 : vector<16x1xi32> to vector<16xi32>
      %gather3A_278 = tpu.dynamic_gather %add3A_272[%gather3A_277] in [0] : vector<16xf32>, vector<16xi32> -> vector<16xf32>
      %add3A_279 = arith.addf %add3A_272, %gather3A_278 : vector<16xf32>
      %xor3A_280 = arith.constant 2 : i32
      %xor3A_281 = vector.broadcast %xor3A_280 : i32 to vector<16xi32>
      %xor3A_282 = arith.xori %iota3A_265, %xor3A_281 : vector<16xi32>
      %broadcast_in_dim3A_283 = vector.shape_cast %xor3A_282 : vector<16xi32> to vector<16x1xi32>
      %gather3A_284 = vector.shape_cast %broadcast_in_dim3A_283 : vector<16x1xi32> to vector<16xi32>
      %gather3A_285 = tpu.dynamic_gather %add3A_279[%gather3A_284] in [0] : vector<16xf32>, vector<16xi32> -> vector<16xf32>
      %add3A_286 = arith.addf %add3A_279, %gather3A_285 : vector<16xf32>
      %xor3A_287 = arith.constant 1 : i32
      %xor3A_288 = vector.broadcast %xor3A_287 : i32 to vector<16xi32>
      %xor3A_289 = arith.xori %iota3A_265, %xor3A_288 : vector<16xi32>
      %broadcast_in_dim3A_290 = vector.shape_cast %xor3A_289 : vector<16xi32> to vector<16x1xi32>
      %gather3A_291 = vector.shape_cast %broadcast_in_dim3A_290 : vector<16x1xi32> to vector<16xi32>
      %gather3A_292 = tpu.dynamic_gather %add3A_286[%gather3A_291] in [0] : vector<16xf32>, vector<16xi32> -> vector<16xf32>
      %add3A_293 = arith.addf %add3A_286, %gather3A_292 : vector<16xf32>
      %max3A_294 = arith.constant 1.000000e-24 : f32
      %max3A_295 = vector.broadcast %max3A_294 : f32 to vector<16xf32>
      %max3A_296 = arith.maximumf %add3A_293, %max3A_295 : vector<16xf32>
      %bitcast_convert_type3A_297 = tpu.bitcast %max3A_296 : vector<16xf32> -> vector<16xi32>
      %shift_right_arithmetic3A_298 = arith.constant 1 : i32
      %shift_right_arithmetic3A_299 = vector.broadcast %shift_right_arithmetic3A_298 : i32 to vector<16xi32>
      %shift_right_arithmetic3A_300 = arith.shrsi %bitcast_convert_type3A_297, %shift_right_arithmetic3A_299 : vector<16xi32>
      %sub3A_301 = arith.constant 1597463007 : i32
      %sub3A_302 = vector.broadcast %sub3A_301 : i32 to vector<16xi32>
      %sub3A_303 = arith.subi %sub3A_302, %shift_right_arithmetic3A_300 : vector<16xi32>
      %bitcast_convert_type3A_304 = tpu.bitcast %sub3A_303 : vector<16xi32> -> vector<16xf32>
      %mul3A_305 = arith.constant 5.000000e-01 : f32
      %mul3A_306 = vector.broadcast %mul3A_305 : f32 to vector<16xf32>
      %mul3A_307 = arith.mulf %max3A_296, %mul3A_306 : vector<16xf32>
      %mul3A_308 = arith.mulf %mul3A_307, %bitcast_convert_type3A_304 : vector<16xf32>
      %mul3A_309 = arith.mulf %mul3A_308, %bitcast_convert_type3A_304 : vector<16xf32>
      %sub3A_310 = arith.constant 1.500000e+00 : f32
      %sub3A_311 = vector.broadcast %sub3A_310 : f32 to vector<16xf32>
      %sub3A_312 = arith.subf %sub3A_311, %mul3A_309 : vector<16xf32>
      %mul3A_313 = arith.mulf %bitcast_convert_type3A_304, %sub3A_312 : vector<16xf32>
      %mul3A_314 = arith.mulf %mul3A_307, %mul3A_313 : vector<16xf32>
      %mul3A_315 = arith.mulf %mul3A_314, %mul3A_313 : vector<16xf32>
      %sub3A_316 = arith.constant 1.500000e+00 : f32
      %sub3A_317 = vector.broadcast %sub3A_316 : f32 to vector<16xf32>
      %sub3A_318 = arith.subf %sub3A_317, %mul3A_315 : vector<16xf32>
      %mul3A_319 = arith.mulf %mul3A_313, %sub3A_318 : vector<16xf32>
      %mul3A_320 = arith.mulf %mul3A_307, %mul3A_319 : vector<16xf32>
      %mul3A_321 = arith.mulf %mul3A_320, %mul3A_319 : vector<16xf32>
      %sub3A_322 = arith.constant 1.500000e+00 : f32
      %sub3A_323 = vector.broadcast %sub3A_322 : f32 to vector<16xf32>
      %sub3A_324 = arith.subf %sub3A_323, %mul3A_321 : vector<16xf32>
      %mul3A_325 = arith.mulf %mul3A_319, %sub3A_324 : vector<16xf32>
      %mul3A_326 = arith.mulf %get3A_96, %mul3A_264 : vector<16xf32>
      %swap3A_327 = arith.index_cast %scan3A_92 : i32 to index
      %swap3A_328 = arith.constant 0 : index
      %swap3A_329 = tpu.vector_load %arg9[%swap3A_327, %swap3A_328] {strides = array<i32>} : memref<128x128xf32, #tpu.memory_space<vmem>>, vector<1x16xf32>,
      %swap3A_330 = vector.shape_cast %swap3A_329 : vector<1x16xf32> to vector<16xf32>
      %swap3A_331 = vector.shape_cast %mul3A_326 : vector<16xf32> to vector<1x16xf32>
      tpu.vector_store %arg9[%swap3A_327, %swap3A_328], %swap3A_331 {strides = array<i32>} : memref<128x128xf32, #tpu.memory_space<vmem>>, vector<1x16xf32>,
      %mul3A_332 = arith.mulf %get3A_128, %mul3A_325 : vector<16xf32>
      %swap3A_333 = arith.index_cast %scan3A_92 : i32 to index
      %swap3A_334 = arith.constant 0 : index
      %swap3A_335 = tpu.vector_load %arg10[%swap3A_333, %swap3A_334] {strides = array<i32>} : memref<128x128xf32, #tpu.memory_space<vmem>>, vector<1x16xf32>,
      %swap3A_336 = vector.shape_cast %swap3A_335 : vector<1x16xf32> to vector<16xf32>
      %swap3A_337 = vector.shape_cast %mul3A_332 : vector<16xf32> to vector<1x16xf32>
      tpu.vector_store %arg10[%swap3A_333, %swap3A_334], %swap3A_337 {strides = array<i32>} : memref<128x128xf32, #tpu.memory_space<vmem>>, vector<1x16xf32>,
      %mul3A_338 = arith.mulf %get3A_100, %mul3A_264 : vector<16xf32>
      %swap3A_339 = arith.index_cast %scan3A_92 : i32 to index
      %swap3A_340 = arith.constant 16 : index
      %swap3A_341 = tpu.vector_load %arg9[%swap3A_339, %swap3A_340] {strides = array<i32>} : memref<128x128xf32, #tpu.memory_space<vmem>>, vector<1x16xf32>,
      %swap3A_342 = vector.shape_cast %swap3A_341 : vector<1x16xf32> to vector<16xf32>
      %swap3A_343 = vector.shape_cast %mul3A_338 : vector<16xf32> to vector<1x16xf32>
      tpu.vector_store %arg9[%swap3A_339, %swap3A_340], %swap3A_343 {strides = array<i32>} : memref<128x128xf32, #tpu.memory_space<vmem>>, vector<1x16xf32>,
      %mul3A_344 = arith.mulf %get3A_132, %mul3A_325 : vector<16xf32>
      %swap3A_345 = arith.index_cast %scan3A_92 : i32 to index
      %swap3A_346 = arith.constant 16 : index
      %swap3A_347 = tpu.vector_load %arg10[%swap3A_345, %swap3A_346] {strides = array<i32>} : memref<128x128xf32, #tpu.memory_space<vmem>>, vector<1x16xf32>,
      %swap3A_348 = vector.shape_cast %swap3A_347 : vector<1x16xf32> to vector<16xf32>
      %swap3A_349 = vector.shape_cast %mul3A_344 : vector<16xf32> to vector<1x16xf32>
      tpu.vector_store %arg10[%swap3A_345, %swap3A_346], %swap3A_349 {strides = array<i32>} : memref<128x128xf32, #tpu.memory_space<vmem>>, vector<1x16xf32>,
      %mul3A_350 = arith.mulf %get3A_104, %mul3A_264 : vector<16xf32>
      %swap3A_351 = arith.index_cast %scan3A_92 : i32 to index
      %swap3A_352 = arith.constant 32 : index
      %swap3A_353 = tpu.vector_load %arg9[%swap3A_351, %swap3A_352] {strides = array<i32>} : memref<128x128xf32, #tpu.memory_space<vmem>>, vector<1x16xf32>,
      %swap3A_354 = vector.shape_cast %swap3A_353 : vector<1x16xf32> to vector<16xf32>
      %swap3A_355 = vector.shape_cast %mul3A_350 : vector<16xf32> to vector<1x16xf32>
      tpu.vector_store %arg9[%swap3A_351, %swap3A_352], %swap3A_355 {strides = array<i32>} : memref<128x128xf32, #tpu.memory_space<vmem>>, vector<1x16xf32>,
      %mul3A_356 = arith.mulf %get3A_136, %mul3A_325 : vector<16xf32>
      %swap3A_357 = arith.index_cast %scan3A_92 : i32 to index
      %swap3A_358 = arith.constant 32 : index
      %swap3A_359 = tpu.vector_load %arg10[%swap3A_357, %swap3A_358] {strides = array<i32>} : memref<128x128xf32, #tpu.memory_space<vmem>>, vector<1x16xf32>,
      %swap3A_360 = vector.shape_cast %swap3A_359 : vector<1x16xf32> to vector<16xf32>
      %swap3A_361 = vector.shape_cast %mul3A_356 : vector<16xf32> to vector<1x16xf32>
      tpu.vector_store %arg10[%swap3A_357, %swap3A_358], %swap3A_361 {strides = array<i32>} : memref<128x128xf32, #tpu.memory_space<vmem>>, vector<1x16xf32>,
      %mul3A_362 = arith.mulf %get3A_108, %mul3A_264 : vector<16xf32>
      %swap3A_363 = arith.index_cast %scan3A_92 : i32 to index
      %swap3A_364 = arith.constant 48 : index
      %swap3A_365 = tpu.vector_load %arg9[%swap3A_363, %swap3A_364] {strides = array<i32>} : memref<128x128xf32, #tpu.memory_space<vmem>>, vector<1x16xf32>,
      %swap3A_366 = vector.shape_cast %swap3A_365 : vector<1x16xf32> to vector<16xf32>
      %swap3A_367 = vector.shape_cast %mul3A_362 : vector<16xf32> to vector<1x16xf32>
      tpu.vector_store %arg9[%swap3A_363, %swap3A_364], %swap3A_367 {strides = array<i32>} : memref<128x128xf32, #tpu.memory_space<vmem>>, vector<1x16xf32>,
      %mul3A_368 = arith.mulf %get3A_140, %mul3A_325 : vector<16xf32>
      %swap3A_369 = arith.index_cast %scan3A_92 : i32 to index
      %swap3A_370 = arith.constant 48 : index
      %swap3A_371 = tpu.vector_load %arg10[%swap3A_369, %swap3A_370] {strides = array<i32>} : memref<128x128xf32, #tpu.memory_space<vmem>>, vector<1x16xf32>,
      %swap3A_372 = vector.shape_cast %swap3A_371 : vector<1x16xf32> to vector<16xf32>
      %swap3A_373 = vector.shape_cast %mul3A_368 : vector<16xf32> to vector<1x16xf32>
      tpu.vector_store %arg10[%swap3A_369, %swap3A_370], %swap3A_373 {strides = array<i32>} : memref<128x128xf32, #tpu.memory_space<vmem>>, vector<1x16xf32>,
      %mul3A_374 = arith.mulf %get3A_112, %mul3A_264 : vector<16xf32>
      %swap3A_375 = arith.index_cast %scan3A_92 : i32 to index
      %swap3A_376 = arith.constant 64 : index
      %swap3A_377 = tpu.vector_load %arg9[%swap3A_375, %swap3A_376] {strides = array<i32>} : memref<128x128xf32, #tpu.memory_space<vmem>>, vector<1x16xf32>,
      %swap3A_378 = vector.shape_cast %swap3A_377 : vector<1x16xf32> to vector<16xf32>
      %swap3A_379 = vector.shape_cast %mul3A_374 : vector<16xf32> to vector<1x16xf32>
      tpu.vector_store %arg9[%swap3A_375, %swap3A_376], %swap3A_379 {strides = array<i32>} : memref<128x128xf32, #tpu.memory_space<vmem>>, vector<1x16xf32>,
      %mul3A_380 = arith.mulf %get3A_144, %mul3A_325 : vector<16xf32>
      %swap3A_381 = arith.index_cast %scan3A_92 : i32 to index
      %swap3A_382 = arith.constant 64 : index
      %swap3A_383 = tpu.vector_load %arg10[%swap3A_381, %swap3A_382] {strides = array<i32>} : memref<128x128xf32, #tpu.memory_space<vmem>>, vector<1x16xf32>,
      %swap3A_384 = vector.shape_cast %swap3A_383 : vector<1x16xf32> to vector<16xf32>
      %swap3A_385 = vector.shape_cast %mul3A_380 : vector<16xf32> to vector<1x16xf32>
      tpu.vector_store %arg10[%swap3A_381, %swap3A_382], %swap3A_385 {strides = array<i32>} : memref<128x128xf32, #tpu.memory_space<vmem>>, vector<1x16xf32>,
      %mul3A_386 = arith.mulf %get3A_116, %mul3A_264 : vector<16xf32>
      %swap3A_387 = arith.index_cast %scan3A_92 : i32 to index
      %swap3A_388 = arith.constant 80 : index
      %swap3A_389 = tpu.vector_load %arg9[%swap3A_387, %swap3A_388] {strides = array<i32>} : memref<128x128xf32, #tpu.memory_space<vmem>>, vector<1x16xf32>,
      %swap3A_390 = vector.shape_cast %swap3A_389 : vector<1x16xf32> to vector<16xf32>
      %swap3A_391 = vector.shape_cast %mul3A_386 : vector<16xf32> to vector<1x16xf32>
      tpu.vector_store %arg9[%swap3A_387, %swap3A_388], %swap3A_391 {strides = array<i32>} : memref<128x128xf32, #tpu.memory_space<vmem>>, vector<1x16xf32>,
      %mul3A_392 = arith.mulf %get3A_148, %mul3A_325 : vector<16xf32>
      %swap3A_393 = arith.index_cast %scan3A_92 : i32 to index
      %swap3A_394 = arith.constant 80 : index
      %swap3A_395 = tpu.vector_load %arg10[%swap3A_393, %swap3A_394] {strides = array<i32>} : memref<128x128xf32, #tpu.memory_space<vmem>>, vector<1x16xf32>,
      %swap3A_396 = vector.shape_cast %swap3A_395 : vector<1x16xf32> to vector<16xf32>
      %swap3A_397 = vector.shape_cast %mul3A_392 : vector<16xf32> to vector<1x16xf32>
      tpu.vector_store %arg10[%swap3A_393, %swap3A_394], %swap3A_397 {strides = array<i32>} : memref<128x128xf32, #tpu.memory_space<vmem>>, vector<1x16xf32>,
      %mul3A_398 = arith.mulf %get3A_120, %mul3A_264 : vector<16xf32>
      %swap3A_399 = arith.index_cast %scan3A_92 : i32 to index
      %swap3A_400 = arith.constant 96 : index
      %swap3A_401 = tpu.vector_load %arg9[%swap3A_399, %swap3A_400] {strides = array<i32>} : memref<128x128xf32, #tpu.memory_space<vmem>>, vector<1x16xf32>,
      %swap3A_402 = vector.shape_cast %swap3A_401 : vector<1x16xf32> to vector<16xf32>
      %swap3A_403 = vector.shape_cast %mul3A_398 : vector<16xf32> to vector<1x16xf32>
      tpu.vector_store %arg9[%swap3A_399, %swap3A_400], %swap3A_403 {strides = array<i32>} : memref<128x128xf32, #tpu.memory_space<vmem>>, vector<1x16xf32>,
      %mul3A_404 = arith.mulf %get3A_152, %mul3A_325 : vector<16xf32>
      %swap3A_405 = arith.index_cast %scan3A_92 : i32 to index
      %swap3A_406 = arith.constant 96 : index
      %swap3A_407 = tpu.vector_load %arg10[%swap3A_405, %swap3A_406] {strides = array<i32>} : memref<128x128xf32, #tpu.memory_space<vmem>>, vector<1x16xf32>,
      %swap3A_408 = vector.shape_cast %swap3A_407 : vector<1x16xf32> to vector<16xf32>
      %swap3A_409 = vector.shape_cast %mul3A_404 : vector<16xf32> to vector<1x16xf32>
      tpu.vector_store %arg10[%swap3A_405, %swap3A_406], %swap3A_409 {strides = array<i32>} : memref<128x128xf32, #tpu.memory_space<vmem>>, vector<1x16xf32>,
      %mul3A_410 = arith.mulf %get3A_124, %mul3A_264 : vector<16xf32>
      %swap3A_411 = arith.index_cast %scan3A_92 : i32 to index
      %swap3A_412 = arith.constant 112 : index
      %swap3A_413 = tpu.vector_load %arg9[%swap3A_411, %swap3A_412] {strides = array<i32>} : memref<128x128xf32, #tpu.memory_space<vmem>>, vector<1x16xf32>,
      %swap3A_414 = vector.shape_cast %swap3A_413 : vector<1x16xf32> to vector<16xf32>
      %swap3A_415 = vector.shape_cast %mul3A_410 : vector<16xf32> to vector<1x16xf32>
      tpu.vector_store %arg9[%swap3A_411, %swap3A_412], %swap3A_415 {strides = array<i32>} : memref<128x128xf32, #tpu.memory_space<vmem>>, vector<1x16xf32>,
      %mul3A_416 = arith.mulf %get3A_156, %mul3A_325 : vector<16xf32>
      %swap3A_417 = arith.index_cast %scan3A_92 : i32 to index
      %swap3A_418 = arith.constant 112 : index
      %swap3A_419 = tpu.vector_load %arg10[%swap3A_417, %swap3A_418] {strides = array<i32>} : memref<128x128xf32, #tpu.memory_space<vmem>>, vector<1x16xf32>,
      %swap3A_420 = vector.shape_cast %swap3A_419 : vector<1x16xf32> to vector<16xf32>
      %swap3A_421 = vector.shape_cast %mul3A_416 : vector<16xf32> to vector<1x16xf32>
      tpu.vector_store %arg10[%swap3A_417, %swap3A_418], %swap3A_421 {strides = array<i32>} : memref<128x128xf32, #tpu.memory_space<vmem>>, vector<1x16xf32>,
      scf.yield %add3A_209 : vector<16xf32>
    }
    %scan3A_22 = arith.constant 128 : i32
    "tpu.region"() ({
      %run_scoped3A = tpu.sem_alloc : memref<!tpu.dma_semaphore, #tpu.memory_space<semaphore_mem>>
      %dma_start3A_92 = arith.constant 0 : i32
      %dma_start3A_93 = tpu.memref_slice %arg6[%add3A_5, %dma_start3A_92] : memref<16384x128xf32, #tpu.memory_space<hbm>> -> memref<128x128xf32, #tpu.memory_space<hbm>>
      %dma_start3A_94 = arith.constant 0 : i32
      %dma_start3A_95 = tpu.memref_slice %arg6[%add3A_5, %dma_start3A_94] : memref<16384x128xf32, #tpu.memory_space<hbm>> -> memref<128x128xf32, #tpu.memory_space<hbm>>
      tpu.enqueue_dma source(%arg9 : memref<128x128xf32, #tpu.memory_space<vmem>>) target(%dma_start3A_95 : memref<128x128xf32, #tpu.memory_space<hbm>>) target_semaphore(%run_scoped3A : memref<!tpu.dma_semaphore, #tpu.memory_space<semaphore_mem>>)
      %dma_wait3A_96 = arith.constant 0 : i32
      %dma_wait3A_97 = tpu.memref_slice %arg6[%add3A_5, %dma_wait3A_96] : memref<16384x128xf32, #tpu.memory_space<hbm>> -> memref<128x128xf32, #tpu.memory_space<hbm>>
      %dma_wait3A_98 = arith.constant 0 : i32
      %dma_wait3A_99 = tpu.memref_slice %arg6[%add3A_5, %dma_wait3A_98] : memref<16384x128xf32, #tpu.memory_space<hbm>> -> memref<128x128xf32, #tpu.memory_space<hbm>>
      tpu.wait_dma2 semaphore(%run_scoped3A : memref<!tpu.dma_semaphore, #tpu.memory_space<semaphore_mem>>) src(%arg9 : memref<128x128xf32, #tpu.memory_space<vmem>>) dst(%dma_wait3A_99 : memref<128x128xf32, #tpu.memory_space<hbm>>)
      tpu.yield
    }) : () -> ()
    "tpu.region"() ({
      %run_scoped3A = tpu.sem_alloc : memref<!tpu.dma_semaphore, #tpu.memory_space<semaphore_mem>>
      %dma_start3A_92 = arith.constant 0 : i32
      %dma_start3A_93 = tpu.memref_slice %arg7[%add3A_5, %dma_start3A_92] : memref<16384x128xf32, #tpu.memory_space<hbm>> -> memref<128x128xf32, #tpu.memory_space<hbm>>
      %dma_start3A_94 = arith.constant 0 : i32
      %dma_start3A_95 = tpu.memref_slice %arg7[%add3A_5, %dma_start3A_94] : memref<16384x128xf32, #tpu.memory_space<hbm>> -> memref<128x128xf32, #tpu.memory_space<hbm>>
      tpu.enqueue_dma source(%arg10 : memref<128x128xf32, #tpu.memory_space<vmem>>) target(%dma_start3A_95 : memref<128x128xf32, #tpu.memory_space<hbm>>) target_semaphore(%run_scoped3A : memref<!tpu.dma_semaphore, #tpu.memory_space<semaphore_mem>>)
      %dma_wait3A_96 = arith.constant 0 : i32
      %dma_wait3A_97 = tpu.memref_slice %arg7[%add3A_5, %dma_wait3A_96] : memref<16384x128xf32, #tpu.memory_space<hbm>> -> memref<128x128xf32, #tpu.memory_space<hbm>>
      %dma_wait3A_98 = arith.constant 0 : i32
      %dma_wait3A_99 = tpu.memref_slice %arg7[%add3A_5, %dma_wait3A_98] : memref<16384x128xf32, #tpu.memory_space<hbm>> -> memref<128x128xf32, #tpu.memory_space<hbm>>
      tpu.wait_dma2 semaphore(%run_scoped3A : memref<!tpu.dma_semaphore, #tpu.memory_space<semaphore_mem>>) src(%arg10 : memref<128x128xf32, #tpu.memory_space<vmem>>) dst(%dma_wait3A_99 : memref<128x128xf32, #tpu.memory_space<hbm>>)
      tpu.yield
    }) : () -> ()
    %add3A_23 = arith.constant 128 : i32
    %add3A_24 = arith.addi %mul3A_2, %add3A_23 : i32
    %dma_start3A_25 = arith.constant 1 : i32
    %dma_start3A_26 = arith.constant 0 : i32
    %dma_start3A_27 = tpu.memref_slice %arg8[%dma_start3A_25, %dma_start3A_26] : memref<4x128xi32, #tpu.memory_space<vmem>> -> memref<1x128xi32, #tpu.memory_space<vmem>>
    %dma_start3A_28 = tpu.memref_squeeze %dma_start3A_27 : memref<1x128xi32, #tpu.memory_space<vmem>> -> memref<128xi32, #tpu.memory_space<vmem>>
    %dma_start3A_29 = arith.constant 0 : i32
    %dma_start3A_30 = arith.constant 0 : i32
    %dma_start3A_31 = tpu.memref_slice %arg4[%dma_start3A_29, %dma_start3A_30] : memref<100000x128xf32, #tpu.memory_space<hbm>> -> memref<100000x128xf32, #tpu.memory_space<hbm>>
    tpu.enqueue_indirect_dma source(%dma_start3A_31 : memref<100000x128xf32, #tpu.memory_space<hbm>>) target(%arg10 : memref<128x128xf32, #tpu.memory_space<vmem>>) offsets(%dma_start3A_28 : memref<128xi32, #tpu.memory_space<vmem>>) semaphore(%arg12 : memref<!tpu.dma_semaphore, #tpu.memory_space<semaphore_mem>>)
    %dma_wait3A_32 = arith.constant 1 : i32
    %dma_wait3A_33 = arith.constant 0 : i32
    %dma_wait3A_34 = tpu.memref_slice %arg8[%dma_wait3A_32, %dma_wait3A_33] : memref<4x128xi32, #tpu.memory_space<vmem>> -> memref<1x128xi32, #tpu.memory_space<vmem>>
    %dma_wait3A_35 = tpu.memref_squeeze %dma_wait3A_34 : memref<1x128xi32, #tpu.memory_space<vmem>> -> memref<128xi32, #tpu.memory_space<vmem>>
    %dma_wait3A_36 = arith.constant 0 : i32
    %dma_wait3A_37 = arith.constant 0 : i32
    %dma_wait3A_38 = tpu.memref_slice %arg4[%dma_wait3A_36, %dma_wait3A_37] : memref<100000x128xf32, #tpu.memory_space<hbm>> -> memref<100000x128xf32, #tpu.memory_space<hbm>>
    tpu.wait_indirect_dma semaphore(%arg12 : memref<!tpu.dma_semaphore, #tpu.memory_space<semaphore_mem>>) src(%dma_wait3A_38 : memref<100000x128xf32, #tpu.memory_space<hbm>>) dst(%arg10 : memref<128x128xf32, #tpu.memory_space<vmem>>)
    "tpu.region"() ({
      %run_scoped3A = tpu.sem_alloc : memref<!tpu.dma_semaphore, #tpu.memory_space<semaphore_mem>>
      %dma_start3A_92 = arith.constant 0 : i32
      %dma_start3A_93 = tpu.memref_slice %arg2[%add3A_24, %dma_start3A_92] : memref<16384x128xf32, #tpu.memory_space<hbm>> -> memref<128x128xf32, #tpu.memory_space<hbm>>
      %dma_start3A_94 = arith.constant 0 : i32
      %dma_start3A_95 = tpu.memref_slice %arg2[%add3A_24, %dma_start3A_94] : memref<16384x128xf32, #tpu.memory_space<hbm>> -> memref<128x128xf32, #tpu.memory_space<hbm>>
      tpu.enqueue_dma source(%dma_start3A_95 : memref<128x128xf32, #tpu.memory_space<hbm>>) target(%arg9 : memref<128x128xf32, #tpu.memory_space<vmem>>) target_semaphore(%run_scoped3A : memref<!tpu.dma_semaphore, #tpu.memory_space<semaphore_mem>>)
      %dma_wait3A_96 = arith.constant 0 : i32
      %dma_wait3A_97 = tpu.memref_slice %arg2[%add3A_24, %dma_wait3A_96] : memref<16384x128xf32, #tpu.memory_space<hbm>> -> memref<128x128xf32, #tpu.memory_space<hbm>>
      %dma_wait3A_98 = arith.constant 0 : i32
      %dma_wait3A_99 = tpu.memref_slice %arg2[%add3A_24, %dma_wait3A_98] : memref<16384x128xf32, #tpu.memory_space<hbm>> -> memref<128x128xf32, #tpu.memory_space<hbm>>
      tpu.wait_dma2 semaphore(%run_scoped3A : memref<!tpu.dma_semaphore, #tpu.memory_space<semaphore_mem>>) src(%dma_wait3A_99 : memref<128x128xf32, #tpu.memory_space<hbm>>) dst(%arg9 : memref<128x128xf32, #tpu.memory_space<vmem>>)
      tpu.yield
    }) : () -> ()
    %scan3A_39 = arith.constant 0 : i32
    %scan3A_40 = arith.constant 128 : i32
    %scan3A_41 = arith.addi %scan3A_39, %scan3A_40 : i32
    %scan3A_42 = arith.constant 1 : i32
    %scan3A_43 = scf.for %scan3A_92 = %scan3A_39 to %scan3A_41 step %scan3A_42 iter_args(%scan3A_93 = %scan3A_21) -> (vector<16xf32>)  : i32 {
      %get3A = arith.index_cast %scan3A_92 : i32 to index
      %get3A_94 = arith.constant 0 : index
      %get3A_95 = tpu.vector_load %arg9[%get3A, %get3A_94] {strides = array<i32>} : memref<128x128xf32, #tpu.memory_space<vmem>>, vector<1x16xf32>,
      %get3A_96 = vector.shape_cast %get3A_95 : vector<1x16xf32> to vector<16xf32>
      %get3A_97 = arith.index_cast %scan3A_92 : i32 to index
      %get3A_98 = arith.constant 16 : index
      %get3A_99 = tpu.vector_load %arg9[%get3A_97, %get3A_98] {strides = array<i32>} : memref<128x128xf32, #tpu.memory_space<vmem>>, vector<1x16xf32>,
      %get3A_100 = vector.shape_cast %get3A_99 : vector<1x16xf32> to vector<16xf32>
      %get3A_101 = arith.index_cast %scan3A_92 : i32 to index
      %get3A_102 = arith.constant 32 : index
      %get3A_103 = tpu.vector_load %arg9[%get3A_101, %get3A_102] {strides = array<i32>} : memref<128x128xf32, #tpu.memory_space<vmem>>, vector<1x16xf32>,
      %get3A_104 = vector.shape_cast %get3A_103 : vector<1x16xf32> to vector<16xf32>
      %get3A_105 = arith.index_cast %scan3A_92 : i32 to index
      %get3A_106 = arith.constant 48 : index
      %get3A_107 = tpu.vector_load %arg9[%get3A_105, %get3A_106] {strides = array<i32>} : memref<128x128xf32, #tpu.memory_space<vmem>>, vector<1x16xf32>,
      %get3A_108 = vector.shape_cast %get3A_107 : vector<1x16xf32> to vector<16xf32>
      %get3A_109 = arith.index_cast %scan3A_92 : i32 to index
      %get3A_110 = arith.constant 64 : index
      %get3A_111 = tpu.vector_load %arg9[%get3A_109, %get3A_110] {strides = array<i32>} : memref<128x128xf32, #tpu.memory_space<vmem>>, vector<1x16xf32>,
      %get3A_112 = vector.shape_cast %get3A_111 : vector<1x16xf32> to vector<16xf32>
      %get3A_113 = arith.index_cast %scan3A_92 : i32 to index
      %get3A_114 = arith.constant 80 : index
      %get3A_115 = tpu.vector_load %arg9[%get3A_113, %get3A_114] {strides = array<i32>} : memref<128x128xf32, #tpu.memory_space<vmem>>, vector<1x16xf32>,
      %get3A_116 = vector.shape_cast %get3A_115 : vector<1x16xf32> to vector<16xf32>
      %get3A_117 = arith.index_cast %scan3A_92 : i32 to index
      %get3A_118 = arith.constant 96 : index
      %get3A_119 = tpu.vector_load %arg9[%get3A_117, %get3A_118] {strides = array<i32>} : memref<128x128xf32, #tpu.memory_space<vmem>>, vector<1x16xf32>,
      %get3A_120 = vector.shape_cast %get3A_119 : vector<1x16xf32> to vector<16xf32>
      %get3A_121 = arith.index_cast %scan3A_92 : i32 to index
      %get3A_122 = arith.constant 112 : index
      %get3A_123 = tpu.vector_load %arg9[%get3A_121, %get3A_122] {strides = array<i32>} : memref<128x128xf32, #tpu.memory_space<vmem>>, vector<1x16xf32>,
      %get3A_124 = vector.shape_cast %get3A_123 : vector<1x16xf32> to vector<16xf32>
      %get3A_125 = arith.index_cast %scan3A_92 : i32 to index
      %get3A_126 = arith.constant 0 : index
      %get3A_127 = tpu.vector_load %arg10[%get3A_125, %get3A_126] {strides = array<i32>} : memref<128x128xf32, #tpu.memory_space<vmem>>, vector<1x16xf32>,
      %get3A_128 = vector.shape_cast %get3A_127 : vector<1x16xf32> to vector<16xf32>
      %get3A_129 = arith.index_cast %scan3A_92 : i32 to index
      %get3A_130 = arith.constant 16 : index
      %get3A_131 = tpu.vector_load %arg10[%get3A_129, %get3A_130] {strides = array<i32>} : memref<128x128xf32, #tpu.memory_space<vmem>>, vector<1x16xf32>,
      %get3A_132 = vector.shape_cast %get3A_131 : vector<1x16xf32> to vector<16xf32>
      %get3A_133 = arith.index_cast %scan3A_92 : i32 to index
      %get3A_134 = arith.constant 32 : index
      %get3A_135 = tpu.vector_load %arg10[%get3A_133, %get3A_134] {strides = array<i32>} : memref<128x128xf32, #tpu.memory_space<vmem>>, vector<1x16xf32>,
      %get3A_136 = vector.shape_cast %get3A_135 : vector<1x16xf32> to vector<16xf32>
      %get3A_137 = arith.index_cast %scan3A_92 : i32 to index
      %get3A_138 = arith.constant 48 : index
      %get3A_139 = tpu.vector_load %arg10[%get3A_137, %get3A_138] {strides = array<i32>} : memref<128x128xf32, #tpu.memory_space<vmem>>, vector<1x16xf32>,
      %get3A_140 = vector.shape_cast %get3A_139 : vector<1x16xf32> to vector<16xf32>
      %get3A_141 = arith.index_cast %scan3A_92 : i32 to index
      %get3A_142 = arith.constant 64 : index
      %get3A_143 = tpu.vector_load %arg10[%get3A_141, %get3A_142] {strides = array<i32>} : memref<128x128xf32, #tpu.memory_space<vmem>>, vector<1x16xf32>,
      %get3A_144 = vector.shape_cast %get3A_143 : vector<1x16xf32> to vector<16xf32>
      %get3A_145 = arith.index_cast %scan3A_92 : i32 to index
      %get3A_146 = arith.constant 80 : index
      %get3A_147 = tpu.vector_load %arg10[%get3A_145, %get3A_146] {strides = array<i32>} : memref<128x128xf32, #tpu.memory_space<vmem>>, vector<1x16xf32>,
      %get3A_148 = vector.shape_cast %get3A_147 : vector<1x16xf32> to vector<16xf32>
      %get3A_149 = arith.index_cast %scan3A_92 : i32 to index
      %get3A_150 = arith.constant 96 : index
      %get3A_151 = tpu.vector_load %arg10[%get3A_149, %get3A_150] {strides = array<i32>} : memref<128x128xf32, #tpu.memory_space<vmem>>, vector<1x16xf32>,
      %get3A_152 = vector.shape_cast %get3A_151 : vector<1x16xf32> to vector<16xf32>
      %get3A_153 = arith.index_cast %scan3A_92 : i32 to index
      %get3A_154 = arith.constant 112 : index
      %get3A_155 = tpu.vector_load %arg10[%get3A_153, %get3A_154] {strides = array<i32>} : memref<128x128xf32, #tpu.memory_space<vmem>>, vector<1x16xf32>,
      %get3A_156 = vector.shape_cast %get3A_155 : vector<1x16xf32> to vector<16xf32>
      %mul3A_157 = arith.mulf %get3A_96, %get3A_96 : vector<16xf32>
      %mul3A_158 = arith.mulf %get3A_128, %get3A_128 : vector<16xf32>
      %mul3A_159 = arith.mulf %get3A_100, %get3A_100 : vector<16xf32>
      %add3A_160 = arith.addf %mul3A_157, %mul3A_159 : vector<16xf32>
      %mul3A_161 = arith.mulf %get3A_132, %get3A_132 : vector<16xf32>
      %add3A_162 = arith.addf %mul3A_158, %mul3A_161 : vector<16xf32>
      %mul3A_163 = arith.mulf %get3A_104, %get3A_104 : vector<16xf32>
      %add3A_164 = arith.addf %add3A_160, %mul3A_163 : vector<16xf32>
      %mul3A_165 = arith.mulf %get3A_136, %get3A_136 : vector<16xf32>
      %add3A_166 = arith.addf %add3A_162, %mul3A_165 : vector<16xf32>
      %mul3A_167 = arith.mulf %get3A_108, %get3A_108 : vector<16xf32>
      %add3A_168 = arith.addf %add3A_164, %mul3A_167 : vector<16xf32>
      %mul3A_169 = arith.mulf %get3A_140, %get3A_140 : vector<16xf32>
      %add3A_170 = arith.addf %add3A_166, %mul3A_169 : vector<16xf32>
      %mul3A_171 = arith.mulf %get3A_112, %get3A_112 : vector<16xf32>
      %add3A_172 = arith.addf %add3A_168, %mul3A_171 : vector<16xf32>
      %mul3A_173 = arith.mulf %get3A_144, %get3A_144 : vector<16xf32>
      %add3A_174 = arith.addf %add3A_170, %mul3A_173 : vector<16xf32>
      %mul3A_175 = arith.mulf %get3A_116, %get3A_116 : vector<16xf32>
      %add3A_176 = arith.addf %add3A_172, %mul3A_175 : vector<16xf32>
      %mul3A_177 = arith.mulf %get3A_148, %get3A_148 : vector<16xf32>
      %add3A_178 = arith.addf %add3A_174, %mul3A_177 : vector<16xf32>
      %mul3A_179 = arith.mulf %get3A_120, %get3A_120 : vector<16xf32>
      %add3A_180 = arith.addf %add3A_176, %mul3A_179 : vector<16xf32>
      %mul3A_181 = arith.mulf %get3A_152, %get3A_152 : vector<16xf32>
      %add3A_182 = arith.addf %add3A_178, %mul3A_181 : vector<16xf32>
      %mul3A_183 = arith.mulf %get3A_124, %get3A_124 : vector<16xf32>
      %add3A_184 = arith.addf %add3A_180, %mul3A_183 : vector<16xf32>
      %mul3A_185 = arith.mulf %get3A_156, %get3A_156 : vector<16xf32>
      %add3A_186 = arith.addf %add3A_182, %mul3A_185 : vector<16xf32>
      %sub3A = arith.subf %get3A_128, %get3A_96 : vector<16xf32>
      %mul3A_187 = arith.mulf %sub3A, %sub3A : vector<16xf32>
      %add3A_188 = arith.addf %scan3A_93, %mul3A_187 : vector<16xf32>
      %sub3A_189 = arith.subf %get3A_132, %get3A_100 : vector<16xf32>
      %mul3A_190 = arith.mulf %sub3A_189, %sub3A_189 : vector<16xf32>
      %add3A_191 = arith.addf %add3A_188, %mul3A_190 : vector<16xf32>
      %sub3A_192 = arith.subf %get3A_136, %get3A_104 : vector<16xf32>
      %mul3A_193 = arith.mulf %sub3A_192, %sub3A_192 : vector<16xf32>
      %add3A_194 = arith.addf %add3A_191, %mul3A_193 : vector<16xf32>
      %sub3A_195 = arith.subf %get3A_140, %get3A_108 : vector<16xf32>
      %mul3A_196 = arith.mulf %sub3A_195, %sub3A_195 : vector<16xf32>
      %add3A_197 = arith.addf %add3A_194, %mul3A_196 : vector<16xf32>
      %sub3A_198 = arith.subf %get3A_144, %get3A_112 : vector<16xf32>
      %mul3A_199 = arith.mulf %sub3A_198, %sub3A_198 : vector<16xf32>
      %add3A_200 = arith.addf %add3A_197, %mul3A_199 : vector<16xf32>
      %sub3A_201 = arith.subf %get3A_148, %get3A_116 : vector<16xf32>
      %mul3A_202 = arith.mulf %sub3A_201, %sub3A_201 : vector<16xf32>
      %add3A_203 = arith.addf %add3A_200, %mul3A_202 : vector<16xf32>
      %sub3A_204 = arith.subf %get3A_152, %get3A_120 : vector<16xf32>
      %mul3A_205 = arith.mulf %sub3A_204, %sub3A_204 : vector<16xf32>
      %add3A_206 = arith.addf %add3A_203, %mul3A_205 : vector<16xf32>
      %sub3A_207 = arith.subf %get3A_156, %get3A_124 : vector<16xf32>
      %mul3A_208 = arith.mulf %sub3A_207, %sub3A_207 : vector<16xf32>
      %add3A_209 = arith.addf %add3A_206, %mul3A_208 : vector<16xf32>
      %iota3A = tpu.iota {dimensions = array<i32: 0>} : vector<16xi32>
      %xor3A = arith.constant 8 : i32
      %xor3A_210 = vector.broadcast %xor3A : i32 to vector<16xi32>
      %xor3A_211 = arith.xori %iota3A, %xor3A_210 : vector<16xi32>
      %broadcast_in_dim3A_212 = vector.shape_cast %xor3A_211 : vector<16xi32> to vector<16x1xi32>
      %gather3A = vector.shape_cast %broadcast_in_dim3A_212 : vector<16x1xi32> to vector<16xi32>
      %gather3A_213 = tpu.dynamic_gather %add3A_184[%gather3A] in [0] : vector<16xf32>, vector<16xi32> -> vector<16xf32>
      %add3A_214 = arith.addf %add3A_184, %gather3A_213 : vector<16xf32>
      %xor3A_215 = arith.constant 4 : i32
      %xor3A_216 = vector.broadcast %xor3A_215 : i32 to vector<16xi32>
      %xor3A_217 = arith.xori %iota3A, %xor3A_216 : vector<16xi32>
      %broadcast_in_dim3A_218 = vector.shape_cast %xor3A_217 : vector<16xi32> to vector<16x1xi32>
      %gather3A_219 = vector.shape_cast %broadcast_in_dim3A_218 : vector<16x1xi32> to vector<16xi32>
      %gather3A_220 = tpu.dynamic_gather %add3A_214[%gather3A_219] in [0] : vector<16xf32>, vector<16xi32> -> vector<16xf32>
      %add3A_221 = arith.addf %add3A_214, %gather3A_220 : vector<16xf32>
      %xor3A_222 = arith.constant 2 : i32
      %xor3A_223 = vector.broadcast %xor3A_222 : i32 to vector<16xi32>
      %xor3A_224 = arith.xori %iota3A, %xor3A_223 : vector<16xi32>
      %broadcast_in_dim3A_225 = vector.shape_cast %xor3A_224 : vector<16xi32> to vector<16x1xi32>
      %gather3A_226 = vector.shape_cast %broadcast_in_dim3A_225 : vector<16x1xi32> to vector<16xi32>
      %gather3A_227 = tpu.dynamic_gather %add3A_221[%gather3A_226] in [0] : vector<16xf32>, vector<16xi32> -> vector<16xf32>
      %add3A_228 = arith.addf %add3A_221, %gather3A_227 : vector<16xf32>
      %xor3A_229 = arith.constant 1 : i32
      %xor3A_230 = vector.broadcast %xor3A_229 : i32 to vector<16xi32>
      %xor3A_231 = arith.xori %iota3A, %xor3A_230 : vector<16xi32>
      %broadcast_in_dim3A_232 = vector.shape_cast %xor3A_231 : vector<16xi32> to vector<16x1xi32>
      %gather3A_233 = vector.shape_cast %broadcast_in_dim3A_232 : vector<16x1xi32> to vector<16xi32>
      %gather3A_234 = tpu.dynamic_gather %add3A_228[%gather3A_233] in [0] : vector<16xf32>, vector<16xi32> -> vector<16xf32>
      %add3A_235 = arith.addf %add3A_228, %gather3A_234 : vector<16xf32>
      %max3A = arith.constant 1.000000e-24 : f32
      %max3A_236 = vector.broadcast %max3A : f32 to vector<16xf32>
      %max3A_237 = arith.maximumf %add3A_235, %max3A_236 : vector<16xf32>
      %bitcast_convert_type3A = tpu.bitcast %max3A_237 : vector<16xf32> -> vector<16xi32>
      %shift_right_arithmetic3A = arith.constant 1 : i32
      %shift_right_arithmetic3A_238 = vector.broadcast %shift_right_arithmetic3A : i32 to vector<16xi32>
      %shift_right_arithmetic3A_239 = arith.shrsi %bitcast_convert_type3A, %shift_right_arithmetic3A_238 : vector<16xi32>
      %sub3A_240 = arith.constant 1597463007 : i32
      %sub3A_241 = vector.broadcast %sub3A_240 : i32 to vector<16xi32>
      %sub3A_242 = arith.subi %sub3A_241, %shift_right_arithmetic3A_239 : vector<16xi32>
      %bitcast_convert_type3A_243 = tpu.bitcast %sub3A_242 : vector<16xi32> -> vector<16xf32>
      %mul3A_244 = arith.constant 5.000000e-01 : f32
      %mul3A_245 = vector.broadcast %mul3A_244 : f32 to vector<16xf32>
      %mul3A_246 = arith.mulf %max3A_237, %mul3A_245 : vector<16xf32>
      %mul3A_247 = arith.mulf %mul3A_246, %bitcast_convert_type3A_243 : vector<16xf32>
      %mul3A_248 = arith.mulf %mul3A_247, %bitcast_convert_type3A_243 : vector<16xf32>
      %sub3A_249 = arith.constant 1.500000e+00 : f32
      %sub3A_250 = vector.broadcast %sub3A_249 : f32 to vector<16xf32>
      %sub3A_251 = arith.subf %sub3A_250, %mul3A_248 : vector<16xf32>
      %mul3A_252 = arith.mulf %bitcast_convert_type3A_243, %sub3A_251 : vector<16xf32>
      %mul3A_253 = arith.mulf %mul3A_246, %mul3A_252 : vector<16xf32>
      %mul3A_254 = arith.mulf %mul3A_253, %mul3A_252 : vector<16xf32>
      %sub3A_255 = arith.constant 1.500000e+00 : f32
      %sub3A_256 = vector.broadcast %sub3A_255 : f32 to vector<16xf32>
      %sub3A_257 = arith.subf %sub3A_256, %mul3A_254 : vector<16xf32>
      %mul3A_258 = arith.mulf %mul3A_252, %sub3A_257 : vector<16xf32>
      %mul3A_259 = arith.mulf %mul3A_246, %mul3A_258 : vector<16xf32>
      %mul3A_260 = arith.mulf %mul3A_259, %mul3A_258 : vector<16xf32>
      %sub3A_261 = arith.constant 1.500000e+00 : f32
      %sub3A_262 = vector.broadcast %sub3A_261 : f32 to vector<16xf32>
      %sub3A_263 = arith.subf %sub3A_262, %mul3A_260 : vector<16xf32>
      %mul3A_264 = arith.mulf %mul3A_258, %sub3A_263 : vector<16xf32>
      %iota3A_265 = tpu.iota {dimensions = array<i32: 0>} : vector<16xi32>
      %xor3A_266 = arith.constant 8 : i32
      %xor3A_267 = vector.broadcast %xor3A_266 : i32 to vector<16xi32>
      %xor3A_268 = arith.xori %iota3A_265, %xor3A_267 : vector<16xi32>
      %broadcast_in_dim3A_269 = vector.shape_cast %xor3A_268 : vector<16xi32> to vector<16x1xi32>
      %gather3A_270 = vector.shape_cast %broadcast_in_dim3A_269 : vector<16x1xi32> to vector<16xi32>
      %gather3A_271 = tpu.dynamic_gather %add3A_186[%gather3A_270] in [0] : vector<16xf32>, vector<16xi32> -> vector<16xf32>
      %add3A_272 = arith.addf %add3A_186, %gather3A_271 : vector<16xf32>
      %xor3A_273 = arith.constant 4 : i32
      %xor3A_274 = vector.broadcast %xor3A_273 : i32 to vector<16xi32>
      %xor3A_275 = arith.xori %iota3A_265, %xor3A_274 : vector<16xi32>
      %broadcast_in_dim3A_276 = vector.shape_cast %xor3A_275 : vector<16xi32> to vector<16x1xi32>
      %gather3A_277 = vector.shape_cast %broadcast_in_dim3A_276 : vector<16x1xi32> to vector<16xi32>
      %gather3A_278 = tpu.dynamic_gather %add3A_272[%gather3A_277] in [0] : vector<16xf32>, vector<16xi32> -> vector<16xf32>
      %add3A_279 = arith.addf %add3A_272, %gather3A_278 : vector<16xf32>
      %xor3A_280 = arith.constant 2 : i32
      %xor3A_281 = vector.broadcast %xor3A_280 : i32 to vector<16xi32>
      %xor3A_282 = arith.xori %iota3A_265, %xor3A_281 : vector<16xi32>
      %broadcast_in_dim3A_283 = vector.shape_cast %xor3A_282 : vector<16xi32> to vector<16x1xi32>
      %gather3A_284 = vector.shape_cast %broadcast_in_dim3A_283 : vector<16x1xi32> to vector<16xi32>
      %gather3A_285 = tpu.dynamic_gather %add3A_279[%gather3A_284] in [0] : vector<16xf32>, vector<16xi32> -> vector<16xf32>
      %add3A_286 = arith.addf %add3A_279, %gather3A_285 : vector<16xf32>
      %xor3A_287 = arith.constant 1 : i32
      %xor3A_288 = vector.broadcast %xor3A_287 : i32 to vector<16xi32>
      %xor3A_289 = arith.xori %iota3A_265, %xor3A_288 : vector<16xi32>
      %broadcast_in_dim3A_290 = vector.shape_cast %xor3A_289 : vector<16xi32> to vector<16x1xi32>
      %gather3A_291 = vector.shape_cast %broadcast_in_dim3A_290 : vector<16x1xi32> to vector<16xi32>
      %gather3A_292 = tpu.dynamic_gather %add3A_286[%gather3A_291] in [0] : vector<16xf32>, vector<16xi32> -> vector<16xf32>
      %add3A_293 = arith.addf %add3A_286, %gather3A_292 : vector<16xf32>
      %max3A_294 = arith.constant 1.000000e-24 : f32
      %max3A_295 = vector.broadcast %max3A_294 : f32 to vector<16xf32>
      %max3A_296 = arith.maximumf %add3A_293, %max3A_295 : vector<16xf32>
      %bitcast_convert_type3A_297 = tpu.bitcast %max3A_296 : vector<16xf32> -> vector<16xi32>
      %shift_right_arithmetic3A_298 = arith.constant 1 : i32
      %shift_right_arithmetic3A_299 = vector.broadcast %shift_right_arithmetic3A_298 : i32 to vector<16xi32>
      %shift_right_arithmetic3A_300 = arith.shrsi %bitcast_convert_type3A_297, %shift_right_arithmetic3A_299 : vector<16xi32>
      %sub3A_301 = arith.constant 1597463007 : i32
      %sub3A_302 = vector.broadcast %sub3A_301 : i32 to vector<16xi32>
      %sub3A_303 = arith.subi %sub3A_302, %shift_right_arithmetic3A_300 : vector<16xi32>
      %bitcast_convert_type3A_304 = tpu.bitcast %sub3A_303 : vector<16xi32> -> vector<16xf32>
      %mul3A_305 = arith.constant 5.000000e-01 : f32
      %mul3A_306 = vector.broadcast %mul3A_305 : f32 to vector<16xf32>
      %mul3A_307 = arith.mulf %max3A_296, %mul3A_306 : vector<16xf32>
      %mul3A_308 = arith.mulf %mul3A_307, %bitcast_convert_type3A_304 : vector<16xf32>
      %mul3A_309 = arith.mulf %mul3A_308, %bitcast_convert_type3A_304 : vector<16xf32>
      %sub3A_310 = arith.constant 1.500000e+00 : f32
      %sub3A_311 = vector.broadcast %sub3A_310 : f32 to vector<16xf32>
      %sub3A_312 = arith.subf %sub3A_311, %mul3A_309 : vector<16xf32>
      %mul3A_313 = arith.mulf %bitcast_convert_type3A_304, %sub3A_312 : vector<16xf32>
      %mul3A_314 = arith.mulf %mul3A_307, %mul3A_313 : vector<16xf32>
      %mul3A_315 = arith.mulf %mul3A_314, %mul3A_313 : vector<16xf32>
      %sub3A_316 = arith.constant 1.500000e+00 : f32
      %sub3A_317 = vector.broadcast %sub3A_316 : f32 to vector<16xf32>
      %sub3A_318 = arith.subf %sub3A_317, %mul3A_315 : vector<16xf32>
      %mul3A_319 = arith.mulf %mul3A_313, %sub3A_318 : vector<16xf32>
      %mul3A_320 = arith.mulf %mul3A_307, %mul3A_319 : vector<16xf32>
      %mul3A_321 = arith.mulf %mul3A_320, %mul3A_319 : vector<16xf32>
      %sub3A_322 = arith.constant 1.500000e+00 : f32
      %sub3A_323 = vector.broadcast %sub3A_322 : f32 to vector<16xf32>
      %sub3A_324 = arith.subf %sub3A_323, %mul3A_321 : vector<16xf32>
      %mul3A_325 = arith.mulf %mul3A_319, %sub3A_324 : vector<16xf32>
      %mul3A_326 = arith.mulf %get3A_96, %mul3A_264 : vector<16xf32>
      %swap3A_327 = arith.index_cast %scan3A_92 : i32 to index
      %swap3A_328 = arith.constant 0 : index
      %swap3A_329 = tpu.vector_load %arg9[%swap3A_327, %swap3A_328] {strides = array<i32>} : memref<128x128xf32, #tpu.memory_space<vmem>>, vector<1x16xf32>,
      %swap3A_330 = vector.shape_cast %swap3A_329 : vector<1x16xf32> to vector<16xf32>
      %swap3A_331 = vector.shape_cast %mul3A_326 : vector<16xf32> to vector<1x16xf32>
      tpu.vector_store %arg9[%swap3A_327, %swap3A_328], %swap3A_331 {strides = array<i32>} : memref<128x128xf32, #tpu.memory_space<vmem>>, vector<1x16xf32>,
      %mul3A_332 = arith.mulf %get3A_128, %mul3A_325 : vector<16xf32>
      %swap3A_333 = arith.index_cast %scan3A_92 : i32 to index
      %swap3A_334 = arith.constant 0 : index
      %swap3A_335 = tpu.vector_load %arg10[%swap3A_333, %swap3A_334] {strides = array<i32>} : memref<128x128xf32, #tpu.memory_space<vmem>>, vector<1x16xf32>,
      %swap3A_336 = vector.shape_cast %swap3A_335 : vector<1x16xf32> to vector<16xf32>
      %swap3A_337 = vector.shape_cast %mul3A_332 : vector<16xf32> to vector<1x16xf32>
      tpu.vector_store %arg10[%swap3A_333, %swap3A_334], %swap3A_337 {strides = array<i32>} : memref<128x128xf32, #tpu.memory_space<vmem>>, vector<1x16xf32>,
      %mul3A_338 = arith.mulf %get3A_100, %mul3A_264 : vector<16xf32>
      %swap3A_339 = arith.index_cast %scan3A_92 : i32 to index
      %swap3A_340 = arith.constant 16 : index
      %swap3A_341 = tpu.vector_load %arg9[%swap3A_339, %swap3A_340] {strides = array<i32>} : memref<128x128xf32, #tpu.memory_space<vmem>>, vector<1x16xf32>,
      %swap3A_342 = vector.shape_cast %swap3A_341 : vector<1x16xf32> to vector<16xf32>
      %swap3A_343 = vector.shape_cast %mul3A_338 : vector<16xf32> to vector<1x16xf32>
      tpu.vector_store %arg9[%swap3A_339, %swap3A_340], %swap3A_343 {strides = array<i32>} : memref<128x128xf32, #tpu.memory_space<vmem>>, vector<1x16xf32>,
      %mul3A_344 = arith.mulf %get3A_132, %mul3A_325 : vector<16xf32>
      %swap3A_345 = arith.index_cast %scan3A_92 : i32 to index
      %swap3A_346 = arith.constant 16 : index
      %swap3A_347 = tpu.vector_load %arg10[%swap3A_345, %swap3A_346] {strides = array<i32>} : memref<128x128xf32, #tpu.memory_space<vmem>>, vector<1x16xf32>,
      %swap3A_348 = vector.shape_cast %swap3A_347 : vector<1x16xf32> to vector<16xf32>
      %swap3A_349 = vector.shape_cast %mul3A_344 : vector<16xf32> to vector<1x16xf32>
      tpu.vector_store %arg10[%swap3A_345, %swap3A_346], %swap3A_349 {strides = array<i32>} : memref<128x128xf32, #tpu.memory_space<vmem>>, vector<1x16xf32>,
      %mul3A_350 = arith.mulf %get3A_104, %mul3A_264 : vector<16xf32>
      %swap3A_351 = arith.index_cast %scan3A_92 : i32 to index
      %swap3A_352 = arith.constant 32 : index
      %swap3A_353 = tpu.vector_load %arg9[%swap3A_351, %swap3A_352] {strides = array<i32>} : memref<128x128xf32, #tpu.memory_space<vmem>>, vector<1x16xf32>,
      %swap3A_354 = vector.shape_cast %swap3A_353 : vector<1x16xf32> to vector<16xf32>
      %swap3A_355 = vector.shape_cast %mul3A_350 : vector<16xf32> to vector<1x16xf32>
      tpu.vector_store %arg9[%swap3A_351, %swap3A_352], %swap3A_355 {strides = array<i32>} : memref<128x128xf32, #tpu.memory_space<vmem>>, vector<1x16xf32>,
      %mul3A_356 = arith.mulf %get3A_136, %mul3A_325 : vector<16xf32>
      %swap3A_357 = arith.index_cast %scan3A_92 : i32 to index
      %swap3A_358 = arith.constant 32 : index
      %swap3A_359 = tpu.vector_load %arg10[%swap3A_357, %swap3A_358] {strides = array<i32>} : memref<128x128xf32, #tpu.memory_space<vmem>>, vector<1x16xf32>,
      %swap3A_360 = vector.shape_cast %swap3A_359 : vector<1x16xf32> to vector<16xf32>
      %swap3A_361 = vector.shape_cast %mul3A_356 : vector<16xf32> to vector<1x16xf32>
      tpu.vector_store %arg10[%swap3A_357, %swap3A_358], %swap3A_361 {strides = array<i32>} : memref<128x128xf32, #tpu.memory_space<vmem>>, vector<1x16xf32>,
      %mul3A_362 = arith.mulf %get3A_108, %mul3A_264 : vector<16xf32>
      %swap3A_363 = arith.index_cast %scan3A_92 : i32 to index
      %swap3A_364 = arith.constant 48 : index
      %swap3A_365 = tpu.vector_load %arg9[%swap3A_363, %swap3A_364] {strides = array<i32>} : memref<128x128xf32, #tpu.memory_space<vmem>>, vector<1x16xf32>,
      %swap3A_366 = vector.shape_cast %swap3A_365 : vector<1x16xf32> to vector<16xf32>
      %swap3A_367 = vector.shape_cast %mul3A_362 : vector<16xf32> to vector<1x16xf32>
      tpu.vector_store %arg9[%swap3A_363, %swap3A_364], %swap3A_367 {strides = array<i32>} : memref<128x128xf32, #tpu.memory_space<vmem>>, vector<1x16xf32>,
      %mul3A_368 = arith.mulf %get3A_140, %mul3A_325 : vector<16xf32>
      %swap3A_369 = arith.index_cast %scan3A_92 : i32 to index
      %swap3A_370 = arith.constant 48 : index
      %swap3A_371 = tpu.vector_load %arg10[%swap3A_369, %swap3A_370] {strides = array<i32>} : memref<128x128xf32, #tpu.memory_space<vmem>>, vector<1x16xf32>,
      %swap3A_372 = vector.shape_cast %swap3A_371 : vector<1x16xf32> to vector<16xf32>
      %swap3A_373 = vector.shape_cast %mul3A_368 : vector<16xf32> to vector<1x16xf32>
      tpu.vector_store %arg10[%swap3A_369, %swap3A_370], %swap3A_373 {strides = array<i32>} : memref<128x128xf32, #tpu.memory_space<vmem>>, vector<1x16xf32>,
      %mul3A_374 = arith.mulf %get3A_112, %mul3A_264 : vector<16xf32>
      %swap3A_375 = arith.index_cast %scan3A_92 : i32 to index
      %swap3A_376 = arith.constant 64 : index
      %swap3A_377 = tpu.vector_load %arg9[%swap3A_375, %swap3A_376] {strides = array<i32>} : memref<128x128xf32, #tpu.memory_space<vmem>>, vector<1x16xf32>,
      %swap3A_378 = vector.shape_cast %swap3A_377 : vector<1x16xf32> to vector<16xf32>
      %swap3A_379 = vector.shape_cast %mul3A_374 : vector<16xf32> to vector<1x16xf32>
      tpu.vector_store %arg9[%swap3A_375, %swap3A_376], %swap3A_379 {strides = array<i32>} : memref<128x128xf32, #tpu.memory_space<vmem>>, vector<1x16xf32>,
      %mul3A_380 = arith.mulf %get3A_144, %mul3A_325 : vector<16xf32>
      %swap3A_381 = arith.index_cast %scan3A_92 : i32 to index
      %swap3A_382 = arith.constant 64 : index
      %swap3A_383 = tpu.vector_load %arg10[%swap3A_381, %swap3A_382] {strides = array<i32>} : memref<128x128xf32, #tpu.memory_space<vmem>>, vector<1x16xf32>,
      %swap3A_384 = vector.shape_cast %swap3A_383 : vector<1x16xf32> to vector<16xf32>
      %swap3A_385 = vector.shape_cast %mul3A_380 : vector<16xf32> to vector<1x16xf32>
      tpu.vector_store %arg10[%swap3A_381, %swap3A_382], %swap3A_385 {strides = array<i32>} : memref<128x128xf32, #tpu.memory_space<vmem>>, vector<1x16xf32>,
      %mul3A_386 = arith.mulf %get3A_116, %mul3A_264 : vector<16xf32>
      %swap3A_387 = arith.index_cast %scan3A_92 : i32 to index
      %swap3A_388 = arith.constant 80 : index
      %swap3A_389 = tpu.vector_load %arg9[%swap3A_387, %swap3A_388] {strides = array<i32>} : memref<128x128xf32, #tpu.memory_space<vmem>>, vector<1x16xf32>,
      %swap3A_390 = vector.shape_cast %swap3A_389 : vector<1x16xf32> to vector<16xf32>
      %swap3A_391 = vector.shape_cast %mul3A_386 : vector<16xf32> to vector<1x16xf32>
      tpu.vector_store %arg9[%swap3A_387, %swap3A_388], %swap3A_391 {strides = array<i32>} : memref<128x128xf32, #tpu.memory_space<vmem>>, vector<1x16xf32>,
      %mul3A_392 = arith.mulf %get3A_148, %mul3A_325 : vector<16xf32>
      %swap3A_393 = arith.index_cast %scan3A_92 : i32 to index
      %swap3A_394 = arith.constant 80 : index
      %swap3A_395 = tpu.vector_load %arg10[%swap3A_393, %swap3A_394] {strides = array<i32>} : memref<128x128xf32, #tpu.memory_space<vmem>>, vector<1x16xf32>,
      %swap3A_396 = vector.shape_cast %swap3A_395 : vector<1x16xf32> to vector<16xf32>
      %swap3A_397 = vector.shape_cast %mul3A_392 : vector<16xf32> to vector<1x16xf32>
      tpu.vector_store %arg10[%swap3A_393, %swap3A_394], %swap3A_397 {strides = array<i32>} : memref<128x128xf32, #tpu.memory_space<vmem>>, vector<1x16xf32>,
      %mul3A_398 = arith.mulf %get3A_120, %mul3A_264 : vector<16xf32>
      %swap3A_399 = arith.index_cast %scan3A_92 : i32 to index
      %swap3A_400 = arith.constant 96 : index
      %swap3A_401 = tpu.vector_load %arg9[%swap3A_399, %swap3A_400] {strides = array<i32>} : memref<128x128xf32, #tpu.memory_space<vmem>>, vector<1x16xf32>,
      %swap3A_402 = vector.shape_cast %swap3A_401 : vector<1x16xf32> to vector<16xf32>
      %swap3A_403 = vector.shape_cast %mul3A_398 : vector<16xf32> to vector<1x16xf32>
      tpu.vector_store %arg9[%swap3A_399, %swap3A_400], %swap3A_403 {strides = array<i32>} : memref<128x128xf32, #tpu.memory_space<vmem>>, vector<1x16xf32>,
      %mul3A_404 = arith.mulf %get3A_152, %mul3A_325 : vector<16xf32>
      %swap3A_405 = arith.index_cast %scan3A_92 : i32 to index
      %swap3A_406 = arith.constant 96 : index
      %swap3A_407 = tpu.vector_load %arg10[%swap3A_405, %swap3A_406] {strides = array<i32>} : memref<128x128xf32, #tpu.memory_space<vmem>>, vector<1x16xf32>,
      %swap3A_408 = vector.shape_cast %swap3A_407 : vector<1x16xf32> to vector<16xf32>
      %swap3A_409 = vector.shape_cast %mul3A_404 : vector<16xf32> to vector<1x16xf32>
      tpu.vector_store %arg10[%swap3A_405, %swap3A_406], %swap3A_409 {strides = array<i32>} : memref<128x128xf32, #tpu.memory_space<vmem>>, vector<1x16xf32>,
      %mul3A_410 = arith.mulf %get3A_124, %mul3A_264 : vector<16xf32>
      %swap3A_411 = arith.index_cast %scan3A_92 : i32 to index
      %swap3A_412 = arith.constant 112 : index
      %swap3A_413 = tpu.vector_load %arg9[%swap3A_411, %swap3A_412] {strides = array<i32>} : memref<128x128xf32, #tpu.memory_space<vmem>>, vector<1x16xf32>,
      %swap3A_414 = vector.shape_cast %swap3A_413 : vector<1x16xf32> to vector<16xf32>
      %swap3A_415 = vector.shape_cast %mul3A_410 : vector<16xf32> to vector<1x16xf32>
      tpu.vector_store %arg9[%swap3A_411, %swap3A_412], %swap3A_415 {strides = array<i32>} : memref<128x128xf32, #tpu.memory_space<vmem>>, vector<1x16xf32>,
      %mul3A_416 = arith.mulf %get3A_156, %mul3A_325 : vector<16xf32>
      %swap3A_417 = arith.index_cast %scan3A_92 : i32 to index
      %swap3A_418 = arith.constant 112 : index
      %swap3A_419 = tpu.vector_load %arg10[%swap3A_417, %swap3A_418] {strides = array<i32>} : memref<128x128xf32, #tpu.memory_space<vmem>>, vector<1x16xf32>,
      %swap3A_420 = vector.shape_cast %swap3A_419 : vector<1x16xf32> to vector<16xf32>
      %swap3A_421 = vector.shape_cast %mul3A_416 : vector<16xf32> to vector<1x16xf32>
      tpu.vector_store %arg10[%swap3A_417, %swap3A_418], %swap3A_421 {strides = array<i32>} : memref<128x128xf32, #tpu.memory_space<vmem>>, vector<1x16xf32>,
      scf.yield %add3A_209 : vector<16xf32>
    }
    %scan3A_44 = arith.constant 128 : i32
    "tpu.region"() ({
      %run_scoped3A = tpu.sem_alloc : memref<!tpu.dma_semaphore, #tpu.memory_space<semaphore_mem>>
      %dma_start3A_92 = arith.constant 0 : i32
      %dma_start3A_93 = tpu.memref_slice %arg6[%add3A_24, %dma_start3A_92] : memref<16384x128xf32, #tpu.memory_space<hbm>> -> memref<128x128xf32, #tpu.memory_space<hbm>>
      %dma_start3A_94 = arith.constant 0 : i32
      %dma_start3A_95 = tpu.memref_slice %arg6[%add3A_24, %dma_start3A_94] : memref<16384x128xf32, #tpu.memory_space<hbm>> -> memref<128x128xf32, #tpu.memory_space<hbm>>
      tpu.enqueue_dma source(%arg9 : memref<128x128xf32, #tpu.memory_space<vmem>>) target(%dma_start3A_95 : memref<128x128xf32, #tpu.memory_space<hbm>>) target_semaphore(%run_scoped3A : memref<!tpu.dma_semaphore, #tpu.memory_space<semaphore_mem>>)
      %dma_wait3A_96 = arith.constant 0 : i32
      %dma_wait3A_97 = tpu.memref_slice %arg6[%add3A_24, %dma_wait3A_96] : memref<16384x128xf32, #tpu.memory_space<hbm>> -> memref<128x128xf32, #tpu.memory_space<hbm>>
      %dma_wait3A_98 = arith.constant 0 : i32
      %dma_wait3A_99 = tpu.memref_slice %arg6[%add3A_24, %dma_wait3A_98] : memref<16384x128xf32, #tpu.memory_space<hbm>> -> memref<128x128xf32, #tpu.memory_space<hbm>>
      tpu.wait_dma2 semaphore(%run_scoped3A : memref<!tpu.dma_semaphore, #tpu.memory_space<semaphore_mem>>) src(%arg9 : memref<128x128xf32, #tpu.memory_space<vmem>>) dst(%dma_wait3A_99 : memref<128x128xf32, #tpu.memory_space<hbm>>)
      tpu.yield
    }) : () -> ()
    "tpu.region"() ({
      %run_scoped3A = tpu.sem_alloc : memref<!tpu.dma_semaphore, #tpu.memory_space<semaphore_mem>>
      %dma_start3A_92 = arith.constant 0 : i32
      %dma_start3A_93 = tpu.memref_slice %arg7[%add3A_24, %dma_start3A_92] : memref<16384x128xf32, #tpu.memory_space<hbm>> -> memref<128x128xf32, #tpu.memory_space<hbm>>
      %dma_start3A_94 = arith.constant 0 : i32
      %dma_start3A_95 = tpu.memref_slice %arg7[%add3A_24, %dma_start3A_94] : memref<16384x128xf32, #tpu.memory_space<hbm>> -> memref<128x128xf32, #tpu.memory_space<hbm>>
      tpu.enqueue_dma source(%arg10 : memref<128x128xf32, #tpu.memory_space<vmem>>) target(%dma_start3A_95 : memref<128x128xf32, #tpu.memory_space<hbm>>) target_semaphore(%run_scoped3A : memref<!tpu.dma_semaphore, #tpu.memory_space<semaphore_mem>>)
      %dma_wait3A_96 = arith.constant 0 : i32
      %dma_wait3A_97 = tpu.memref_slice %arg7[%add3A_24, %dma_wait3A_96] : memref<16384x128xf32, #tpu.memory_space<hbm>> -> memref<128x128xf32, #tpu.memory_space<hbm>>
      %dma_wait3A_98 = arith.constant 0 : i32
      %dma_wait3A_99 = tpu.memref_slice %arg7[%add3A_24, %dma_wait3A_98] : memref<16384x128xf32, #tpu.memory_space<hbm>> -> memref<128x128xf32, #tpu.memory_space<hbm>>
      tpu.wait_dma2 semaphore(%run_scoped3A : memref<!tpu.dma_semaphore, #tpu.memory_space<semaphore_mem>>) src(%arg10 : memref<128x128xf32, #tpu.memory_space<vmem>>) dst(%dma_wait3A_99 : memref<128x128xf32, #tpu.memory_space<hbm>>)
      tpu.yield
    }) : () -> ()
    %add3A_45 = arith.constant 256 : i32
    %add3A_46 = arith.addi %mul3A_2, %add3A_45 : i32
    %dma_start3A_47 = arith.constant 2 : i32
    %dma_start3A_48 = arith.constant 0 : i32
    %dma_start3A_49 = tpu.memref_slice %arg8[%dma_start3A_47, %dma_start3A_48] : memref<4x128xi32, #tpu.memory_space<vmem>> -> memref<1x128xi32, #tpu.memory_space<vmem>>
    %dma_start3A_50 = tpu.memref_squeeze %dma_start3A_49 : memref<1x128xi32, #tpu.memory_space<vmem>> -> memref<128xi32, #tpu.memory_space<vmem>>
    %dma_start3A_51 = arith.constant 0 : i32
    %dma_start3A_52 = arith.constant 0 : i32
    %dma_start3A_53 = tpu.memref_slice %arg4[%dma_start3A_51, %dma_start3A_52] : memref<100000x128xf32, #tpu.memory_space<hbm>> -> memref<100000x128xf32, #tpu.memory_space<hbm>>
    tpu.enqueue_indirect_dma source(%dma_start3A_53 : memref<100000x128xf32, #tpu.memory_space<hbm>>) target(%arg10 : memref<128x128xf32, #tpu.memory_space<vmem>>) offsets(%dma_start3A_50 : memref<128xi32, #tpu.memory_space<vmem>>) semaphore(%arg12 : memref<!tpu.dma_semaphore, #tpu.memory_space<semaphore_mem>>)
    %dma_wait3A_54 = arith.constant 2 : i32
    %dma_wait3A_55 = arith.constant 0 : i32
    %dma_wait3A_56 = tpu.memref_slice %arg8[%dma_wait3A_54, %dma_wait3A_55] : memref<4x128xi32, #tpu.memory_space<vmem>> -> memref<1x128xi32, #tpu.memory_space<vmem>>
    %dma_wait3A_57 = tpu.memref_squeeze %dma_wait3A_56 : memref<1x128xi32, #tpu.memory_space<vmem>> -> memref<128xi32, #tpu.memory_space<vmem>>
    %dma_wait3A_58 = arith.constant 0 : i32
    %dma_wait3A_59 = arith.constant 0 : i32
    %dma_wait3A_60 = tpu.memref_slice %arg4[%dma_wait3A_58, %dma_wait3A_59] : memref<100000x128xf32, #tpu.memory_space<hbm>> -> memref<100000x128xf32, #tpu.memory_space<hbm>>
    tpu.wait_indirect_dma semaphore(%arg12 : memref<!tpu.dma_semaphore, #tpu.memory_space<semaphore_mem>>) src(%dma_wait3A_60 : memref<100000x128xf32, #tpu.memory_space<hbm>>) dst(%arg10 : memref<128x128xf32, #tpu.memory_space<vmem>>)
    "tpu.region"() ({
      %run_scoped3A = tpu.sem_alloc : memref<!tpu.dma_semaphore, #tpu.memory_space<semaphore_mem>>
      %dma_start3A_92 = arith.constant 0 : i32
      %dma_start3A_93 = tpu.memref_slice %arg2[%add3A_46, %dma_start3A_92] : memref<16384x128xf32, #tpu.memory_space<hbm>> -> memref<128x128xf32, #tpu.memory_space<hbm>>
      %dma_start3A_94 = arith.constant 0 : i32
      %dma_start3A_95 = tpu.memref_slice %arg2[%add3A_46, %dma_start3A_94] : memref<16384x128xf32, #tpu.memory_space<hbm>> -> memref<128x128xf32, #tpu.memory_space<hbm>>
      tpu.enqueue_dma source(%dma_start3A_95 : memref<128x128xf32, #tpu.memory_space<hbm>>) target(%arg9 : memref<128x128xf32, #tpu.memory_space<vmem>>) target_semaphore(%run_scoped3A : memref<!tpu.dma_semaphore, #tpu.memory_space<semaphore_mem>>)
      %dma_wait3A_96 = arith.constant 0 : i32
      %dma_wait3A_97 = tpu.memref_slice %arg2[%add3A_46, %dma_wait3A_96] : memref<16384x128xf32, #tpu.memory_space<hbm>> -> memref<128x128xf32, #tpu.memory_space<hbm>>
      %dma_wait3A_98 = arith.constant 0 : i32
      %dma_wait3A_99 = tpu.memref_slice %arg2[%add3A_46, %dma_wait3A_98] : memref<16384x128xf32, #tpu.memory_space<hbm>> -> memref<128x128xf32, #tpu.memory_space<hbm>>
      tpu.wait_dma2 semaphore(%run_scoped3A : memref<!tpu.dma_semaphore, #tpu.memory_space<semaphore_mem>>) src(%dma_wait3A_99 : memref<128x128xf32, #tpu.memory_space<hbm>>) dst(%arg9 : memref<128x128xf32, #tpu.memory_space<vmem>>)
      tpu.yield
    }) : () -> ()
    %scan3A_61 = arith.constant 0 : i32
    %scan3A_62 = arith.constant 128 : i32
    %scan3A_63 = arith.addi %scan3A_61, %scan3A_62 : i32
    %scan3A_64 = arith.constant 1 : i32
    %scan3A_65 = scf.for %scan3A_92 = %scan3A_61 to %scan3A_63 step %scan3A_64 iter_args(%scan3A_93 = %scan3A_43) -> (vector<16xf32>)  : i32 {
      %get3A = arith.index_cast %scan3A_92 : i32 to index
      %get3A_94 = arith.constant 0 : index
      %get3A_95 = tpu.vector_load %arg9[%get3A, %get3A_94] {strides = array<i32>} : memref<128x128xf32, #tpu.memory_space<vmem>>, vector<1x16xf32>,
      %get3A_96 = vector.shape_cast %get3A_95 : vector<1x16xf32> to vector<16xf32>
      %get3A_97 = arith.index_cast %scan3A_92 : i32 to index
      %get3A_98 = arith.constant 16 : index
      %get3A_99 = tpu.vector_load %arg9[%get3A_97, %get3A_98] {strides = array<i32>} : memref<128x128xf32, #tpu.memory_space<vmem>>, vector<1x16xf32>,
      %get3A_100 = vector.shape_cast %get3A_99 : vector<1x16xf32> to vector<16xf32>
      %get3A_101 = arith.index_cast %scan3A_92 : i32 to index
      %get3A_102 = arith.constant 32 : index
      %get3A_103 = tpu.vector_load %arg9[%get3A_101, %get3A_102] {strides = array<i32>} : memref<128x128xf32, #tpu.memory_space<vmem>>, vector<1x16xf32>,
      %get3A_104 = vector.shape_cast %get3A_103 : vector<1x16xf32> to vector<16xf32>
      %get3A_105 = arith.index_cast %scan3A_92 : i32 to index
      %get3A_106 = arith.constant 48 : index
      %get3A_107 = tpu.vector_load %arg9[%get3A_105, %get3A_106] {strides = array<i32>} : memref<128x128xf32, #tpu.memory_space<vmem>>, vector<1x16xf32>,
      %get3A_108 = vector.shape_cast %get3A_107 : vector<1x16xf32> to vector<16xf32>
      %get3A_109 = arith.index_cast %scan3A_92 : i32 to index
      %get3A_110 = arith.constant 64 : index
      %get3A_111 = tpu.vector_load %arg9[%get3A_109, %get3A_110] {strides = array<i32>} : memref<128x128xf32, #tpu.memory_space<vmem>>, vector<1x16xf32>,
      %get3A_112 = vector.shape_cast %get3A_111 : vector<1x16xf32> to vector<16xf32>
      %get3A_113 = arith.index_cast %scan3A_92 : i32 to index
      %get3A_114 = arith.constant 80 : index
      %get3A_115 = tpu.vector_load %arg9[%get3A_113, %get3A_114] {strides = array<i32>} : memref<128x128xf32, #tpu.memory_space<vmem>>, vector<1x16xf32>,
      %get3A_116 = vector.shape_cast %get3A_115 : vector<1x16xf32> to vector<16xf32>
      %get3A_117 = arith.index_cast %scan3A_92 : i32 to index
      %get3A_118 = arith.constant 96 : index
      %get3A_119 = tpu.vector_load %arg9[%get3A_117, %get3A_118] {strides = array<i32>} : memref<128x128xf32, #tpu.memory_space<vmem>>, vector<1x16xf32>,
      %get3A_120 = vector.shape_cast %get3A_119 : vector<1x16xf32> to vector<16xf32>
      %get3A_121 = arith.index_cast %scan3A_92 : i32 to index
      %get3A_122 = arith.constant 112 : index
      %get3A_123 = tpu.vector_load %arg9[%get3A_121, %get3A_122] {strides = array<i32>} : memref<128x128xf32, #tpu.memory_space<vmem>>, vector<1x16xf32>,
      %get3A_124 = vector.shape_cast %get3A_123 : vector<1x16xf32> to vector<16xf32>
      %get3A_125 = arith.index_cast %scan3A_92 : i32 to index
      %get3A_126 = arith.constant 0 : index
      %get3A_127 = tpu.vector_load %arg10[%get3A_125, %get3A_126] {strides = array<i32>} : memref<128x128xf32, #tpu.memory_space<vmem>>, vector<1x16xf32>,
      %get3A_128 = vector.shape_cast %get3A_127 : vector<1x16xf32> to vector<16xf32>
      %get3A_129 = arith.index_cast %scan3A_92 : i32 to index
      %get3A_130 = arith.constant 16 : index
      %get3A_131 = tpu.vector_load %arg10[%get3A_129, %get3A_130] {strides = array<i32>} : memref<128x128xf32, #tpu.memory_space<vmem>>, vector<1x16xf32>,
      %get3A_132 = vector.shape_cast %get3A_131 : vector<1x16xf32> to vector<16xf32>
      %get3A_133 = arith.index_cast %scan3A_92 : i32 to index
      %get3A_134 = arith.constant 32 : index
      %get3A_135 = tpu.vector_load %arg10[%get3A_133, %get3A_134] {strides = array<i32>} : memref<128x128xf32, #tpu.memory_space<vmem>>, vector<1x16xf32>,
      %get3A_136 = vector.shape_cast %get3A_135 : vector<1x16xf32> to vector<16xf32>
      %get3A_137 = arith.index_cast %scan3A_92 : i32 to index
      %get3A_138 = arith.constant 48 : index
      %get3A_139 = tpu.vector_load %arg10[%get3A_137, %get3A_138] {strides = array<i32>} : memref<128x128xf32, #tpu.memory_space<vmem>>, vector<1x16xf32>,
      %get3A_140 = vector.shape_cast %get3A_139 : vector<1x16xf32> to vector<16xf32>
      %get3A_141 = arith.index_cast %scan3A_92 : i32 to index
      %get3A_142 = arith.constant 64 : index
      %get3A_143 = tpu.vector_load %arg10[%get3A_141, %get3A_142] {strides = array<i32>} : memref<128x128xf32, #tpu.memory_space<vmem>>, vector<1x16xf32>,
      %get3A_144 = vector.shape_cast %get3A_143 : vector<1x16xf32> to vector<16xf32>
      %get3A_145 = arith.index_cast %scan3A_92 : i32 to index
      %get3A_146 = arith.constant 80 : index
      %get3A_147 = tpu.vector_load %arg10[%get3A_145, %get3A_146] {strides = array<i32>} : memref<128x128xf32, #tpu.memory_space<vmem>>, vector<1x16xf32>,
      %get3A_148 = vector.shape_cast %get3A_147 : vector<1x16xf32> to vector<16xf32>
      %get3A_149 = arith.index_cast %scan3A_92 : i32 to index
      %get3A_150 = arith.constant 96 : index
      %get3A_151 = tpu.vector_load %arg10[%get3A_149, %get3A_150] {strides = array<i32>} : memref<128x128xf32, #tpu.memory_space<vmem>>, vector<1x16xf32>,
      %get3A_152 = vector.shape_cast %get3A_151 : vector<1x16xf32> to vector<16xf32>
      %get3A_153 = arith.index_cast %scan3A_92 : i32 to index
      %get3A_154 = arith.constant 112 : index
      %get3A_155 = tpu.vector_load %arg10[%get3A_153, %get3A_154] {strides = array<i32>} : memref<128x128xf32, #tpu.memory_space<vmem>>, vector<1x16xf32>,
      %get3A_156 = vector.shape_cast %get3A_155 : vector<1x16xf32> to vector<16xf32>
      %mul3A_157 = arith.mulf %get3A_96, %get3A_96 : vector<16xf32>
      %mul3A_158 = arith.mulf %get3A_128, %get3A_128 : vector<16xf32>
      %mul3A_159 = arith.mulf %get3A_100, %get3A_100 : vector<16xf32>
      %add3A_160 = arith.addf %mul3A_157, %mul3A_159 : vector<16xf32>
      %mul3A_161 = arith.mulf %get3A_132, %get3A_132 : vector<16xf32>
      %add3A_162 = arith.addf %mul3A_158, %mul3A_161 : vector<16xf32>
      %mul3A_163 = arith.mulf %get3A_104, %get3A_104 : vector<16xf32>
      %add3A_164 = arith.addf %add3A_160, %mul3A_163 : vector<16xf32>
      %mul3A_165 = arith.mulf %get3A_136, %get3A_136 : vector<16xf32>
      %add3A_166 = arith.addf %add3A_162, %mul3A_165 : vector<16xf32>
      %mul3A_167 = arith.mulf %get3A_108, %get3A_108 : vector<16xf32>
      %add3A_168 = arith.addf %add3A_164, %mul3A_167 : vector<16xf32>
      %mul3A_169 = arith.mulf %get3A_140, %get3A_140 : vector<16xf32>
      %add3A_170 = arith.addf %add3A_166, %mul3A_169 : vector<16xf32>
      %mul3A_171 = arith.mulf %get3A_112, %get3A_112 : vector<16xf32>
      %add3A_172 = arith.addf %add3A_168, %mul3A_171 : vector<16xf32>
      %mul3A_173 = arith.mulf %get3A_144, %get3A_144 : vector<16xf32>
      %add3A_174 = arith.addf %add3A_170, %mul3A_173 : vector<16xf32>
      %mul3A_175 = arith.mulf %get3A_116, %get3A_116 : vector<16xf32>
      %add3A_176 = arith.addf %add3A_172, %mul3A_175 : vector<16xf32>
      %mul3A_177 = arith.mulf %get3A_148, %get3A_148 : vector<16xf32>
      %add3A_178 = arith.addf %add3A_174, %mul3A_177 : vector<16xf32>
      %mul3A_179 = arith.mulf %get3A_120, %get3A_120 : vector<16xf32>
      %add3A_180 = arith.addf %add3A_176, %mul3A_179 : vector<16xf32>
      %mul3A_181 = arith.mulf %get3A_152, %get3A_152 : vector<16xf32>
      %add3A_182 = arith.addf %add3A_178, %mul3A_181 : vector<16xf32>
      %mul3A_183 = arith.mulf %get3A_124, %get3A_124 : vector<16xf32>
      %add3A_184 = arith.addf %add3A_180, %mul3A_183 : vector<16xf32>
      %mul3A_185 = arith.mulf %get3A_156, %get3A_156 : vector<16xf32>
      %add3A_186 = arith.addf %add3A_182, %mul3A_185 : vector<16xf32>
      %sub3A = arith.subf %get3A_128, %get3A_96 : vector<16xf32>
      %mul3A_187 = arith.mulf %sub3A, %sub3A : vector<16xf32>
      %add3A_188 = arith.addf %scan3A_93, %mul3A_187 : vector<16xf32>
      %sub3A_189 = arith.subf %get3A_132, %get3A_100 : vector<16xf32>
      %mul3A_190 = arith.mulf %sub3A_189, %sub3A_189 : vector<16xf32>
      %add3A_191 = arith.addf %add3A_188, %mul3A_190 : vector<16xf32>
      %sub3A_192 = arith.subf %get3A_136, %get3A_104 : vector<16xf32>
      %mul3A_193 = arith.mulf %sub3A_192, %sub3A_192 : vector<16xf32>
      %add3A_194 = arith.addf %add3A_191, %mul3A_193 : vector<16xf32>
      %sub3A_195 = arith.subf %get3A_140, %get3A_108 : vector<16xf32>
      %mul3A_196 = arith.mulf %sub3A_195, %sub3A_195 : vector<16xf32>
      %add3A_197 = arith.addf %add3A_194, %mul3A_196 : vector<16xf32>
      %sub3A_198 = arith.subf %get3A_144, %get3A_112 : vector<16xf32>
      %mul3A_199 = arith.mulf %sub3A_198, %sub3A_198 : vector<16xf32>
      %add3A_200 = arith.addf %add3A_197, %mul3A_199 : vector<16xf32>
      %sub3A_201 = arith.subf %get3A_148, %get3A_116 : vector<16xf32>
      %mul3A_202 = arith.mulf %sub3A_201, %sub3A_201 : vector<16xf32>
      %add3A_203 = arith.addf %add3A_200, %mul3A_202 : vector<16xf32>
      %sub3A_204 = arith.subf %get3A_152, %get3A_120 : vector<16xf32>
      %mul3A_205 = arith.mulf %sub3A_204, %sub3A_204 : vector<16xf32>
      %add3A_206 = arith.addf %add3A_203, %mul3A_205 : vector<16xf32>
      %sub3A_207 = arith.subf %get3A_156, %get3A_124 : vector<16xf32>
      %mul3A_208 = arith.mulf %sub3A_207, %sub3A_207 : vector<16xf32>
      %add3A_209 = arith.addf %add3A_206, %mul3A_208 : vector<16xf32>
      %iota3A = tpu.iota {dimensions = array<i32: 0>} : vector<16xi32>
      %xor3A = arith.constant 8 : i32
      %xor3A_210 = vector.broadcast %xor3A : i32 to vector<16xi32>
      %xor3A_211 = arith.xori %iota3A, %xor3A_210 : vector<16xi32>
      %broadcast_in_dim3A_212 = vector.shape_cast %xor3A_211 : vector<16xi32> to vector<16x1xi32>
      %gather3A = vector.shape_cast %broadcast_in_dim3A_212 : vector<16x1xi32> to vector<16xi32>
      %gather3A_213 = tpu.dynamic_gather %add3A_184[%gather3A] in [0] : vector<16xf32>, vector<16xi32> -> vector<16xf32>
      %add3A_214 = arith.addf %add3A_184, %gather3A_213 : vector<16xf32>
      %xor3A_215 = arith.constant 4 : i32
      %xor3A_216 = vector.broadcast %xor3A_215 : i32 to vector<16xi32>
      %xor3A_217 = arith.xori %iota3A, %xor3A_216 : vector<16xi32>
      %broadcast_in_dim3A_218 = vector.shape_cast %xor3A_217 : vector<16xi32> to vector<16x1xi32>
      %gather3A_219 = vector.shape_cast %broadcast_in_dim3A_218 : vector<16x1xi32> to vector<16xi32>
      %gather3A_220 = tpu.dynamic_gather %add3A_214[%gather3A_219] in [0] : vector<16xf32>, vector<16xi32> -> vector<16xf32>
      %add3A_221 = arith.addf %add3A_214, %gather3A_220 : vector<16xf32>
      %xor3A_222 = arith.constant 2 : i32
      %xor3A_223 = vector.broadcast %xor3A_222 : i32 to vector<16xi32>
      %xor3A_224 = arith.xori %iota3A, %xor3A_223 : vector<16xi32>
      %broadcast_in_dim3A_225 = vector.shape_cast %xor3A_224 : vector<16xi32> to vector<16x1xi32>
      %gather3A_226 = vector.shape_cast %broadcast_in_dim3A_225 : vector<16x1xi32> to vector<16xi32>
      %gather3A_227 = tpu.dynamic_gather %add3A_221[%gather3A_226] in [0] : vector<16xf32>, vector<16xi32> -> vector<16xf32>
      %add3A_228 = arith.addf %add3A_221, %gather3A_227 : vector<16xf32>
      %xor3A_229 = arith.constant 1 : i32
      %xor3A_230 = vector.broadcast %xor3A_229 : i32 to vector<16xi32>
      %xor3A_231 = arith.xori %iota3A, %xor3A_230 : vector<16xi32>
      %broadcast_in_dim3A_232 = vector.shape_cast %xor3A_231 : vector<16xi32> to vector<16x1xi32>
      %gather3A_233 = vector.shape_cast %broadcast_in_dim3A_232 : vector<16x1xi32> to vector<16xi32>
      %gather3A_234 = tpu.dynamic_gather %add3A_228[%gather3A_233] in [0] : vector<16xf32>, vector<16xi32> -> vector<16xf32>
      %add3A_235 = arith.addf %add3A_228, %gather3A_234 : vector<16xf32>
      %max3A = arith.constant 1.000000e-24 : f32
      %max3A_236 = vector.broadcast %max3A : f32 to vector<16xf32>
      %max3A_237 = arith.maximumf %add3A_235, %max3A_236 : vector<16xf32>
      %bitcast_convert_type3A = tpu.bitcast %max3A_237 : vector<16xf32> -> vector<16xi32>
      %shift_right_arithmetic3A = arith.constant 1 : i32
      %shift_right_arithmetic3A_238 = vector.broadcast %shift_right_arithmetic3A : i32 to vector<16xi32>
      %shift_right_arithmetic3A_239 = arith.shrsi %bitcast_convert_type3A, %shift_right_arithmetic3A_238 : vector<16xi32>
      %sub3A_240 = arith.constant 1597463007 : i32
      %sub3A_241 = vector.broadcast %sub3A_240 : i32 to vector<16xi32>
      %sub3A_242 = arith.subi %sub3A_241, %shift_right_arithmetic3A_239 : vector<16xi32>
      %bitcast_convert_type3A_243 = tpu.bitcast %sub3A_242 : vector<16xi32> -> vector<16xf32>
      %mul3A_244 = arith.constant 5.000000e-01 : f32
      %mul3A_245 = vector.broadcast %mul3A_244 : f32 to vector<16xf32>
      %mul3A_246 = arith.mulf %max3A_237, %mul3A_245 : vector<16xf32>
      %mul3A_247 = arith.mulf %mul3A_246, %bitcast_convert_type3A_243 : vector<16xf32>
      %mul3A_248 = arith.mulf %mul3A_247, %bitcast_convert_type3A_243 : vector<16xf32>
      %sub3A_249 = arith.constant 1.500000e+00 : f32
      %sub3A_250 = vector.broadcast %sub3A_249 : f32 to vector<16xf32>
      %sub3A_251 = arith.subf %sub3A_250, %mul3A_248 : vector<16xf32>
      %mul3A_252 = arith.mulf %bitcast_convert_type3A_243, %sub3A_251 : vector<16xf32>
      %mul3A_253 = arith.mulf %mul3A_246, %mul3A_252 : vector<16xf32>
      %mul3A_254 = arith.mulf %mul3A_253, %mul3A_252 : vector<16xf32>
      %sub3A_255 = arith.constant 1.500000e+00 : f32
      %sub3A_256 = vector.broadcast %sub3A_255 : f32 to vector<16xf32>
      %sub3A_257 = arith.subf %sub3A_256, %mul3A_254 : vector<16xf32>
      %mul3A_258 = arith.mulf %mul3A_252, %sub3A_257 : vector<16xf32>
      %mul3A_259 = arith.mulf %mul3A_246, %mul3A_258 : vector<16xf32>
      %mul3A_260 = arith.mulf %mul3A_259, %mul3A_258 : vector<16xf32>
      %sub3A_261 = arith.constant 1.500000e+00 : f32
      %sub3A_262 = vector.broadcast %sub3A_261 : f32 to vector<16xf32>
      %sub3A_263 = arith.subf %sub3A_262, %mul3A_260 : vector<16xf32>
      %mul3A_264 = arith.mulf %mul3A_258, %sub3A_263 : vector<16xf32>
      %iota3A_265 = tpu.iota {dimensions = array<i32: 0>} : vector<16xi32>
      %xor3A_266 = arith.constant 8 : i32
      %xor3A_267 = vector.broadcast %xor3A_266 : i32 to vector<16xi32>
      %xor3A_268 = arith.xori %iota3A_265, %xor3A_267 : vector<16xi32>
      %broadcast_in_dim3A_269 = vector.shape_cast %xor3A_268 : vector<16xi32> to vector<16x1xi32>
      %gather3A_270 = vector.shape_cast %broadcast_in_dim3A_269 : vector<16x1xi32> to vector<16xi32>
      %gather3A_271 = tpu.dynamic_gather %add3A_186[%gather3A_270] in [0] : vector<16xf32>, vector<16xi32> -> vector<16xf32>
      %add3A_272 = arith.addf %add3A_186, %gather3A_271 : vector<16xf32>
      %xor3A_273 = arith.constant 4 : i32
      %xor3A_274 = vector.broadcast %xor3A_273 : i32 to vector<16xi32>
      %xor3A_275 = arith.xori %iota3A_265, %xor3A_274 : vector<16xi32>
      %broadcast_in_dim3A_276 = vector.shape_cast %xor3A_275 : vector<16xi32> to vector<16x1xi32>
      %gather3A_277 = vector.shape_cast %broadcast_in_dim3A_276 : vector<16x1xi32> to vector<16xi32>
      %gather3A_278 = tpu.dynamic_gather %add3A_272[%gather3A_277] in [0] : vector<16xf32>, vector<16xi32> -> vector<16xf32>
      %add3A_279 = arith.addf %add3A_272, %gather3A_278 : vector<16xf32>
      %xor3A_280 = arith.constant 2 : i32
      %xor3A_281 = vector.broadcast %xor3A_280 : i32 to vector<16xi32>
      %xor3A_282 = arith.xori %iota3A_265, %xor3A_281 : vector<16xi32>
      %broadcast_in_dim3A_283 = vector.shape_cast %xor3A_282 : vector<16xi32> to vector<16x1xi32>
      %gather3A_284 = vector.shape_cast %broadcast_in_dim3A_283 : vector<16x1xi32> to vector<16xi32>
      %gather3A_285 = tpu.dynamic_gather %add3A_279[%gather3A_284] in [0] : vector<16xf32>, vector<16xi32> -> vector<16xf32>
      %add3A_286 = arith.addf %add3A_279, %gather3A_285 : vector<16xf32>
      %xor3A_287 = arith.constant 1 : i32
      %xor3A_288 = vector.broadcast %xor3A_287 : i32 to vector<16xi32>
      %xor3A_289 = arith.xori %iota3A_265, %xor3A_288 : vector<16xi32>
      %broadcast_in_dim3A_290 = vector.shape_cast %xor3A_289 : vector<16xi32> to vector<16x1xi32>
      %gather3A_291 = vector.shape_cast %broadcast_in_dim3A_290 : vector<16x1xi32> to vector<16xi32>
      %gather3A_292 = tpu.dynamic_gather %add3A_286[%gather3A_291] in [0] : vector<16xf32>, vector<16xi32> -> vector<16xf32>
      %add3A_293 = arith.addf %add3A_286, %gather3A_292 : vector<16xf32>
      %max3A_294 = arith.constant 1.000000e-24 : f32
      %max3A_295 = vector.broadcast %max3A_294 : f32 to vector<16xf32>
      %max3A_296 = arith.maximumf %add3A_293, %max3A_295 : vector<16xf32>
      %bitcast_convert_type3A_297 = tpu.bitcast %max3A_296 : vector<16xf32> -> vector<16xi32>
      %shift_right_arithmetic3A_298 = arith.constant 1 : i32
      %shift_right_arithmetic3A_299 = vector.broadcast %shift_right_arithmetic3A_298 : i32 to vector<16xi32>
      %shift_right_arithmetic3A_300 = arith.shrsi %bitcast_convert_type3A_297, %shift_right_arithmetic3A_299 : vector<16xi32>
      %sub3A_301 = arith.constant 1597463007 : i32
      %sub3A_302 = vector.broadcast %sub3A_301 : i32 to vector<16xi32>
      %sub3A_303 = arith.subi %sub3A_302, %shift_right_arithmetic3A_300 : vector<16xi32>
      %bitcast_convert_type3A_304 = tpu.bitcast %sub3A_303 : vector<16xi32> -> vector<16xf32>
      %mul3A_305 = arith.constant 5.000000e-01 : f32
      %mul3A_306 = vector.broadcast %mul3A_305 : f32 to vector<16xf32>
      %mul3A_307 = arith.mulf %max3A_296, %mul3A_306 : vector<16xf32>
      %mul3A_308 = arith.mulf %mul3A_307, %bitcast_convert_type3A_304 : vector<16xf32>
      %mul3A_309 = arith.mulf %mul3A_308, %bitcast_convert_type3A_304 : vector<16xf32>
      %sub3A_310 = arith.constant 1.500000e+00 : f32
      %sub3A_311 = vector.broadcast %sub3A_310 : f32 to vector<16xf32>
      %sub3A_312 = arith.subf %sub3A_311, %mul3A_309 : vector<16xf32>
      %mul3A_313 = arith.mulf %bitcast_convert_type3A_304, %sub3A_312 : vector<16xf32>
      %mul3A_314 = arith.mulf %mul3A_307, %mul3A_313 : vector<16xf32>
      %mul3A_315 = arith.mulf %mul3A_314, %mul3A_313 : vector<16xf32>
      %sub3A_316 = arith.constant 1.500000e+00 : f32
      %sub3A_317 = vector.broadcast %sub3A_316 : f32 to vector<16xf32>
      %sub3A_318 = arith.subf %sub3A_317, %mul3A_315 : vector<16xf32>
      %mul3A_319 = arith.mulf %mul3A_313, %sub3A_318 : vector<16xf32>
      %mul3A_320 = arith.mulf %mul3A_307, %mul3A_319 : vector<16xf32>
      %mul3A_321 = arith.mulf %mul3A_320, %mul3A_319 : vector<16xf32>
      %sub3A_322 = arith.constant 1.500000e+00 : f32
      %sub3A_323 = vector.broadcast %sub3A_322 : f32 to vector<16xf32>
      %sub3A_324 = arith.subf %sub3A_323, %mul3A_321 : vector<16xf32>
      %mul3A_325 = arith.mulf %mul3A_319, %sub3A_324 : vector<16xf32>
      %mul3A_326 = arith.mulf %get3A_96, %mul3A_264 : vector<16xf32>
      %swap3A_327 = arith.index_cast %scan3A_92 : i32 to index
      %swap3A_328 = arith.constant 0 : index
      %swap3A_329 = tpu.vector_load %arg9[%swap3A_327, %swap3A_328] {strides = array<i32>} : memref<128x128xf32, #tpu.memory_space<vmem>>, vector<1x16xf32>,
      %swap3A_330 = vector.shape_cast %swap3A_329 : vector<1x16xf32> to vector<16xf32>
      %swap3A_331 = vector.shape_cast %mul3A_326 : vector<16xf32> to vector<1x16xf32>
      tpu.vector_store %arg9[%swap3A_327, %swap3A_328], %swap3A_331 {strides = array<i32>} : memref<128x128xf32, #tpu.memory_space<vmem>>, vector<1x16xf32>,
      %mul3A_332 = arith.mulf %get3A_128, %mul3A_325 : vector<16xf32>
      %swap3A_333 = arith.index_cast %scan3A_92 : i32 to index
      %swap3A_334 = arith.constant 0 : index
      %swap3A_335 = tpu.vector_load %arg10[%swap3A_333, %swap3A_334] {strides = array<i32>} : memref<128x128xf32, #tpu.memory_space<vmem>>, vector<1x16xf32>,
      %swap3A_336 = vector.shape_cast %swap3A_335 : vector<1x16xf32> to vector<16xf32>
      %swap3A_337 = vector.shape_cast %mul3A_332 : vector<16xf32> to vector<1x16xf32>
      tpu.vector_store %arg10[%swap3A_333, %swap3A_334], %swap3A_337 {strides = array<i32>} : memref<128x128xf32, #tpu.memory_space<vmem>>, vector<1x16xf32>,
      %mul3A_338 = arith.mulf %get3A_100, %mul3A_264 : vector<16xf32>
      %swap3A_339 = arith.index_cast %scan3A_92 : i32 to index
      %swap3A_340 = arith.constant 16 : index
      %swap3A_341 = tpu.vector_load %arg9[%swap3A_339, %swap3A_340] {strides = array<i32>} : memref<128x128xf32, #tpu.memory_space<vmem>>, vector<1x16xf32>,
      %swap3A_342 = vector.shape_cast %swap3A_341 : vector<1x16xf32> to vector<16xf32>
      %swap3A_343 = vector.shape_cast %mul3A_338 : vector<16xf32> to vector<1x16xf32>
      tpu.vector_store %arg9[%swap3A_339, %swap3A_340], %swap3A_343 {strides = array<i32>} : memref<128x128xf32, #tpu.memory_space<vmem>>, vector<1x16xf32>,
      %mul3A_344 = arith.mulf %get3A_132, %mul3A_325 : vector<16xf32>
      %swap3A_345 = arith.index_cast %scan3A_92 : i32 to index
      %swap3A_346 = arith.constant 16 : index
      %swap3A_347 = tpu.vector_load %arg10[%swap3A_345, %swap3A_346] {strides = array<i32>} : memref<128x128xf32, #tpu.memory_space<vmem>>, vector<1x16xf32>,
      %swap3A_348 = vector.shape_cast %swap3A_347 : vector<1x16xf32> to vector<16xf32>
      %swap3A_349 = vector.shape_cast %mul3A_344 : vector<16xf32> to vector<1x16xf32>
      tpu.vector_store %arg10[%swap3A_345, %swap3A_346], %swap3A_349 {strides = array<i32>} : memref<128x128xf32, #tpu.memory_space<vmem>>, vector<1x16xf32>,
      %mul3A_350 = arith.mulf %get3A_104, %mul3A_264 : vector<16xf32>
      %swap3A_351 = arith.index_cast %scan3A_92 : i32 to index
      %swap3A_352 = arith.constant 32 : index
      %swap3A_353 = tpu.vector_load %arg9[%swap3A_351, %swap3A_352] {strides = array<i32>} : memref<128x128xf32, #tpu.memory_space<vmem>>, vector<1x16xf32>,
      %swap3A_354 = vector.shape_cast %swap3A_353 : vector<1x16xf32> to vector<16xf32>
      %swap3A_355 = vector.shape_cast %mul3A_350 : vector<16xf32> to vector<1x16xf32>
      tpu.vector_store %arg9[%swap3A_351, %swap3A_352], %swap3A_355 {strides = array<i32>} : memref<128x128xf32, #tpu.memory_space<vmem>>, vector<1x16xf32>,
      %mul3A_356 = arith.mulf %get3A_136, %mul3A_325 : vector<16xf32>
      %swap3A_357 = arith.index_cast %scan3A_92 : i32 to index
      %swap3A_358 = arith.constant 32 : index
      %swap3A_359 = tpu.vector_load %arg10[%swap3A_357, %swap3A_358] {strides = array<i32>} : memref<128x128xf32, #tpu.memory_space<vmem>>, vector<1x16xf32>,
      %swap3A_360 = vector.shape_cast %swap3A_359 : vector<1x16xf32> to vector<16xf32>
      %swap3A_361 = vector.shape_cast %mul3A_356 : vector<16xf32> to vector<1x16xf32>
      tpu.vector_store %arg10[%swap3A_357, %swap3A_358], %swap3A_361 {strides = array<i32>} : memref<128x128xf32, #tpu.memory_space<vmem>>, vector<1x16xf32>,
      %mul3A_362 = arith.mulf %get3A_108, %mul3A_264 : vector<16xf32>
      %swap3A_363 = arith.index_cast %scan3A_92 : i32 to index
      %swap3A_364 = arith.constant 48 : index
      %swap3A_365 = tpu.vector_load %arg9[%swap3A_363, %swap3A_364] {strides = array<i32>} : memref<128x128xf32, #tpu.memory_space<vmem>>, vector<1x16xf32>,
      %swap3A_366 = vector.shape_cast %swap3A_365 : vector<1x16xf32> to vector<16xf32>
      %swap3A_367 = vector.shape_cast %mul3A_362 : vector<16xf32> to vector<1x16xf32>
      tpu.vector_store %arg9[%swap3A_363, %swap3A_364], %swap3A_367 {strides = array<i32>} : memref<128x128xf32, #tpu.memory_space<vmem>>, vector<1x16xf32>,
      %mul3A_368 = arith.mulf %get3A_140, %mul3A_325 : vector<16xf32>
      %swap3A_369 = arith.index_cast %scan3A_92 : i32 to index
      %swap3A_370 = arith.constant 48 : index
      %swap3A_371 = tpu.vector_load %arg10[%swap3A_369, %swap3A_370] {strides = array<i32>} : memref<128x128xf32, #tpu.memory_space<vmem>>, vector<1x16xf32>,
      %swap3A_372 = vector.shape_cast %swap3A_371 : vector<1x16xf32> to vector<16xf32>
      %swap3A_373 = vector.shape_cast %mul3A_368 : vector<16xf32> to vector<1x16xf32>
      tpu.vector_store %arg10[%swap3A_369, %swap3A_370], %swap3A_373 {strides = array<i32>} : memref<128x128xf32, #tpu.memory_space<vmem>>, vector<1x16xf32>,
      %mul3A_374 = arith.mulf %get3A_112, %mul3A_264 : vector<16xf32>
      %swap3A_375 = arith.index_cast %scan3A_92 : i32 to index
      %swap3A_376 = arith.constant 64 : index
      %swap3A_377 = tpu.vector_load %arg9[%swap3A_375, %swap3A_376] {strides = array<i32>} : memref<128x128xf32, #tpu.memory_space<vmem>>, vector<1x16xf32>,
      %swap3A_378 = vector.shape_cast %swap3A_377 : vector<1x16xf32> to vector<16xf32>
      %swap3A_379 = vector.shape_cast %mul3A_374 : vector<16xf32> to vector<1x16xf32>
      tpu.vector_store %arg9[%swap3A_375, %swap3A_376], %swap3A_379 {strides = array<i32>} : memref<128x128xf32, #tpu.memory_space<vmem>>, vector<1x16xf32>,
      %mul3A_380 = arith.mulf %get3A_144, %mul3A_325 : vector<16xf32>
      %swap3A_381 = arith.index_cast %scan3A_92 : i32 to index
      %swap3A_382 = arith.constant 64 : index
      %swap3A_383 = tpu.vector_load %arg10[%swap3A_381, %swap3A_382] {strides = array<i32>} : memref<128x128xf32, #tpu.memory_space<vmem>>, vector<1x16xf32>,
      %swap3A_384 = vector.shape_cast %swap3A_383 : vector<1x16xf32> to vector<16xf32>
      %swap3A_385 = vector.shape_cast %mul3A_380 : vector<16xf32> to vector<1x16xf32>
      tpu.vector_store %arg10[%swap3A_381, %swap3A_382], %swap3A_385 {strides = array<i32>} : memref<128x128xf32, #tpu.memory_space<vmem>>, vector<1x16xf32>,
      %mul3A_386 = arith.mulf %get3A_116, %mul3A_264 : vector<16xf32>
      %swap3A_387 = arith.index_cast %scan3A_92 : i32 to index
      %swap3A_388 = arith.constant 80 : index
      %swap3A_389 = tpu.vector_load %arg9[%swap3A_387, %swap3A_388] {strides = array<i32>} : memref<128x128xf32, #tpu.memory_space<vmem>>, vector<1x16xf32>,
      %swap3A_390 = vector.shape_cast %swap3A_389 : vector<1x16xf32> to vector<16xf32>
      %swap3A_391 = vector.shape_cast %mul3A_386 : vector<16xf32> to vector<1x16xf32>
      tpu.vector_store %arg9[%swap3A_387, %swap3A_388], %swap3A_391 {strides = array<i32>} : memref<128x128xf32, #tpu.memory_space<vmem>>, vector<1x16xf32>,
      %mul3A_392 = arith.mulf %get3A_148, %mul3A_325 : vector<16xf32>
      %swap3A_393 = arith.index_cast %scan3A_92 : i32 to index
      %swap3A_394 = arith.constant 80 : index
      %swap3A_395 = tpu.vector_load %arg10[%swap3A_393, %swap3A_394] {strides = array<i32>} : memref<128x128xf32, #tpu.memory_space<vmem>>, vector<1x16xf32>,
      %swap3A_396 = vector.shape_cast %swap3A_395 : vector<1x16xf32> to vector<16xf32>
      %swap3A_397 = vector.shape_cast %mul3A_392 : vector<16xf32> to vector<1x16xf32>
      tpu.vector_store %arg10[%swap3A_393, %swap3A_394], %swap3A_397 {strides = array<i32>} : memref<128x128xf32, #tpu.memory_space<vmem>>, vector<1x16xf32>,
      %mul3A_398 = arith.mulf %get3A_120, %mul3A_264 : vector<16xf32>
      %swap3A_399 = arith.index_cast %scan3A_92 : i32 to index
      %swap3A_400 = arith.constant 96 : index
      %swap3A_401 = tpu.vector_load %arg9[%swap3A_399, %swap3A_400] {strides = array<i32>} : memref<128x128xf32, #tpu.memory_space<vmem>>, vector<1x16xf32>,
      %swap3A_402 = vector.shape_cast %swap3A_401 : vector<1x16xf32> to vector<16xf32>
      %swap3A_403 = vector.shape_cast %mul3A_398 : vector<16xf32> to vector<1x16xf32>
      tpu.vector_store %arg9[%swap3A_399, %swap3A_400], %swap3A_403 {strides = array<i32>} : memref<128x128xf32, #tpu.memory_space<vmem>>, vector<1x16xf32>,
      %mul3A_404 = arith.mulf %get3A_152, %mul3A_325 : vector<16xf32>
      %swap3A_405 = arith.index_cast %scan3A_92 : i32 to index
      %swap3A_406 = arith.constant 96 : index
      %swap3A_407 = tpu.vector_load %arg10[%swap3A_405, %swap3A_406] {strides = array<i32>} : memref<128x128xf32, #tpu.memory_space<vmem>>, vector<1x16xf32>,
      %swap3A_408 = vector.shape_cast %swap3A_407 : vector<1x16xf32> to vector<16xf32>
      %swap3A_409 = vector.shape_cast %mul3A_404 : vector<16xf32> to vector<1x16xf32>
      tpu.vector_store %arg10[%swap3A_405, %swap3A_406], %swap3A_409 {strides = array<i32>} : memref<128x128xf32, #tpu.memory_space<vmem>>, vector<1x16xf32>,
      %mul3A_410 = arith.mulf %get3A_124, %mul3A_264 : vector<16xf32>
      %swap3A_411 = arith.index_cast %scan3A_92 : i32 to index
      %swap3A_412 = arith.constant 112 : index
      %swap3A_413 = tpu.vector_load %arg9[%swap3A_411, %swap3A_412] {strides = array<i32>} : memref<128x128xf32, #tpu.memory_space<vmem>>, vector<1x16xf32>,
      %swap3A_414 = vector.shape_cast %swap3A_413 : vector<1x16xf32> to vector<16xf32>
      %swap3A_415 = vector.shape_cast %mul3A_410 : vector<16xf32> to vector<1x16xf32>
      tpu.vector_store %arg9[%swap3A_411, %swap3A_412], %swap3A_415 {strides = array<i32>} : memref<128x128xf32, #tpu.memory_space<vmem>>, vector<1x16xf32>,
      %mul3A_416 = arith.mulf %get3A_156, %mul3A_325 : vector<16xf32>
      %swap3A_417 = arith.index_cast %scan3A_92 : i32 to index
      %swap3A_418 = arith.constant 112 : index
      %swap3A_419 = tpu.vector_load %arg10[%swap3A_417, %swap3A_418] {strides = array<i32>} : memref<128x128xf32, #tpu.memory_space<vmem>>, vector<1x16xf32>,
      %swap3A_420 = vector.shape_cast %swap3A_419 : vector<1x16xf32> to vector<16xf32>
      %swap3A_421 = vector.shape_cast %mul3A_416 : vector<16xf32> to vector<1x16xf32>
      tpu.vector_store %arg10[%swap3A_417, %swap3A_418], %swap3A_421 {strides = array<i32>} : memref<128x128xf32, #tpu.memory_space<vmem>>, vector<1x16xf32>,
      scf.yield %add3A_209 : vector<16xf32>
    }
    %scan3A_66 = arith.constant 128 : i32
    "tpu.region"() ({
      %run_scoped3A = tpu.sem_alloc : memref<!tpu.dma_semaphore, #tpu.memory_space<semaphore_mem>>
      %dma_start3A_92 = arith.constant 0 : i32
      %dma_start3A_93 = tpu.memref_slice %arg6[%add3A_46, %dma_start3A_92] : memref<16384x128xf32, #tpu.memory_space<hbm>> -> memref<128x128xf32, #tpu.memory_space<hbm>>
      %dma_start3A_94 = arith.constant 0 : i32
      %dma_start3A_95 = tpu.memref_slice %arg6[%add3A_46, %dma_start3A_94] : memref<16384x128xf32, #tpu.memory_space<hbm>> -> memref<128x128xf32, #tpu.memory_space<hbm>>
      tpu.enqueue_dma source(%arg9 : memref<128x128xf32, #tpu.memory_space<vmem>>) target(%dma_start3A_95 : memref<128x128xf32, #tpu.memory_space<hbm>>) target_semaphore(%run_scoped3A : memref<!tpu.dma_semaphore, #tpu.memory_space<semaphore_mem>>)
      %dma_wait3A_96 = arith.constant 0 : i32
      %dma_wait3A_97 = tpu.memref_slice %arg6[%add3A_46, %dma_wait3A_96] : memref<16384x128xf32, #tpu.memory_space<hbm>> -> memref<128x128xf32, #tpu.memory_space<hbm>>
      %dma_wait3A_98 = arith.constant 0 : i32
      %dma_wait3A_99 = tpu.memref_slice %arg6[%add3A_46, %dma_wait3A_98] : memref<16384x128xf32, #tpu.memory_space<hbm>> -> memref<128x128xf32, #tpu.memory_space<hbm>>
      tpu.wait_dma2 semaphore(%run_scoped3A : memref<!tpu.dma_semaphore, #tpu.memory_space<semaphore_mem>>) src(%arg9 : memref<128x128xf32, #tpu.memory_space<vmem>>) dst(%dma_wait3A_99 : memref<128x128xf32, #tpu.memory_space<hbm>>)
      tpu.yield
    }) : () -> ()
    "tpu.region"() ({
      %run_scoped3A = tpu.sem_alloc : memref<!tpu.dma_semaphore, #tpu.memory_space<semaphore_mem>>
      %dma_start3A_92 = arith.constant 0 : i32
      %dma_start3A_93 = tpu.memref_slice %arg7[%add3A_46, %dma_start3A_92] : memref<16384x128xf32, #tpu.memory_space<hbm>> -> memref<128x128xf32, #tpu.memory_space<hbm>>
      %dma_start3A_94 = arith.constant 0 : i32
      %dma_start3A_95 = tpu.memref_slice %arg7[%add3A_46, %dma_start3A_94] : memref<16384x128xf32, #tpu.memory_space<hbm>> -> memref<128x128xf32, #tpu.memory_space<hbm>>
      tpu.enqueue_dma source(%arg10 : memref<128x128xf32, #tpu.memory_space<vmem>>) target(%dma_start3A_95 : memref<128x128xf32, #tpu.memory_space<hbm>>) target_semaphore(%run_scoped3A : memref<!tpu.dma_semaphore, #tpu.memory_space<semaphore_mem>>)
      %dma_wait3A_96 = arith.constant 0 : i32
      %dma_wait3A_97 = tpu.memref_slice %arg7[%add3A_46, %dma_wait3A_96] : memref<16384x128xf32, #tpu.memory_space<hbm>> -> memref<128x128xf32, #tpu.memory_space<hbm>>
      %dma_wait3A_98 = arith.constant 0 : i32
      %dma_wait3A_99 = tpu.memref_slice %arg7[%add3A_46, %dma_wait3A_98] : memref<16384x128xf32, #tpu.memory_space<hbm>> -> memref<128x128xf32, #tpu.memory_space<hbm>>
      tpu.wait_dma2 semaphore(%run_scoped3A : memref<!tpu.dma_semaphore, #tpu.memory_space<semaphore_mem>>) src(%arg10 : memref<128x128xf32, #tpu.memory_space<vmem>>) dst(%dma_wait3A_99 : memref<128x128xf32, #tpu.memory_space<hbm>>)
      tpu.yield
    }) : () -> ()
    %add3A_67 = arith.constant 384 : i32
    %add3A_68 = arith.addi %mul3A_2, %add3A_67 : i32
    %dma_start3A_69 = arith.constant 3 : i32
    %dma_start3A_70 = arith.constant 0 : i32
    %dma_start3A_71 = tpu.memref_slice %arg8[%dma_start3A_69, %dma_start3A_70] : memref<4x128xi32, #tpu.memory_space<vmem>> -> memref<1x128xi32, #tpu.memory_space<vmem>>
    %dma_start3A_72 = tpu.memref_squeeze %dma_start3A_71 : memref<1x128xi32, #tpu.memory_space<vmem>> -> memref<128xi32, #tpu.memory_space<vmem>>
    %dma_start3A_73 = arith.constant 0 : i32
    %dma_start3A_74 = arith.constant 0 : i32
    %dma_start3A_75 = tpu.memref_slice %arg4[%dma_start3A_73, %dma_start3A_74] : memref<100000x128xf32, #tpu.memory_space<hbm>> -> memref<100000x128xf32, #tpu.memory_space<hbm>>
    tpu.enqueue_indirect_dma source(%dma_start3A_75 : memref<100000x128xf32, #tpu.memory_space<hbm>>) target(%arg10 : memref<128x128xf32, #tpu.memory_space<vmem>>) offsets(%dma_start3A_72 : memref<128xi32, #tpu.memory_space<vmem>>) semaphore(%arg12 : memref<!tpu.dma_semaphore, #tpu.memory_space<semaphore_mem>>)
    %dma_wait3A_76 = arith.constant 3 : i32
    %dma_wait3A_77 = arith.constant 0 : i32
    %dma_wait3A_78 = tpu.memref_slice %arg8[%dma_wait3A_76, %dma_wait3A_77] : memref<4x128xi32, #tpu.memory_space<vmem>> -> memref<1x128xi32, #tpu.memory_space<vmem>>
    %dma_wait3A_79 = tpu.memref_squeeze %dma_wait3A_78 : memref<1x128xi32, #tpu.memory_space<vmem>> -> memref<128xi32, #tpu.memory_space<vmem>>
    %dma_wait3A_80 = arith.constant 0 : i32
    %dma_wait3A_81 = arith.constant 0 : i32
    %dma_wait3A_82 = tpu.memref_slice %arg4[%dma_wait3A_80, %dma_wait3A_81] : memref<100000x128xf32, #tpu.memory_space<hbm>> -> memref<100000x128xf32, #tpu.memory_space<hbm>>
    tpu.wait_indirect_dma semaphore(%arg12 : memref<!tpu.dma_semaphore, #tpu.memory_space<semaphore_mem>>) src(%dma_wait3A_82 : memref<100000x128xf32, #tpu.memory_space<hbm>>) dst(%arg10 : memref<128x128xf32, #tpu.memory_space<vmem>>)
    "tpu.region"() ({
      %run_scoped3A = tpu.sem_alloc : memref<!tpu.dma_semaphore, #tpu.memory_space<semaphore_mem>>
      %dma_start3A_92 = arith.constant 0 : i32
      %dma_start3A_93 = tpu.memref_slice %arg2[%add3A_68, %dma_start3A_92] : memref<16384x128xf32, #tpu.memory_space<hbm>> -> memref<128x128xf32, #tpu.memory_space<hbm>>
      %dma_start3A_94 = arith.constant 0 : i32
      %dma_start3A_95 = tpu.memref_slice %arg2[%add3A_68, %dma_start3A_94] : memref<16384x128xf32, #tpu.memory_space<hbm>> -> memref<128x128xf32, #tpu.memory_space<hbm>>
      tpu.enqueue_dma source(%dma_start3A_95 : memref<128x128xf32, #tpu.memory_space<hbm>>) target(%arg9 : memref<128x128xf32, #tpu.memory_space<vmem>>) target_semaphore(%run_scoped3A : memref<!tpu.dma_semaphore, #tpu.memory_space<semaphore_mem>>)
      %dma_wait3A_96 = arith.constant 0 : i32
      %dma_wait3A_97 = tpu.memref_slice %arg2[%add3A_68, %dma_wait3A_96] : memref<16384x128xf32, #tpu.memory_space<hbm>> -> memref<128x128xf32, #tpu.memory_space<hbm>>
      %dma_wait3A_98 = arith.constant 0 : i32
      %dma_wait3A_99 = tpu.memref_slice %arg2[%add3A_68, %dma_wait3A_98] : memref<16384x128xf32, #tpu.memory_space<hbm>> -> memref<128x128xf32, #tpu.memory_space<hbm>>
      tpu.wait_dma2 semaphore(%run_scoped3A : memref<!tpu.dma_semaphore, #tpu.memory_space<semaphore_mem>>) src(%dma_wait3A_99 : memref<128x128xf32, #tpu.memory_space<hbm>>) dst(%arg9 : memref<128x128xf32, #tpu.memory_space<vmem>>)
      tpu.yield
    }) : () -> ()
    %scan3A_83 = arith.constant 0 : i32
    %scan3A_84 = arith.constant 128 : i32
    %scan3A_85 = arith.addi %scan3A_83, %scan3A_84 : i32
    %scan3A_86 = arith.constant 1 : i32
    %scan3A_87 = scf.for %scan3A_92 = %scan3A_83 to %scan3A_85 step %scan3A_86 iter_args(%scan3A_93 = %scan3A_65) -> (vector<16xf32>)  : i32 {
      %get3A = arith.index_cast %scan3A_92 : i32 to index
      %get3A_94 = arith.constant 0 : index
      %get3A_95 = tpu.vector_load %arg9[%get3A, %get3A_94] {strides = array<i32>} : memref<128x128xf32, #tpu.memory_space<vmem>>, vector<1x16xf32>,
      %get3A_96 = vector.shape_cast %get3A_95 : vector<1x16xf32> to vector<16xf32>
      %get3A_97 = arith.index_cast %scan3A_92 : i32 to index
      %get3A_98 = arith.constant 16 : index
      %get3A_99 = tpu.vector_load %arg9[%get3A_97, %get3A_98] {strides = array<i32>} : memref<128x128xf32, #tpu.memory_space<vmem>>, vector<1x16xf32>,
      %get3A_100 = vector.shape_cast %get3A_99 : vector<1x16xf32> to vector<16xf32>
      %get3A_101 = arith.index_cast %scan3A_92 : i32 to index
      %get3A_102 = arith.constant 32 : index
      %get3A_103 = tpu.vector_load %arg9[%get3A_101, %get3A_102] {strides = array<i32>} : memref<128x128xf32, #tpu.memory_space<vmem>>, vector<1x16xf32>,
      %get3A_104 = vector.shape_cast %get3A_103 : vector<1x16xf32> to vector<16xf32>
      %get3A_105 = arith.index_cast %scan3A_92 : i32 to index
      %get3A_106 = arith.constant 48 : index
      %get3A_107 = tpu.vector_load %arg9[%get3A_105, %get3A_106] {strides = array<i32>} : memref<128x128xf32, #tpu.memory_space<vmem>>, vector<1x16xf32>,
      %get3A_108 = vector.shape_cast %get3A_107 : vector<1x16xf32> to vector<16xf32>
      %get3A_109 = arith.index_cast %scan3A_92 : i32 to index
      %get3A_110 = arith.constant 64 : index
      %get3A_111 = tpu.vector_load %arg9[%get3A_109, %get3A_110] {strides = array<i32>} : memref<128x128xf32, #tpu.memory_space<vmem>>, vector<1x16xf32>,
      %get3A_112 = vector.shape_cast %get3A_111 : vector<1x16xf32> to vector<16xf32>
      %get3A_113 = arith.index_cast %scan3A_92 : i32 to index
      %get3A_114 = arith.constant 80 : index
      %get3A_115 = tpu.vector_load %arg9[%get3A_113, %get3A_114] {strides = array<i32>} : memref<128x128xf32, #tpu.memory_space<vmem>>, vector<1x16xf32>,
      %get3A_116 = vector.shape_cast %get3A_115 : vector<1x16xf32> to vector<16xf32>
      %get3A_117 = arith.index_cast %scan3A_92 : i32 to index
      %get3A_118 = arith.constant 96 : index
      %get3A_119 = tpu.vector_load %arg9[%get3A_117, %get3A_118] {strides = array<i32>} : memref<128x128xf32, #tpu.memory_space<vmem>>, vector<1x16xf32>,
      %get3A_120 = vector.shape_cast %get3A_119 : vector<1x16xf32> to vector<16xf32>
      %get3A_121 = arith.index_cast %scan3A_92 : i32 to index
      %get3A_122 = arith.constant 112 : index
      %get3A_123 = tpu.vector_load %arg9[%get3A_121, %get3A_122] {strides = array<i32>} : memref<128x128xf32, #tpu.memory_space<vmem>>, vector<1x16xf32>,
      %get3A_124 = vector.shape_cast %get3A_123 : vector<1x16xf32> to vector<16xf32>
      %get3A_125 = arith.index_cast %scan3A_92 : i32 to index
      %get3A_126 = arith.constant 0 : index
      %get3A_127 = tpu.vector_load %arg10[%get3A_125, %get3A_126] {strides = array<i32>} : memref<128x128xf32, #tpu.memory_space<vmem>>, vector<1x16xf32>,
      %get3A_128 = vector.shape_cast %get3A_127 : vector<1x16xf32> to vector<16xf32>
      %get3A_129 = arith.index_cast %scan3A_92 : i32 to index
      %get3A_130 = arith.constant 16 : index
      %get3A_131 = tpu.vector_load %arg10[%get3A_129, %get3A_130] {strides = array<i32>} : memref<128x128xf32, #tpu.memory_space<vmem>>, vector<1x16xf32>,
      %get3A_132 = vector.shape_cast %get3A_131 : vector<1x16xf32> to vector<16xf32>
      %get3A_133 = arith.index_cast %scan3A_92 : i32 to index
      %get3A_134 = arith.constant 32 : index
      %get3A_135 = tpu.vector_load %arg10[%get3A_133, %get3A_134] {strides = array<i32>} : memref<128x128xf32, #tpu.memory_space<vmem>>, vector<1x16xf32>,
      %get3A_136 = vector.shape_cast %get3A_135 : vector<1x16xf32> to vector<16xf32>
      %get3A_137 = arith.index_cast %scan3A_92 : i32 to index
      %get3A_138 = arith.constant 48 : index
      %get3A_139 = tpu.vector_load %arg10[%get3A_137, %get3A_138] {strides = array<i32>} : memref<128x128xf32, #tpu.memory_space<vmem>>, vector<1x16xf32>,
      %get3A_140 = vector.shape_cast %get3A_139 : vector<1x16xf32> to vector<16xf32>
      %get3A_141 = arith.index_cast %scan3A_92 : i32 to index
      %get3A_142 = arith.constant 64 : index
      %get3A_143 = tpu.vector_load %arg10[%get3A_141, %get3A_142] {strides = array<i32>} : memref<128x128xf32, #tpu.memory_space<vmem>>, vector<1x16xf32>,
      %get3A_144 = vector.shape_cast %get3A_143 : vector<1x16xf32> to vector<16xf32>
      %get3A_145 = arith.index_cast %scan3A_92 : i32 to index
      %get3A_146 = arith.constant 80 : index
      %get3A_147 = tpu.vector_load %arg10[%get3A_145, %get3A_146] {strides = array<i32>} : memref<128x128xf32, #tpu.memory_space<vmem>>, vector<1x16xf32>,
      %get3A_148 = vector.shape_cast %get3A_147 : vector<1x16xf32> to vector<16xf32>
      %get3A_149 = arith.index_cast %scan3A_92 : i32 to index
      %get3A_150 = arith.constant 96 : index
      %get3A_151 = tpu.vector_load %arg10[%get3A_149, %get3A_150] {strides = array<i32>} : memref<128x128xf32, #tpu.memory_space<vmem>>, vector<1x16xf32>,
      %get3A_152 = vector.shape_cast %get3A_151 : vector<1x16xf32> to vector<16xf32>
      %get3A_153 = arith.index_cast %scan3A_92 : i32 to index
      %get3A_154 = arith.constant 112 : index
      %get3A_155 = tpu.vector_load %arg10[%get3A_153, %get3A_154] {strides = array<i32>} : memref<128x128xf32, #tpu.memory_space<vmem>>, vector<1x16xf32>,
      %get3A_156 = vector.shape_cast %get3A_155 : vector<1x16xf32> to vector<16xf32>
      %mul3A_157 = arith.mulf %get3A_96, %get3A_96 : vector<16xf32>
      %mul3A_158 = arith.mulf %get3A_128, %get3A_128 : vector<16xf32>
      %mul3A_159 = arith.mulf %get3A_100, %get3A_100 : vector<16xf32>
      %add3A_160 = arith.addf %mul3A_157, %mul3A_159 : vector<16xf32>
      %mul3A_161 = arith.mulf %get3A_132, %get3A_132 : vector<16xf32>
      %add3A_162 = arith.addf %mul3A_158, %mul3A_161 : vector<16xf32>
      %mul3A_163 = arith.mulf %get3A_104, %get3A_104 : vector<16xf32>
      %add3A_164 = arith.addf %add3A_160, %mul3A_163 : vector<16xf32>
      %mul3A_165 = arith.mulf %get3A_136, %get3A_136 : vector<16xf32>
      %add3A_166 = arith.addf %add3A_162, %mul3A_165 : vector<16xf32>
      %mul3A_167 = arith.mulf %get3A_108, %get3A_108 : vector<16xf32>
      %add3A_168 = arith.addf %add3A_164, %mul3A_167 : vector<16xf32>
      %mul3A_169 = arith.mulf %get3A_140, %get3A_140 : vector<16xf32>
      %add3A_170 = arith.addf %add3A_166, %mul3A_169 : vector<16xf32>
      %mul3A_171 = arith.mulf %get3A_112, %get3A_112 : vector<16xf32>
      %add3A_172 = arith.addf %add3A_168, %mul3A_171 : vector<16xf32>
      %mul3A_173 = arith.mulf %get3A_144, %get3A_144 : vector<16xf32>
      %add3A_174 = arith.addf %add3A_170, %mul3A_173 : vector<16xf32>
      %mul3A_175 = arith.mulf %get3A_116, %get3A_116 : vector<16xf32>
      %add3A_176 = arith.addf %add3A_172, %mul3A_175 : vector<16xf32>
      %mul3A_177 = arith.mulf %get3A_148, %get3A_148 : vector<16xf32>
      %add3A_178 = arith.addf %add3A_174, %mul3A_177 : vector<16xf32>
      %mul3A_179 = arith.mulf %get3A_120, %get3A_120 : vector<16xf32>
      %add3A_180 = arith.addf %add3A_176, %mul3A_179 : vector<16xf32>
      %mul3A_181 = arith.mulf %get3A_152, %get3A_152 : vector<16xf32>
      %add3A_182 = arith.addf %add3A_178, %mul3A_181 : vector<16xf32>
      %mul3A_183 = arith.mulf %get3A_124, %get3A_124 : vector<16xf32>
      %add3A_184 = arith.addf %add3A_180, %mul3A_183 : vector<16xf32>
      %mul3A_185 = arith.mulf %get3A_156, %get3A_156 : vector<16xf32>
      %add3A_186 = arith.addf %add3A_182, %mul3A_185 : vector<16xf32>
      %sub3A = arith.subf %get3A_128, %get3A_96 : vector<16xf32>
      %mul3A_187 = arith.mulf %sub3A, %sub3A : vector<16xf32>
      %add3A_188 = arith.addf %scan3A_93, %mul3A_187 : vector<16xf32>
      %sub3A_189 = arith.subf %get3A_132, %get3A_100 : vector<16xf32>
      %mul3A_190 = arith.mulf %sub3A_189, %sub3A_189 : vector<16xf32>
      %add3A_191 = arith.addf %add3A_188, %mul3A_190 : vector<16xf32>
      %sub3A_192 = arith.subf %get3A_136, %get3A_104 : vector<16xf32>
      %mul3A_193 = arith.mulf %sub3A_192, %sub3A_192 : vector<16xf32>
      %add3A_194 = arith.addf %add3A_191, %mul3A_193 : vector<16xf32>
      %sub3A_195 = arith.subf %get3A_140, %get3A_108 : vector<16xf32>
      %mul3A_196 = arith.mulf %sub3A_195, %sub3A_195 : vector<16xf32>
      %add3A_197 = arith.addf %add3A_194, %mul3A_196 : vector<16xf32>
      %sub3A_198 = arith.subf %get3A_144, %get3A_112 : vector<16xf32>
      %mul3A_199 = arith.mulf %sub3A_198, %sub3A_198 : vector<16xf32>
      %add3A_200 = arith.addf %add3A_197, %mul3A_199 : vector<16xf32>
      %sub3A_201 = arith.subf %get3A_148, %get3A_116 : vector<16xf32>
      %mul3A_202 = arith.mulf %sub3A_201, %sub3A_201 : vector<16xf32>
      %add3A_203 = arith.addf %add3A_200, %mul3A_202 : vector<16xf32>
      %sub3A_204 = arith.subf %get3A_152, %get3A_120 : vector<16xf32>
      %mul3A_205 = arith.mulf %sub3A_204, %sub3A_204 : vector<16xf32>
      %add3A_206 = arith.addf %add3A_203, %mul3A_205 : vector<16xf32>
      %sub3A_207 = arith.subf %get3A_156, %get3A_124 : vector<16xf32>
      %mul3A_208 = arith.mulf %sub3A_207, %sub3A_207 : vector<16xf32>
      %add3A_209 = arith.addf %add3A_206, %mul3A_208 : vector<16xf32>
      %iota3A = tpu.iota {dimensions = array<i32: 0>} : vector<16xi32>
      %xor3A = arith.constant 8 : i32
      %xor3A_210 = vector.broadcast %xor3A : i32 to vector<16xi32>
      %xor3A_211 = arith.xori %iota3A, %xor3A_210 : vector<16xi32>
      %broadcast_in_dim3A_212 = vector.shape_cast %xor3A_211 : vector<16xi32> to vector<16x1xi32>
      %gather3A = vector.shape_cast %broadcast_in_dim3A_212 : vector<16x1xi32> to vector<16xi32>
      %gather3A_213 = tpu.dynamic_gather %add3A_184[%gather3A] in [0] : vector<16xf32>, vector<16xi32> -> vector<16xf32>
      %add3A_214 = arith.addf %add3A_184, %gather3A_213 : vector<16xf32>
      %xor3A_215 = arith.constant 4 : i32
      %xor3A_216 = vector.broadcast %xor3A_215 : i32 to vector<16xi32>
      %xor3A_217 = arith.xori %iota3A, %xor3A_216 : vector<16xi32>
      %broadcast_in_dim3A_218 = vector.shape_cast %xor3A_217 : vector<16xi32> to vector<16x1xi32>
      %gather3A_219 = vector.shape_cast %broadcast_in_dim3A_218 : vector<16x1xi32> to vector<16xi32>
      %gather3A_220 = tpu.dynamic_gather %add3A_214[%gather3A_219] in [0] : vector<16xf32>, vector<16xi32> -> vector<16xf32>
      %add3A_221 = arith.addf %add3A_214, %gather3A_220 : vector<16xf32>
      %xor3A_222 = arith.constant 2 : i32
      %xor3A_223 = vector.broadcast %xor3A_222 : i32 to vector<16xi32>
      %xor3A_224 = arith.xori %iota3A, %xor3A_223 : vector<16xi32>
      %broadcast_in_dim3A_225 = vector.shape_cast %xor3A_224 : vector<16xi32> to vector<16x1xi32>
      %gather3A_226 = vector.shape_cast %broadcast_in_dim3A_225 : vector<16x1xi32> to vector<16xi32>
      %gather3A_227 = tpu.dynamic_gather %add3A_221[%gather3A_226] in [0] : vector<16xf32>, vector<16xi32> -> vector<16xf32>
      %add3A_228 = arith.addf %add3A_221, %gather3A_227 : vector<16xf32>
      %xor3A_229 = arith.constant 1 : i32
      %xor3A_230 = vector.broadcast %xor3A_229 : i32 to vector<16xi32>
      %xor3A_231 = arith.xori %iota3A, %xor3A_230 : vector<16xi32>
      %broadcast_in_dim3A_232 = vector.shape_cast %xor3A_231 : vector<16xi32> to vector<16x1xi32>
      %gather3A_233 = vector.shape_cast %broadcast_in_dim3A_232 : vector<16x1xi32> to vector<16xi32>
      %gather3A_234 = tpu.dynamic_gather %add3A_228[%gather3A_233] in [0] : vector<16xf32>, vector<16xi32> -> vector<16xf32>
      %add3A_235 = arith.addf %add3A_228, %gather3A_234 : vector<16xf32>
      %max3A = arith.constant 1.000000e-24 : f32
      %max3A_236 = vector.broadcast %max3A : f32 to vector<16xf32>
      %max3A_237 = arith.maximumf %add3A_235, %max3A_236 : vector<16xf32>
      %bitcast_convert_type3A = tpu.bitcast %max3A_237 : vector<16xf32> -> vector<16xi32>
      %shift_right_arithmetic3A = arith.constant 1 : i32
      %shift_right_arithmetic3A_238 = vector.broadcast %shift_right_arithmetic3A : i32 to vector<16xi32>
      %shift_right_arithmetic3A_239 = arith.shrsi %bitcast_convert_type3A, %shift_right_arithmetic3A_238 : vector<16xi32>
      %sub3A_240 = arith.constant 1597463007 : i32
      %sub3A_241 = vector.broadcast %sub3A_240 : i32 to vector<16xi32>
      %sub3A_242 = arith.subi %sub3A_241, %shift_right_arithmetic3A_239 : vector<16xi32>
      %bitcast_convert_type3A_243 = tpu.bitcast %sub3A_242 : vector<16xi32> -> vector<16xf32>
      %mul3A_244 = arith.constant 5.000000e-01 : f32
      %mul3A_245 = vector.broadcast %mul3A_244 : f32 to vector<16xf32>
      %mul3A_246 = arith.mulf %max3A_237, %mul3A_245 : vector<16xf32>
      %mul3A_247 = arith.mulf %mul3A_246, %bitcast_convert_type3A_243 : vector<16xf32>
      %mul3A_248 = arith.mulf %mul3A_247, %bitcast_convert_type3A_243 : vector<16xf32>
      %sub3A_249 = arith.constant 1.500000e+00 : f32
      %sub3A_250 = vector.broadcast %sub3A_249 : f32 to vector<16xf32>
      %sub3A_251 = arith.subf %sub3A_250, %mul3A_248 : vector<16xf32>
      %mul3A_252 = arith.mulf %bitcast_convert_type3A_243, %sub3A_251 : vector<16xf32>
      %mul3A_253 = arith.mulf %mul3A_246, %mul3A_252 : vector<16xf32>
      %mul3A_254 = arith.mulf %mul3A_253, %mul3A_252 : vector<16xf32>
      %sub3A_255 = arith.constant 1.500000e+00 : f32
      %sub3A_256 = vector.broadcast %sub3A_255 : f32 to vector<16xf32>
      %sub3A_257 = arith.subf %sub3A_256, %mul3A_254 : vector<16xf32>
      %mul3A_258 = arith.mulf %mul3A_252, %sub3A_257 : vector<16xf32>
      %mul3A_259 = arith.mulf %mul3A_246, %mul3A_258 : vector<16xf32>
      %mul3A_260 = arith.mulf %mul3A_259, %mul3A_258 : vector<16xf32>
      %sub3A_261 = arith.constant 1.500000e+00 : f32
      %sub3A_262 = vector.broadcast %sub3A_261 : f32 to vector<16xf32>
      %sub3A_263 = arith.subf %sub3A_262, %mul3A_260 : vector<16xf32>
      %mul3A_264 = arith.mulf %mul3A_258, %sub3A_263 : vector<16xf32>
      %iota3A_265 = tpu.iota {dimensions = array<i32: 0>} : vector<16xi32>
      %xor3A_266 = arith.constant 8 : i32
      %xor3A_267 = vector.broadcast %xor3A_266 : i32 to vector<16xi32>
      %xor3A_268 = arith.xori %iota3A_265, %xor3A_267 : vector<16xi32>
      %broadcast_in_dim3A_269 = vector.shape_cast %xor3A_268 : vector<16xi32> to vector<16x1xi32>
      %gather3A_270 = vector.shape_cast %broadcast_in_dim3A_269 : vector<16x1xi32> to vector<16xi32>
      %gather3A_271 = tpu.dynamic_gather %add3A_186[%gather3A_270] in [0] : vector<16xf32>, vector<16xi32> -> vector<16xf32>
      %add3A_272 = arith.addf %add3A_186, %gather3A_271 : vector<16xf32>
      %xor3A_273 = arith.constant 4 : i32
      %xor3A_274 = vector.broadcast %xor3A_273 : i32 to vector<16xi32>
      %xor3A_275 = arith.xori %iota3A_265, %xor3A_274 : vector<16xi32>
      %broadcast_in_dim3A_276 = vector.shape_cast %xor3A_275 : vector<16xi32> to vector<16x1xi32>
      %gather3A_277 = vector.shape_cast %broadcast_in_dim3A_276 : vector<16x1xi32> to vector<16xi32>
      %gather3A_278 = tpu.dynamic_gather %add3A_272[%gather3A_277] in [0] : vector<16xf32>, vector<16xi32> -> vector<16xf32>
      %add3A_279 = arith.addf %add3A_272, %gather3A_278 : vector<16xf32>
      %xor3A_280 = arith.constant 2 : i32
      %xor3A_281 = vector.broadcast %xor3A_280 : i32 to vector<16xi32>
      %xor3A_282 = arith.xori %iota3A_265, %xor3A_281 : vector<16xi32>
      %broadcast_in_dim3A_283 = vector.shape_cast %xor3A_282 : vector<16xi32> to vector<16x1xi32>
      %gather3A_284 = vector.shape_cast %broadcast_in_dim3A_283 : vector<16x1xi32> to vector<16xi32>
      %gather3A_285 = tpu.dynamic_gather %add3A_279[%gather3A_284] in [0] : vector<16xf32>, vector<16xi32> -> vector<16xf32>
      %add3A_286 = arith.addf %add3A_279, %gather3A_285 : vector<16xf32>
      %xor3A_287 = arith.constant 1 : i32
      %xor3A_288 = vector.broadcast %xor3A_287 : i32 to vector<16xi32>
      %xor3A_289 = arith.xori %iota3A_265, %xor3A_288 : vector<16xi32>
      %broadcast_in_dim3A_290 = vector.shape_cast %xor3A_289 : vector<16xi32> to vector<16x1xi32>
      %gather3A_291 = vector.shape_cast %broadcast_in_dim3A_290 : vector<16x1xi32> to vector<16xi32>
      %gather3A_292 = tpu.dynamic_gather %add3A_286[%gather3A_291] in [0] : vector<16xf32>, vector<16xi32> -> vector<16xf32>
      %add3A_293 = arith.addf %add3A_286, %gather3A_292 : vector<16xf32>
      %max3A_294 = arith.constant 1.000000e-24 : f32
      %max3A_295 = vector.broadcast %max3A_294 : f32 to vector<16xf32>
      %max3A_296 = arith.maximumf %add3A_293, %max3A_295 : vector<16xf32>
      %bitcast_convert_type3A_297 = tpu.bitcast %max3A_296 : vector<16xf32> -> vector<16xi32>
      %shift_right_arithmetic3A_298 = arith.constant 1 : i32
      %shift_right_arithmetic3A_299 = vector.broadcast %shift_right_arithmetic3A_298 : i32 to vector<16xi32>
      %shift_right_arithmetic3A_300 = arith.shrsi %bitcast_convert_type3A_297, %shift_right_arithmetic3A_299 : vector<16xi32>
      %sub3A_301 = arith.constant 1597463007 : i32
      %sub3A_302 = vector.broadcast %sub3A_301 : i32 to vector<16xi32>
      %sub3A_303 = arith.subi %sub3A_302, %shift_right_arithmetic3A_300 : vector<16xi32>
      %bitcast_convert_type3A_304 = tpu.bitcast %sub3A_303 : vector<16xi32> -> vector<16xf32>
      %mul3A_305 = arith.constant 5.000000e-01 : f32
      %mul3A_306 = vector.broadcast %mul3A_305 : f32 to vector<16xf32>
      %mul3A_307 = arith.mulf %max3A_296, %mul3A_306 : vector<16xf32>
      %mul3A_308 = arith.mulf %mul3A_307, %bitcast_convert_type3A_304 : vector<16xf32>
      %mul3A_309 = arith.mulf %mul3A_308, %bitcast_convert_type3A_304 : vector<16xf32>
      %sub3A_310 = arith.constant 1.500000e+00 : f32
      %sub3A_311 = vector.broadcast %sub3A_310 : f32 to vector<16xf32>
      %sub3A_312 = arith.subf %sub3A_311, %mul3A_309 : vector<16xf32>
      %mul3A_313 = arith.mulf %bitcast_convert_type3A_304, %sub3A_312 : vector<16xf32>
      %mul3A_314 = arith.mulf %mul3A_307, %mul3A_313 : vector<16xf32>
      %mul3A_315 = arith.mulf %mul3A_314, %mul3A_313 : vector<16xf32>
      %sub3A_316 = arith.constant 1.500000e+00 : f32
      %sub3A_317 = vector.broadcast %sub3A_316 : f32 to vector<16xf32>
      %sub3A_318 = arith.subf %sub3A_317, %mul3A_315 : vector<16xf32>
      %mul3A_319 = arith.mulf %mul3A_313, %sub3A_318 : vector<16xf32>
      %mul3A_320 = arith.mulf %mul3A_307, %mul3A_319 : vector<16xf32>
      %mul3A_321 = arith.mulf %mul3A_320, %mul3A_319 : vector<16xf32>
      %sub3A_322 = arith.constant 1.500000e+00 : f32
      %sub3A_323 = vector.broadcast %sub3A_322 : f32 to vector<16xf32>
      %sub3A_324 = arith.subf %sub3A_323, %mul3A_321 : vector<16xf32>
      %mul3A_325 = arith.mulf %mul3A_319, %sub3A_324 : vector<16xf32>
      %mul3A_326 = arith.mulf %get3A_96, %mul3A_264 : vector<16xf32>
      %swap3A_327 = arith.index_cast %scan3A_92 : i32 to index
      %swap3A_328 = arith.constant 0 : index
      %swap3A_329 = tpu.vector_load %arg9[%swap3A_327, %swap3A_328] {strides = array<i32>} : memref<128x128xf32, #tpu.memory_space<vmem>>, vector<1x16xf32>,
      %swap3A_330 = vector.shape_cast %swap3A_329 : vector<1x16xf32> to vector<16xf32>
      %swap3A_331 = vector.shape_cast %mul3A_326 : vector<16xf32> to vector<1x16xf32>
      tpu.vector_store %arg9[%swap3A_327, %swap3A_328], %swap3A_331 {strides = array<i32>} : memref<128x128xf32, #tpu.memory_space<vmem>>, vector<1x16xf32>,
      %mul3A_332 = arith.mulf %get3A_128, %mul3A_325 : vector<16xf32>
      %swap3A_333 = arith.index_cast %scan3A_92 : i32 to index
      %swap3A_334 = arith.constant 0 : index
      %swap3A_335 = tpu.vector_load %arg10[%swap3A_333, %swap3A_334] {strides = array<i32>} : memref<128x128xf32, #tpu.memory_space<vmem>>, vector<1x16xf32>,
      %swap3A_336 = vector.shape_cast %swap3A_335 : vector<1x16xf32> to vector<16xf32>
      %swap3A_337 = vector.shape_cast %mul3A_332 : vector<16xf32> to vector<1x16xf32>
      tpu.vector_store %arg10[%swap3A_333, %swap3A_334], %swap3A_337 {strides = array<i32>} : memref<128x128xf32, #tpu.memory_space<vmem>>, vector<1x16xf32>,
      %mul3A_338 = arith.mulf %get3A_100, %mul3A_264 : vector<16xf32>
      %swap3A_339 = arith.index_cast %scan3A_92 : i32 to index
      %swap3A_340 = arith.constant 16 : index
      %swap3A_341 = tpu.vector_load %arg9[%swap3A_339, %swap3A_340] {strides = array<i32>} : memref<128x128xf32, #tpu.memory_space<vmem>>, vector<1x16xf32>,
      %swap3A_342 = vector.shape_cast %swap3A_341 : vector<1x16xf32> to vector<16xf32>
      %swap3A_343 = vector.shape_cast %mul3A_338 : vector<16xf32> to vector<1x16xf32>
      tpu.vector_store %arg9[%swap3A_339, %swap3A_340], %swap3A_343 {strides = array<i32>} : memref<128x128xf32, #tpu.memory_space<vmem>>, vector<1x16xf32>,
      %mul3A_344 = arith.mulf %get3A_132, %mul3A_325 : vector<16xf32>
      %swap3A_345 = arith.index_cast %scan3A_92 : i32 to index
      %swap3A_346 = arith.constant 16 : index
      %swap3A_347 = tpu.vector_load %arg10[%swap3A_345, %swap3A_346] {strides = array<i32>} : memref<128x128xf32, #tpu.memory_space<vmem>>, vector<1x16xf32>,
      %swap3A_348 = vector.shape_cast %swap3A_347 : vector<1x16xf32> to vector<16xf32>
      %swap3A_349 = vector.shape_cast %mul3A_344 : vector<16xf32> to vector<1x16xf32>
      tpu.vector_store %arg10[%swap3A_345, %swap3A_346], %swap3A_349 {strides = array<i32>} : memref<128x128xf32, #tpu.memory_space<vmem>>, vector<1x16xf32>,
      %mul3A_350 = arith.mulf %get3A_104, %mul3A_264 : vector<16xf32>
      %swap3A_351 = arith.index_cast %scan3A_92 : i32 to index
      %swap3A_352 = arith.constant 32 : index
      %swap3A_353 = tpu.vector_load %arg9[%swap3A_351, %swap3A_352] {strides = array<i32>} : memref<128x128xf32, #tpu.memory_space<vmem>>, vector<1x16xf32>,
      %swap3A_354 = vector.shape_cast %swap3A_353 : vector<1x16xf32> to vector<16xf32>
      %swap3A_355 = vector.shape_cast %mul3A_350 : vector<16xf32> to vector<1x16xf32>
      tpu.vector_store %arg9[%swap3A_351, %swap3A_352], %swap3A_355 {strides = array<i32>} : memref<128x128xf32, #tpu.memory_space<vmem>>, vector<1x16xf32>,
      %mul3A_356 = arith.mulf %get3A_136, %mul3A_325 : vector<16xf32>
      %swap3A_357 = arith.index_cast %scan3A_92 : i32 to index
      %swap3A_358 = arith.constant 32 : index
      %swap3A_359 = tpu.vector_load %arg10[%swap3A_357, %swap3A_358] {strides = array<i32>} : memref<128x128xf32, #tpu.memory_space<vmem>>, vector<1x16xf32>,
      %swap3A_360 = vector.shape_cast %swap3A_359 : vector<1x16xf32> to vector<16xf32>
      %swap3A_361 = vector.shape_cast %mul3A_356 : vector<16xf32> to vector<1x16xf32>
      tpu.vector_store %arg10[%swap3A_357, %swap3A_358], %swap3A_361 {strides = array<i32>} : memref<128x128xf32, #tpu.memory_space<vmem>>, vector<1x16xf32>,
      %mul3A_362 = arith.mulf %get3A_108, %mul3A_264 : vector<16xf32>
      %swap3A_363 = arith.index_cast %scan3A_92 : i32 to index
      %swap3A_364 = arith.constant 48 : index
      %swap3A_365 = tpu.vector_load %arg9[%swap3A_363, %swap3A_364] {strides = array<i32>} : memref<128x128xf32, #tpu.memory_space<vmem>>, vector<1x16xf32>,
      %swap3A_366 = vector.shape_cast %swap3A_365 : vector<1x16xf32> to vector<16xf32>
      %swap3A_367 = vector.shape_cast %mul3A_362 : vector<16xf32> to vector<1x16xf32>
      tpu.vector_store %arg9[%swap3A_363, %swap3A_364], %swap3A_367 {strides = array<i32>} : memref<128x128xf32, #tpu.memory_space<vmem>>, vector<1x16xf32>,
      %mul3A_368 = arith.mulf %get3A_140, %mul3A_325 : vector<16xf32>
      %swap3A_369 = arith.index_cast %scan3A_92 : i32 to index
      %swap3A_370 = arith.constant 48 : index
      %swap3A_371 = tpu.vector_load %arg10[%swap3A_369, %swap3A_370] {strides = array<i32>} : memref<128x128xf32, #tpu.memory_space<vmem>>, vector<1x16xf32>,
      %swap3A_372 = vector.shape_cast %swap3A_371 : vector<1x16xf32> to vector<16xf32>
      %swap3A_373 = vector.shape_cast %mul3A_368 : vector<16xf32> to vector<1x16xf32>
      tpu.vector_store %arg10[%swap3A_369, %swap3A_370], %swap3A_373 {strides = array<i32>} : memref<128x128xf32, #tpu.memory_space<vmem>>, vector<1x16xf32>,
      %mul3A_374 = arith.mulf %get3A_112, %mul3A_264 : vector<16xf32>
      %swap3A_375 = arith.index_cast %scan3A_92 : i32 to index
      %swap3A_376 = arith.constant 64 : index
      %swap3A_377 = tpu.vector_load %arg9[%swap3A_375, %swap3A_376] {strides = array<i32>} : memref<128x128xf32, #tpu.memory_space<vmem>>, vector<1x16xf32>,
      %swap3A_378 = vector.shape_cast %swap3A_377 : vector<1x16xf32> to vector<16xf32>
      %swap3A_379 = vector.shape_cast %mul3A_374 : vector<16xf32> to vector<1x16xf32>
      tpu.vector_store %arg9[%swap3A_375, %swap3A_376], %swap3A_379 {strides = array<i32>} : memref<128x128xf32, #tpu.memory_space<vmem>>, vector<1x16xf32>,
      %mul3A_380 = arith.mulf %get3A_144, %mul3A_325 : vector<16xf32>
      %swap3A_381 = arith.index_cast %scan3A_92 : i32 to index
      %swap3A_382 = arith.constant 64 : index
      %swap3A_383 = tpu.vector_load %arg10[%swap3A_381, %swap3A_382] {strides = array<i32>} : memref<128x128xf32, #tpu.memory_space<vmem>>, vector<1x16xf32>,
      %swap3A_384 = vector.shape_cast %swap3A_383 : vector<1x16xf32> to vector<16xf32>
      %swap3A_385 = vector.shape_cast %mul3A_380 : vector<16xf32> to vector<1x16xf32>
      tpu.vector_store %arg10[%swap3A_381, %swap3A_382], %swap3A_385 {strides = array<i32>} : memref<128x128xf32, #tpu.memory_space<vmem>>, vector<1x16xf32>,
      %mul3A_386 = arith.mulf %get3A_116, %mul3A_264 : vector<16xf32>
      %swap3A_387 = arith.index_cast %scan3A_92 : i32 to index
      %swap3A_388 = arith.constant 80 : index
      %swap3A_389 = tpu.vector_load %arg9[%swap3A_387, %swap3A_388] {strides = array<i32>} : memref<128x128xf32, #tpu.memory_space<vmem>>, vector<1x16xf32>,
      %swap3A_390 = vector.shape_cast %swap3A_389 : vector<1x16xf32> to vector<16xf32>
      %swap3A_391 = vector.shape_cast %mul3A_386 : vector<16xf32> to vector<1x16xf32>
      tpu.vector_store %arg9[%swap3A_387, %swap3A_388], %swap3A_391 {strides = array<i32>} : memref<128x128xf32, #tpu.memory_space<vmem>>, vector<1x16xf32>,
      %mul3A_392 = arith.mulf %get3A_148, %mul3A_325 : vector<16xf32>
      %swap3A_393 = arith.index_cast %scan3A_92 : i32 to index
      %swap3A_394 = arith.constant 80 : index
      %swap3A_395 = tpu.vector_load %arg10[%swap3A_393, %swap3A_394] {strides = array<i32>} : memref<128x128xf32, #tpu.memory_space<vmem>>, vector<1x16xf32>,
      %swap3A_396 = vector.shape_cast %swap3A_395 : vector<1x16xf32> to vector<16xf32>
      %swap3A_397 = vector.shape_cast %mul3A_392 : vector<16xf32> to vector<1x16xf32>
      tpu.vector_store %arg10[%swap3A_393, %swap3A_394], %swap3A_397 {strides = array<i32>} : memref<128x128xf32, #tpu.memory_space<vmem>>, vector<1x16xf32>,
      %mul3A_398 = arith.mulf %get3A_120, %mul3A_264 : vector<16xf32>
      %swap3A_399 = arith.index_cast %scan3A_92 : i32 to index
      %swap3A_400 = arith.constant 96 : index
      %swap3A_401 = tpu.vector_load %arg9[%swap3A_399, %swap3A_400] {strides = array<i32>} : memref<128x128xf32, #tpu.memory_space<vmem>>, vector<1x16xf32>,
      %swap3A_402 = vector.shape_cast %swap3A_401 : vector<1x16xf32> to vector<16xf32>
      %swap3A_403 = vector.shape_cast %mul3A_398 : vector<16xf32> to vector<1x16xf32>
      tpu.vector_store %arg9[%swap3A_399, %swap3A_400], %swap3A_403 {strides = array<i32>} : memref<128x128xf32, #tpu.memory_space<vmem>>, vector<1x16xf32>,
      %mul3A_404 = arith.mulf %get3A_152, %mul3A_325 : vector<16xf32>
      %swap3A_405 = arith.index_cast %scan3A_92 : i32 to index
      %swap3A_406 = arith.constant 96 : index
      %swap3A_407 = tpu.vector_load %arg10[%swap3A_405, %swap3A_406] {strides = array<i32>} : memref<128x128xf32, #tpu.memory_space<vmem>>, vector<1x16xf32>,
      %swap3A_408 = vector.shape_cast %swap3A_407 : vector<1x16xf32> to vector<16xf32>
      %swap3A_409 = vector.shape_cast %mul3A_404 : vector<16xf32> to vector<1x16xf32>
      tpu.vector_store %arg10[%swap3A_405, %swap3A_406], %swap3A_409 {strides = array<i32>} : memref<128x128xf32, #tpu.memory_space<vmem>>, vector<1x16xf32>,
      %mul3A_410 = arith.mulf %get3A_124, %mul3A_264 : vector<16xf32>
      %swap3A_411 = arith.index_cast %scan3A_92 : i32 to index
      %swap3A_412 = arith.constant 112 : index
      %swap3A_413 = tpu.vector_load %arg9[%swap3A_411, %swap3A_412] {strides = array<i32>} : memref<128x128xf32, #tpu.memory_space<vmem>>, vector<1x16xf32>,
      %swap3A_414 = vector.shape_cast %swap3A_413 : vector<1x16xf32> to vector<16xf32>
      %swap3A_415 = vector.shape_cast %mul3A_410 : vector<16xf32> to vector<1x16xf32>
      tpu.vector_store %arg9[%swap3A_411, %swap3A_412], %swap3A_415 {strides = array<i32>} : memref<128x128xf32, #tpu.memory_space<vmem>>, vector<1x16xf32>,
      %mul3A_416 = arith.mulf %get3A_156, %mul3A_325 : vector<16xf32>
      %swap3A_417 = arith.index_cast %scan3A_92 : i32 to index
      %swap3A_418 = arith.constant 112 : index
      %swap3A_419 = tpu.vector_load %arg10[%swap3A_417, %swap3A_418] {strides = array<i32>} : memref<128x128xf32, #tpu.memory_space<vmem>>, vector<1x16xf32>,
      %swap3A_420 = vector.shape_cast %swap3A_419 : vector<1x16xf32> to vector<16xf32>
      %swap3A_421 = vector.shape_cast %mul3A_416 : vector<16xf32> to vector<1x16xf32>
      tpu.vector_store %arg10[%swap3A_417, %swap3A_418], %swap3A_421 {strides = array<i32>} : memref<128x128xf32, #tpu.memory_space<vmem>>, vector<1x16xf32>,
      scf.yield %add3A_209 : vector<16xf32>
    }
    %scan3A_88 = arith.constant 128 : i32
    "tpu.region"() ({
      %run_scoped3A = tpu.sem_alloc : memref<!tpu.dma_semaphore, #tpu.memory_space<semaphore_mem>>
      %dma_start3A_92 = arith.constant 0 : i32
      %dma_start3A_93 = tpu.memref_slice %arg6[%add3A_68, %dma_start3A_92] : memref<16384x128xf32, #tpu.memory_space<hbm>> -> memref<128x128xf32, #tpu.memory_space<hbm>>
      %dma_start3A_94 = arith.constant 0 : i32
      %dma_start3A_95 = tpu.memref_slice %arg6[%add3A_68, %dma_start3A_94] : memref<16384x128xf32, #tpu.memory_space<hbm>> -> memref<128x128xf32, #tpu.memory_space<hbm>>
      tpu.enqueue_dma source(%arg9 : memref<128x128xf32, #tpu.memory_space<vmem>>) target(%dma_start3A_95 : memref<128x128xf32, #tpu.memory_space<hbm>>) target_semaphore(%run_scoped3A : memref<!tpu.dma_semaphore, #tpu.memory_space<semaphore_mem>>)
      %dma_wait3A_96 = arith.constant 0 : i32
      %dma_wait3A_97 = tpu.memref_slice %arg6[%add3A_68, %dma_wait3A_96] : memref<16384x128xf32, #tpu.memory_space<hbm>> -> memref<128x128xf32, #tpu.memory_space<hbm>>
      %dma_wait3A_98 = arith.constant 0 : i32
      %dma_wait3A_99 = tpu.memref_slice %arg6[%add3A_68, %dma_wait3A_98] : memref<16384x128xf32, #tpu.memory_space<hbm>> -> memref<128x128xf32, #tpu.memory_space<hbm>>
      tpu.wait_dma2 semaphore(%run_scoped3A : memref<!tpu.dma_semaphore, #tpu.memory_space<semaphore_mem>>) src(%arg9 : memref<128x128xf32, #tpu.memory_space<vmem>>) dst(%dma_wait3A_99 : memref<128x128xf32, #tpu.memory_space<hbm>>)
      tpu.yield
    }) : () -> ()
    "tpu.region"() ({
      %run_scoped3A = tpu.sem_alloc : memref<!tpu.dma_semaphore, #tpu.memory_space<semaphore_mem>>
      %dma_start3A_92 = arith.constant 0 : i32
      %dma_start3A_93 = tpu.memref_slice %arg7[%add3A_68, %dma_start3A_92] : memref<16384x128xf32, #tpu.memory_space<hbm>> -> memref<128x128xf32, #tpu.memory_space<hbm>>
      %dma_start3A_94 = arith.constant 0 : i32
      %dma_start3A_95 = tpu.memref_slice %arg7[%add3A_68, %dma_start3A_94] : memref<16384x128xf32, #tpu.memory_space<hbm>> -> memref<128x128xf32, #tpu.memory_space<hbm>>
      tpu.enqueue_dma source(%arg10 : memref<128x128xf32, #tpu.memory_space<vmem>>) target(%dma_start3A_95 : memref<128x128xf32, #tpu.memory_space<hbm>>) target_semaphore(%run_scoped3A : memref<!tpu.dma_semaphore, #tpu.memory_space<semaphore_mem>>)
      %dma_wait3A_96 = arith.constant 0 : i32
      %dma_wait3A_97 = tpu.memref_slice %arg7[%add3A_68, %dma_wait3A_96] : memref<16384x128xf32, #tpu.memory_space<hbm>> -> memref<128x128xf32, #tpu.memory_space<hbm>>
      %dma_wait3A_98 = arith.constant 0 : i32
      %dma_wait3A_99 = tpu.memref_slice %arg7[%add3A_68, %dma_wait3A_98] : memref<16384x128xf32, #tpu.memory_space<hbm>> -> memref<128x128xf32, #tpu.memory_space<hbm>>
      tpu.wait_dma2 semaphore(%run_scoped3A : memref<!tpu.dma_semaphore, #tpu.memory_space<semaphore_mem>>) src(%arg10 : memref<128x128xf32, #tpu.memory_space<vmem>>) dst(%dma_wait3A_99 : memref<128x128xf32, #tpu.memory_space<hbm>>)
      tpu.yield
    }) : () -> ()
    %swap3A = arith.constant 0 : index
    %swap3A_89 = tpu.vector_load %arg11[%swap3A] {strides = array<i32>} : memref<16xf32, #tpu.memory_space<vmem>>, vector<16xf32>,
    %swap3A_90 = vector.shape_cast %swap3A_89 : vector<16xf32> to vector<16xf32>
    %swap3A_91 = vector.shape_cast %scan3A_87 : vector<16xf32> to vector<16xf32>
    tpu.vector_store %arg11[%swap3A], %swap3A_91 {strides = array<i32>} : memref<16xf32, #tpu.memory_space<vmem>>, vector<16xf32>,
    "tpu.region"() ({
      %run_scoped3A = tpu.sem_alloc : memref<!tpu.dma_semaphore, #tpu.memory_space<semaphore_mem>>
      %dma_start3A_92 = arith.constant 0 : i32
      %dma_start3A_93 = tpu.memref_slice %arg5[%add3A, %dma_start3A_92] : memref<32x16xf32, #tpu.memory_space<hbm>> -> memref<1x16xf32, #tpu.memory_space<hbm>>
      %dma_start3A_94 = tpu.memref_squeeze %dma_start3A_93 : memref<1x16xf32, #tpu.memory_space<hbm>> -> memref<16xf32, #tpu.memory_space<hbm>>
      %dma_start3A_95 = arith.constant 0 : i32
      %dma_start3A_96 = tpu.memref_slice %arg5[%add3A, %dma_start3A_95] : memref<32x16xf32, #tpu.memory_space<hbm>> -> memref<1x16xf32, #tpu.memory_space<hbm>>
      %dma_start3A_97 = tpu.memref_squeeze %dma_start3A_96 : memref<1x16xf32, #tpu.memory_space<hbm>> -> memref<16xf32, #tpu.memory_space<hbm>>
      tpu.enqueue_dma source(%arg11 : memref<16xf32, #tpu.memory_space<vmem>>) target(%dma_start3A_97 : memref<16xf32, #tpu.memory_space<hbm>>) target_semaphore(%run_scoped3A : memref<!tpu.dma_semaphore, #tpu.memory_space<semaphore_mem>>)
      %dma_wait3A_98 = arith.constant 0 : i32
      %dma_wait3A_99 = tpu.memref_slice %arg5[%add3A, %dma_wait3A_98] : memref<32x16xf32, #tpu.memory_space<hbm>> -> memref<1x16xf32, #tpu.memory_space<hbm>>
      %dma_wait3A_100 = tpu.memref_squeeze %dma_wait3A_99 : memref<1x16xf32, #tpu.memory_space<hbm>> -> memref<16xf32, #tpu.memory_space<hbm>>
      %dma_wait3A_101 = arith.constant 0 : i32
      %dma_wait3A_102 = tpu.memref_slice %arg5[%add3A, %dma_wait3A_101] : memref<32x16xf32, #tpu.memory_space<hbm>> -> memref<1x16xf32, #tpu.memory_space<hbm>>
      %dma_wait3A_103 = tpu.memref_squeeze %dma_wait3A_102 : memref<1x16xf32, #tpu.memory_space<hbm>> -> memref<16xf32, #tpu.memory_space<hbm>>
      tpu.wait_dma2 semaphore(%run_scoped3A : memref<!tpu.dma_semaphore, #tpu.memory_space<semaphore_mem>>) src(%arg11 : memref<16xf32, #tpu.memory_space<vmem>>) dst(%dma_wait3A_103 : memref<16xf32, #tpu.memory_space<hbm>>)
      tpu.yield
    }) : () -> ()
    return
  }
}

</mosaic_0001>

<sc_bundles>
// kernel: kernel.3.cloned.1.call-start
scs
__scs_entry_jumppad:
0x0: {  	(pc) =	sbr.rel $0x88, $3  }
0x1: {  	(tag) =	ssettag $0x0;
	lr =	simm.s32 $0x1  }
0x2: {  	[smem:$0x3F9E] =	sst lr;
	_ =	strace $0xD0000000  }
0x3: {  	_ = 	snop  }
0x4: {  	_ = 	snop  }
0x5: {  	_ = 	snop  }
0x6: {  	_ = 	snop  }
0x7: {  	_ = 	snop  }
__scs_overlays_trampoline_lowered:
0x8: {  	[smem:$0x3FAD] =	sst s0  }
0x9: {  	[smem:$0x3FAE] =	sst s1  }
0xa: {  	[smem:$0x3FAF] =	sst s2  }
0xb: {  	[smem:$0x3FB0] =	sst s3  }
0xc: {  	[smem:$0x3FB1] =	sst s4  }
0xd: {  	[smem:$0x3FB2] =	sst s5  }
0xe: {  	[smem:$0x3FB3] =	sst s6  }
0xf: {  	[smem:$0x3FB4] =	sst s7  }
0x10: {  	[smem:$0x3FB5] =	sst s8  }
0x11: {  	[smem:$0x3FB6] =	sst s9;
	s0 =	simm.s32 @!p0 $0x0  }
0x12: {  	s1 =	sld [smem:$0x3F9C];
	s0 =	simm.s32 @p0 $0x1  }
0x13: {  	[smem:$0x3FB7] =	sst s0;
	s0 =	simm.s32 @!p1 $0x0  }
0x14: {  	s2 =	sld [smem:$0x3F9B];
	s0 =	simm.s32 @p1 $0x1  }
0x15: {  	[smem:$0x3FB8] =	sst s0;
	s0 =	simm.s32 @!p2 $0x0  }
0x16: {  	s3 =	sld [smem:$0x3FDB];
	s0 =	simm.s32 @p2 $0x1  }
0x17: {  	s4 =	simm.s32 $0x1BF5;
	[smem:$0x3FBA] =	sst s0  }
0x18: {  	s0 =	sld [smem:$0x3F9D];
	_ =	swait.ge [sflag:s4], $0x0  }
0x19: {  	s7 =	sld [smem:$0x3F9E]  }
0x1a: {  	s8 =	sadd.s32 $0xFFFFE003, lr  }
0x1b: {  	s9 =	sadd.s32 $0xFFFFFEF7, lr;
	s5 =	simm.s32 $0xFFFFFFFF;
	p2 =	slt.u32 s8, $0xFFFFF086  }
0x1c: {  	p1 =	slt.u32 s9, $0xF7A;
	s5 =	simm.s32 @!p2 $0x0  }
0x1d: {  	s5 =	simm.s32 @p1 $0x1;
	p0 =	seq.s32 s7, s2  }
0x1e: {  	s7 =	smul.u32 @!p0 $0xF7A, s2;
	p2 =	seq.s32 @!p0 s5, $0x0  }
0x1f: {  	s9 =	smul.u32 $0xF7A, s1;
	s8 =	simm.s32 @!p0 $0x1BF5;
	p2 =	por !p2, p0  }
0x20: {  	[sflag:s8] =	ssyncset.s32 @!p0 $0xFFFFF086;
	s6 =	sadd.s32 @!p0 s3, s7;
	s7 =	simm.s32 @!p0 $0x108  }
0x21: {  	s3 =	sadd.s32 s3, s9;
	s6 =	sadd.s32 @!p0 $0x88, s6;
	s7 =	simm.s32 @p2 $0x1082  }
0x22: {  	[simem:s7], [sflag:s8] =	dma.local @!p0 [hbm:s6], $0xF7A  }
0x23: {  	s9 =	sor.u32 $0xD0000000, s2;
	s6 =	simm.s32 $0x108;
	_ =	swait.ge @!p0 [sflag:s8], $0x0  }
0x24: {  	s3 =	sadd.s32 $0x88, s3;
	s6 =	simm.s32 @!p1 $0x1082;
	[sflag:s4] =	ssyncset.s32 $0xFFFFF086  }
0x25: {  	[simem:s6], [sflag:s4] =	dma.local [hbm:s3], $0xF7A  }
0x26: {  	[smem:$0x3F9E] =	sst s1;
	(tag) =	ssettag s2;
	_ =	strace s9  }
0x27: {  	s1 =	sld [smem:$0x3FAE]  }
0x28: {  	s2 =	sld [smem:$0x3FAF]  }
0x29: {  	s4 =	sld [smem:$0x3FB1]  }
0x2a: {  	p0 =	seq.s32 s5, $0x0;
	s5 =	sld [smem:$0x3FB2]  }
0x2b: {  	s6 =	sld [smem:$0x3FB3]  }
0x2c: {  	s7 =	sld [smem:$0x3FB4]  }
0x2d: {  	s3 =	simm.s32 $0x108;
	s8 =	sld [smem:$0x3FB5]  }
0x2e: {  	s3 =	simm.s32 @!p0 $0x1082;
	s9 =	sld [smem:$0x3FB6]  }
0x2f: {  	lr =	sadd.s32 s0, s3;
	s0 =	sld [smem:$0x3FAD]  }
0x30: {  	s3 =	sld [smem:$0x3FB0]  }
0x31: {  	[smem:$0x3FB9] =	sst s10  }
0x32: {  	s10 =	sld [smem:$0x3FB7];
	_ =	sdelay $0x3  }
0x33: {  	p0 =	seq.s32 s10, $0x1;
	s10 =	sld [smem:$0x3FB9];
	_ =	sdelay $0x3  }
0x34: {  	[smem:$0x3FB9] =	sst s10  }
0x35: {  	s10 =	sld [smem:$0x3FB8];
	_ =	sdelay $0x3  }
0x36: {  	p1 =	seq.s32 s10, $0x1;
	s10 =	sld [smem:$0x3FB9];
	_ =	sdelay $0x3  }
0x37: {  	[smem:$0x3FB9] =	sst s10  }
0x38: {  	s10 =	sld [smem:$0x3FBA]  }
0x39: {  	_ = 	snop;
	(pc) =	sbr.ind lr, $3  }
0x3a: {  	_ = 	snop  }
0x3b: {  	_ = 	snop  }
0x3c: {  	p2 =	seq.s32 s10, $0x1;
	s10 =	sld [smem:$0x3FB9]  }
0x3d: {  	_ =	shalt  }
0x3e: {  	_ =	shalt  }
0x3f: {  	_ =	shalt  }
0x40: {  	_ =	shalt  }
0x41: {  	_ =	shalt  }
0x42: {  	_ =	shalt  }
0x43: {  	_ =	shalt  }
0x44: {  	_ =	shalt  }
0x45: {  	_ =	shalt  }
0x46: {  	_ =	shalt  }
0x47: {  	_ =	shalt  }
0x48: {  	_ =	shalt  }
0x49: {  	_ =	shalt  }
0x4a: {  	_ =	shalt  }
0x4b: {  	_ =	shalt  }
0x4c: {  	_ =	shalt  }
0x4d: {  	_ =	shalt  }
0x4e: {  	_ =	shalt  }
0x4f: {  	_ =	shalt  }
0x50: {  	_ =	shalt  }
0x51: {  	_ =	shalt  }
0x52: {  	_ =	shalt  }
0x53: {  	_ =	shalt  }
0x54: {  	_ =	shalt  }
0x55: {  	_ =	shalt  }
0x56: {  	_ =	shalt  }
0x57: {  	_ =	shalt  }
0x58: {  	_ =	shalt  }
0x59: {  	_ =	shalt  }
0x5a: {  	_ =	shalt  }
0x5b: {  	_ =	shalt  }
0x5c: {  	_ =	shalt  }
0x5d: {  	_ =	shalt  }
0x5e: {  	_ =	shalt  }
0x5f: {  	_ =	shalt  }
0x60: {  	_ =	shalt  }
0x61: {  	_ =	shalt  }
0x62: {  	_ =	shalt  }
0x63: {  	_ =	shalt  }
0x64: {  	_ =	shalt  }
0x65: {  	_ =	shalt  }
0x66: {  	_ =	shalt  }
0x67: {  	_ =	shalt  }
0x68: {  	_ =	shalt  }
0x69: {  	_ =	shalt  }
0x6a: {  	_ =	shalt  }
0x6b: {  	_ =	shalt  }
0x6c: {  	_ =	shalt  }
0x6d: {  	_ =	shalt  }
0x6e: {  	_ =	shalt  }
0x6f: {  	_ =	shalt  }
0x70: {  	_ =	shalt  }
0x71: {  	_ =	shalt  }
0x72: {  	_ =	shalt  }
0x73: {  	_ =	shalt  }
0x74: {  	_ =	shalt  }
0x75: {  	_ =	shalt  }
0x76: {  	_ =	shalt  }
0x77: {  	_ =	shalt  }
0x78: {  	_ =	shalt  }
0x79: {  	_ =	shalt  }
0x7a: {  	_ =	shalt  }
0x7b: {  	_ =	shalt  }
0x7c: {  	_ =	shalt  }
0x7d: {  	_ =	shalt  }
0x7e: {  	_ =	shalt  }
0x7f: {  	_ =	shalt  }
0x80: {  	_ =	shalt  }
0x81: {  	_ =	shalt  }
0x82: {  	_ =	shalt  }
0x83: {  	_ =	shalt  }
0x84: {  	_ =	shalt  }
0x85: {  	_ =	shalt  }
0x86: {  	_ =	shalt  }
0x87: {  	_ =	shalt  }
.Lfunc_end0:
.L_simem_size_0:
called_computation_lowered:
.L_overlay_start_0:
0x88: {  	s2 =	sld [smem:$0x3FD9]  }
0x89: {  	s3 =	sld [smem:$0x3FFE];
	_ =	sdelay $0x1  }
0x8a: {  	s1 =	srdreg.scid  }
0x8b: {  	s0 =	sand.u32 $0x1, s1  }
0x8c: {  	s14 =	sshll.u32 s0, $0xA;
	s2 =	sadd.s32 s3, s2  }
0x8d: {  	s2 =	sadd.s32 s2, s14  }
0x8e: {  	[smem:$0x3FC5] =	sst s2  }
0x8f: {  	_ = 	snop  }
0x90: {  	s2 =	sld [smem:$0x3FD0]  }
0x91: {  	s15 =	sld [smem:$0x3FC9]  }
0x92: {  	s4 =	sld [smem:$0x3FC8]  }
0x93: {  	s6 =	simm.s32 $0xA;
	s7 =	simm.s32 $0x10;
	s5 =	sld [smem:$0x3FC7]  }
0x94: {  	[smem:s7], [sflag:s6] =	dma.local [hbm:s2], $0x1  }
0x95: {  	_ =	swait.eq [sflag:s6], $0x1  }
0x96: {  	[sflag:s6] =	ssyncset.done $0x0  }
0x97: {  	s16 =	sld [smem:$0x11];
	[sflag:s6] =	ssyncadd.s32 $0xFFFFFFFF  }
0x98: {  	s17 =	sld [smem:$0x12];
	(tm) =	ssettm $0x1  }
0x99: {  	s18 =	sld [smem:$0x3FFB];
	_ =	sdelay $0x3  }
0x9a: {  	_ =	strace s18  }
0x9b: {  	s7 =	sld [smem:$0x3FFC];
	_ =	sdelay $0x3  }
0x9c: {  	_ =	strace s7  }
0x9d: {  	s7 =	sld [smem:$0x3FFD];
	_ =	sdelay $0x3  }
0x9e: {  	_ =	strace s7  }
0x9f: {  	_ =	strace $0x8FFFFFFF  }
0xa0: {  	s19 =	sld [smem:$0x3FDB];
	_ =	sdelay $0x1  }
0xa1: {  	s8 =	simm.s32 $_scs_section_size  }
0xa2: {  	s9 =	simm.s32 $_size__tile_overlayer_lowered;
	s10 =	simm.s32 $_tile_overlayer_lowered  }
0xa3: {  	s22 =	simm.s32 $0x1BFF;
	s21 =	sshll.u32 s10, $0x1;
	s7 =	sadd.s32 s8, s19  }
0xa4: {  	s11 =	simm.s32 $0x0;
	s20 =	sshll.u32 s9, $0x1;
	s9 =	sadd.s32 s21, s7  }
0xa5: {  	[timem:s11], [sflag:s22] =	dma.local [hbm:s9], s20  }
0xa6: {  	_ =	swait.ge [sflag:s22], s20  }
0xa7: {  	s8 =	ssub.s32 $0x0, s20;
	[sflag:s22] =	ssyncset.done $0x0  }
0xa8: {  	[sflag:s22] =	ssyncadd.s32 s8;
	_ =	sdelay $0x1  }
0xa9: {  	s23 =	simm.s32 $0x1B8B  }
0xaa: {  	_ =	swait.ge [sflag:s23], $0x1  }
0xab: {  	[sflag:s23] =	ssyncset.done $0x0  }
0xac: {  	s25 =	simm.s32 $0x1B8E;
	s24 =	sld [smem:$0x3FFE];
	[sflag:s23] =	ssyncadd.s32 $0xFFFFFFFF  }
0xad: {  	s26 =	simm.s32 $execute0_lowered;
	[smem:$0x3FD2] =	sst s25  }
0xae: {  	s9 =	sshll.u32 s26, $0x1;
	_ =	strace $0x80000046;
	[dreg:$0x1] =	wrdreg $0xFFFFFFFF  }
0xaf: {  	s28 =	simm.s32 $_size_execute0_lowered;
	s7 =	sadd.s32 s7, s9;
	[dreg:$0x0] =	wrdreg $0x0  }
0xb0: {  	s9 =	sshll.u32 s28, $0x1;
	[dreg:$0x2] =	wrdreg s7  }
0xb1: {  	[dreg:$0x3] =	wrdreg s9  }
0xb2: {  	[dreg:$0x4] =	wrdreg $0xC0  }
0xb3: {  	_ =	task [dreg:s11], $0x5FFFF  }
0xb4: {  	[dreg:$0x1] =	wrdreg $0xFFFFFFFF  }
0xb5: {  	[dreg:$0x0] =	wrdreg $0x60  }
0xb6: {  	[dreg:$0x2] =	wrdreg s15  }
0xb7: {  	[dreg:$0x3] =	wrdreg s4  }
0xb8: {  	[dreg:$0x4] =	wrdreg s5  }
0xb9: {  	[dreg:$0x5] =	wrdreg s24  }
0xba: {  	[dreg:$0x6] =	wrdreg s16  }
0xbb: {  	[dreg:$0x7] =	wrdreg s17  }
0xbc: {  	[dreg:$0x8] =	wrdreg $0x9  }
0xbd: {  	_ =	task.clear_ibuf [dreg:s11], $0x9FFFF;
	_ =	strace $0x90000046  }
0xbe: {  	s29 =	simm.s32 $0x9;
	_ =	strace $0x80000048  }
0xbf: {  	_ =	swait.ge [sflag:s29], $0x1  }
0xc0: {  	[sflag:s29] =	ssyncadd.s32 $0xFFFFFFFF  }
0xc1: {  	_ =	strace $0x90000048  }
0xc2: {  	_ =	sfence  }
0xc3: {  	s30 =	sld [smem:$0x0];
	_ =	sdelay $0x2  }
0xc4: {  	s31 =	sshll.u32 s1, $0xD;
	s1 =	sshrl.u32 s1, $0x2  }
0xc5: {  	s3 =	sand.u32 $0x4000, s31;
	s1 =	sadd.s32 s1, s30  }
0xc6: {  	s0 =	sor.u32 s3, s0;
	s1 =	sshll.u32 s1, $0x11  }
0xc7: {  	s0 =	sor.u32 s1, s0  }
0xc8: {  	s0 =	sadd.s32 $0x8F2B, s0  }
0xc9: {  	[sflag:s0] =	ssyncadd.remote.s32 $0x1  }
0xca: {  	_ =	sfence.sel $0xFFFF  }
0xcb: {  	[dreg:$0x0] =	wrdreg $0xFFFFFFFF;
	(pc) =	sbr.abs _section_cstart, $3  }
0xcc: {  	[dreg:$0x1] =	wrdreg $0xFFFFFFFF  }
0xcd: {  	_ =	task.clear_ibuf [dreg:s11], $0x2FFFF;
	_ =	strace $0x9FFFFFFF  }
0xce: {  	(tm) =	ssettm $0x7FFFFFFF  }
0xcf: {  	_ =	shalt  }
tec
execute0_lowered:
.L_overlay_start_1:
0x0: {  	(tag) =	ssettag $0x1  }
0x1: {  	s14 =	rddreg [dreg:$0x0]  }
0x2: {  	s4 =	rddreg [dreg:$0x1]  }
0x3: {  	s1 =	rddreg [dreg:$0x2]  }
0x4: {  	s5 =	rddreg [dreg:$0x3]  }
0x5: {  	s15 =	rddreg [dreg:$0x4]  }
0x6: {  	s16 =	rddreg [dreg:$0x5]  }
0x7: {  	s0 =	rddreg [dreg:$0x6]  }
0x8: {  	s3 =	simm.s32 $0x0;
	s6 =	srdreg.scid;
	s2 =	stileid.u32  }
0x9: {  	v0 =	vimm.s32 $0xFEDCBA98;
	s21 =	simm.s32 $0x4200;
	s22 =	simm.s32 $0x1;
	s23 =	simm.s32 $0x200  }
0xa: {  	v1 =	vimm.s32 $0x76543210;
	v2 =	vimm.s32 $0xBA98FEDC;
	s24 =	simm.s32 $0x100;
	s25 =	simm.s32 $0x180;
	s26 =	simm.s32 $0x8200  }
0xb: {  	v3 =	vimm.s32 $0x32107654;
	v4 =	vimm.s32 $0xDCFE98BA;
	v5 =	vimm.s32 $0x54761032;
	s28 =	simm.s32 $0x0;
	s6 =	sand.u32 $0x1, s6;
	s7 =	sshll.u32 s2, $0x1  }
0xc: {  	v6 =	vimm.s32 $0xEFCDAB89;
	v7 =	vimm.s32 $0x67452301;
	[smem:$0x7FF] =	sst s3;
	s7 =	sor.u32 s6, s7;
	s6 =	ssub.s32 $0x2, s6  }
0xd: {  	v0 =	vunpack.c.l.s4.s8 v0;
	v1 =	vunpack.c.l.s4.s8 v1;
	v2 =	vunpack.c.l.s4.s8 v2;
	_ =	strace $0x80000047;
	s8 =	sshll.u32 s7, $0x4;
	s9 =	sshrl.u32 s6, $0x1  }
0xe: {  	v3 =	vunpack.c.l.s4.s8 v3;
	v4 =	vunpack.c.l.s4.s8 v4;
	v5 =	vunpack.c.l.s4.s8 v5;
	s13 =	sshll.u32 s7, $0xD;
	s31 =	sshll.u32 s7, $0x6;
	s17 =	sadd.s32 s8, s5  }
0xf: {  	v6 =	vunpack.c.l.s4.s8 v6;
	v7 =	vunpack.c.l.s4.s8 v7;
	v0 =	vunpack.c.0.s8.s32 v0;
	s18 =	ssub.s32 s6, s9;
	s4 =	sadd.s32 s4, s31;
	s5 =	sadd.s32 s14, s13  }
0x10: {  	v2 =	vunpack.c.0.s8.s32 v2;
	v3 =	vunpack.c.0.s8.s32 v3;
	v4 =	vunpack.c.0.s8.s32 v4;
	s10 =	sor.u32 $0x800, s13;
	s6 =	sadd.s32 s15, s13;
	s7 =	sadd.s32 s16, s13  }
0x11: {  	v5 =	vunpack.c.0.s8.s32 v5;
	v6 =	vunpack.c.0.s8.s32 v6;
	v7 =	vunpack.c.0.s8.s32 v7;
	s19 =	sor.u32 $0x1000, s13;
	s20 =	sor.u32 $0x1800, s13;
	s8 =	sadd.s32 s14, s10  }
0x12: {  	v1 =	vunpack.c.0.s8.s32 v1;
	s9 =	sadd.s32 s15, s10;
	s10 =	sadd.s32 s16, s10;
	s11 =	sadd.s32 s14, s19;
	v2 =	vcombine.low v3, v2  }
0x13: {  	s12 =	sadd.s32 s15, s19;
	s13 =	sadd.s32 s16, s19;
	s14 =	sadd.s32 s14, s20;
	v3 =	vcombine.low v5, v4;
	v4 =	vcombine.low v7, v6;
	v0 =	vand.u32 $0xF, v0  }
0x14: {  	s15 =	sadd.s32 s15, s20;
	s16 =	sadd.s32 s16, s20;
	s17 =	sadd.s32 $0x400, s17;
	v0 =	vcombine.low v0, v1  }
0x15: {  	s18 =	smax.u32 s18, $0x1;
	s19 =	simm.s32 $0x2;
	s20 =	simm.s32 $0x80;
	v1 =	vand.u32 $0xF, v2;
	v2 =	vand.u32 $0xF, v3;
	v3 =	vand.u32 $0xF, v4  }
.LBB2_1:
0x16: {  	[tilespmem:s3], [sflag:$0x2] =	stream.linear.gather [hbm4b:s4+s3], $0x200, $0x38;
	[tilespmem:$0x8280] =	vst v63  }
0x17: {  	_ =	swait.ge [sflag:s19], $0x200  }
0x18: {  	[sflag:s19] =	ssyncset.done $0x0  }
0x19: {  	[sflag:s19] =	ssyncadd.s32 $0xFFFFFE00  }
0x1a: {  	[tilespmem:s21], [sflag:$0x1] =	stream.indirect.gather [hbm4b:s1+s20], $0x80, s3, s20, $0xb8;
	[tilespmem:$0x8280] =	vst v63  }
0x1b: {  	_ =	swait.ge [sflag:s22], $0x4000  }
0x1c: {  	[sflag:s22] =	ssyncset.done $0x0  }
0x1d: {  	[sflag:s22] =	ssyncadd.s32 $0xFFFFC000  }
0x1e: {  	[tilespmem:s23], [sflag:$0x2] =	stream.linear.gather [hbm4b:s5+s3], $0x4000, $0x38;
	[tilespmem:$0x8280] =	vst v63  }
0x1f: {  	_ =	swait.ge [sflag:s19], $0x4000  }
0x20: {  	[sflag:s19] =	ssyncset.done $0x0  }
0x21: {  	s29 =	simm.s32 $0x0;
	[sflag:s19] =	ssyncadd.s32 $0xFFFFC000  }
0x22: {  	v9 =	vld [tilespmem:s29+$0x200]  }
0x23: {  	v6 =	vld [tilespmem:s29+$0x210];
	_ =	sdelay $0x1  }
0x24: {  	v7 =	vld [tilespmem:s29+$0x220];
	_ =	sdelay $0x1  }
0x25: {  	v4 =	vld [tilespmem:s29+$0x230]  }
0x26: {  	v8 =	vmul.f32 v9, v9;
	v10 =	vmul.f32 v6, v6  }
0x27: {  	v5 =	vld [tilespmem:s29+$0x240]  }
0x28: {  	v11 =	vmul.f32 v7, v7;
	v10 =	vadd.f32 v10, v8  }
0x29: {  	v8 =	vld [tilespmem:s29+$0x250]  }
0x2a: {  	v10 =	vadd.f32 v11, v10;
	v11 =	vmul.f32 v4, v4  }
0x2b: {  	v12 =	vld [tilespmem:s29+$0x260]  }
0x2c: {  	v10 =	vadd.f32 v11, v10;
	v11 =	vmul.f32 v5, v5  }
0x2d: {  	v13 =	vld [tilespmem:s29+$0x270]  }
0x2e: {  	v10 =	vadd.f32 v11, v10;
	v11 =	vmul.f32 v8, v8;
	_ =	sdelay $0x1  }
0x2f: {  	v10 =	vadd.f32 v11, v10;
	v11 =	vmul.f32 v12, v12;
	_ =	sdelay $0x1  }
0x30: {  	v10 =	vadd.f32 v11, v10;
	v11 =	vmul.f32 v13, v13;
	_ =	sdelay $0x1  }
0x31: {  	v10 =	vadd.f32 v11, v10;
	_ =	sdelay $0x1  }
0x32: {  	v11 =	vperm.xlane v10, v0;
	_ =	sdelay $0x1  }
0x33: {  	v10 =	vadd.f32 v11, v10;
	_ =	sdelay $0x1  }
0x34: {  	v11 =	vperm.xlane v10, v1;
	_ =	sdelay $0x1  }
0x35: {  	v10 =	vadd.f32 v11, v10;
	_ =	sdelay $0x1  }
0x36: {  	v11 =	vperm.xlane v10, v2;
	_ =	sdelay $0x1  }
0x37: {  	v15 =	vadd.f32 v11, v10  }
0x38: {  	v10 =	vld [tilespmem:s29+$0x4200]  }
0x39: {  	v11 =	vld [tilespmem:s29+$0x4210];
	v16 =	vperm.xlane v15, v3;
	_ =	sdelay $0x1  }
0x3a: {  	v14 =	vld [tilespmem:s29+$0x4220];
	v16 =	vadd.f32 v16, v15;
	_ =	sdelay $0x1  }
0x3b: {  	v15 =	vld [tilespmem:s29+$0x4230];
	v17 =	vmul.f32 v10, v10;
	v16 =	vmax.f32 v16, $1.000000020e-24  }
0x3c: {  	v18 =	vmul.f32 v11, v11;
	v19 =	vshra.s32 v16, $0x1;
	v21 =	vmul.f32 $5.000000000e-01, v16  }
0x3d: {  	v16 =	vld [tilespmem:s29+$0x4240];
	v22 =	vsub.s32 $0x5F3759DF, v19  }
0x3e: {  	v18 =	vadd.f32 v18, v17;
	v19 =	vmul.f32 v14, v14;
	v20 =	vmul.f32 v22, v21  }
0x3f: {  	v17 =	vld [tilespmem:s29+$0x4250]  }
0x40: {  	v23 =	vmul.f32 v15, v15;
	v18 =	vadd.f32 v19, v18;
	v20 =	vmul.f32 v22, v20  }
0x41: {  	v24 =	vsub.f32 v10, v9;
	v19 =	vld [tilespmem:s29+$0x4260]  }
0x42: {  	v18 =	vadd.f32 v23, v18;
	v23 =	vmul.f32 v16, v16;
	v25 =	vsub.f32 $1.500000000e+00, v20  }
0x43: {  	v26 =	vimm.f32 $0.0e+00;
	v27 =	vsub.f32 v11, v6;
	v24 =	vmul.f32 v24, v24;
	v20 =	vld [tilespmem:s29+$0x4270]  }
0x44: {  	v28 =	vmul.f32 v17, v17;
	v18 =	vadd.f32 v23, v18;
	v22 =	vmul.f32 v22, v25  }
0x45: {  	v51 =	vsub.f32 v14, v7;
	v50 =	vmul.f32 v27, v27;
	v23 =	vadd.f32 v24, v26  }
0x46: {  	v52 =	vmul.f32 v19, v19;
	v18 =	vadd.f32 v28, v18;
	v53 =	vmul.f32 v22, v21  }
0x47: {  	v54 =	vmul.f32 v51, v51;
	v55 =	vsub.f32 v15, v4;
	v23 =	vadd.f32 v50, v23  }
0x48: {  	v56 =	vmul.f32 v20, v20;
	v18 =	vadd.f32 v52, v18;
	v57 =	vmul.f32 v53, v22  }
0x49: {  	v58 =	vsub.f32 v16, v5;
	v25 =	vmul.f32 v55, v55;
	v23 =	vadd.f32 v54, v23  }
0x4a: {  	v18 =	vadd.f32 v56, v18;
	v26 =	vsub.f32 $1.500000000e+00, v57  }
0x4b: {  	v59 =	vsub.f32 v17, v8;
	v24 =	vmul.f32 v58, v58;
	v23 =	vadd.f32 v25, v23  }
0x4c: {  	v60 =	vmul.f32 v26, v22;
	v22 =	vperm.xlane v18, v0  }
0x4d: {  	v27 =	vmul.f32 v59, v59;
	v61 =	vsub.f32 v19, v12;
	v23 =	vadd.f32 v24, v23  }
0x4e: {  	v21 =	vmul.f32 v60, v21;
	v18 =	vadd.f32 v22, v18  }
0x4f: {  	v23 =	vadd.f32 v27, v23;
	v22 =	vmul.f32 v61, v61  }
0x50: {  	v62 =	vsub.f32 v20, v13;
	v21 =	vmul.f32 v21, v60;
	v63 =	vperm.xlane v18, v1  }
0x51: {  	v23 =	vadd.f32 v22, v23  }
0x52: {  	v24 =	vmul.f32 v62, v62;
	v21 =	vsub.f32 $1.500000000e+00, v21;
	v22 =	vadd.f32 v63, v18;
	_ =	sdelay $0x1  }
0x53: {  	s30 =	simm.s32 $0x200;
	v18 =	vadd.f32 v24, v23;
	v21 =	vmul.f32 v21, v60;
	v23 =	vperm.xlane v22, v2  }
.LBB2_2:
0x54: {  	_ = 	snop  }
0x55: {  	p0 =	sne.s32 s30, $0xFE00;
	s31 =	smov.u32 s30;
	s30 =	sadd.s32 $0x200, s30;
	v22 =	vadd.f32 v23, v22;
	v9 =	vmul.f32 v21, v9  }
0x56: {  	s31 =	sshra.s32 s31, $0x2;
	v6 =	vmul.f32 v21, v6  }
0x57: {  	v7 =	vmul.f32 v21, v7;
	v23 =	vperm.xlane v22, v3;
	[tilespmem:s29+$0x200] =	vst v9  }
0x58: {  	v4 =	vmul.f32 v21, v4;
	v9 =	vld [tilespmem:s31+$0x200];
	[tilespmem:s29+$0x210] =	vst v6  }
0x59: {  	v5 =	vmul.f32 v21, v5;
	v6 =	vld [tilespmem:s31+$0x210];
	v22 =	vadd.f32 v23, v22;
	[tilespmem:s29+$0x220] =	vst v7  }
0x5a: {  	v8 =	vmul.f32 v21, v8;
	v7 =	vld [tilespmem:s31+$0x220];
	[tilespmem:s29+$0x230] =	vst v4  }
0x5b: {  	v12 =	vmul.f32 v21, v12;
	v4 =	vld [tilespmem:s31+$0x230];
	v22 =	vmax.f32 v22, $1.000000020e-24;
	[tilespmem:s29+$0x240] =	vst v5  }
0x5c: {  	v13 =	vmul.f32 v21, v13;
	v5 =	vld [tilespmem:s31+$0x240];
	v23 =	vshra.s32 v22, $0x1;
	v22 =	vmul.f32 $5.000000000e-01, v22;
	[tilespmem:s29+$0x250] =	vst v8  }
0x5d: {  	v8 =	vld [tilespmem:s31+$0x250];
	v21 =	vmul.f32 v9, v9;
	v23 =	vsub.s32 $0x5F3759DF, v23;
	[tilespmem:s29+$0x260] =	vst v12  }
0x5e: {  	v12 =	vmul.f32 v6, v6;
	v24 =	vmul.f32 v23, v22;
	[tilespmem:s29+$0x270] =	vst v13;
	_ =	sdelay $0x1  }
0x5f: {  	v13 =	vmul.f32 v7, v7;
	v12 =	vadd.f32 v12, v21;
	v21 =	vmul.f32 v23, v24;
	_ =	sdelay $0x1  }
0x60: {  	v24 =	vmul.f32 v4, v4;
	v13 =	vadd.f32 v13, v12;
	v21 =	vsub.f32 $1.500000000e+00, v21  }
0x61: {  	v12 =	vld [tilespmem:s31+$0x260]  }
0x62: {  	v25 =	vmul.f32 v5, v5;
	v24 =	vadd.f32 v24, v13;
	v21 =	vmul.f32 v23, v21  }
0x63: {  	v13 =	vld [tilespmem:s31+$0x270]  }
0x64: {  	v23 =	vadd.f32 v25, v24;
	v24 =	vmul.f32 v8, v8;
	v25 =	vmul.f32 v21, v22;
	_ =	sdelay $0x1  }
0x65: {  	v23 =	vadd.f32 v24, v23;
	v24 =	vmul.f32 v12, v12;
	v25 =	vmul.f32 v25, v21;
	_ =	sdelay $0x1  }
0x66: {  	v23 =	vadd.f32 v24, v23;
	v24 =	vmul.f32 v13, v13;
	v25 =	vsub.f32 $1.500000000e+00, v25;
	_ =	sdelay $0x1  }
0x67: {  	v23 =	vadd.f32 v24, v23;
	v21 =	vmul.f32 v25, v21;
	_ =	sdelay $0x1  }
0x68: {  	v24 =	vperm.xlane v23, v0;
	v22 =	vmul.f32 v21, v22;
	_ =	sdelay $0x1  }
0x69: {  	v23 =	vadd.f32 v24, v23;
	v22 =	vmul.f32 v22, v21;
	_ =	sdelay $0x1  }
0x6a: {  	v24 =	vperm.xlane v23, v1;
	v22 =	vsub.f32 $1.500000000e+00, v22;
	_ =	sdelay $0x1  }
0x6b: {  	v23 =	vadd.f32 v24, v23;
	v21 =	vmul.f32 v22, v21;
	_ =	sdelay $0x1  }
0x6c: {  	v22 =	vperm.xlane v23, v2;
	v10 =	vmul.f32 v21, v10  }
0x6d: {  	v11 =	vmul.f32 v21, v11;
	v14 =	vmul.f32 v21, v14  }
0x6e: {  	v15 =	vmul.f32 v21, v15;
	v16 =	vmul.f32 v21, v16;
	v22 =	vadd.f32 v22, v23;
	[tilespmem:s29+$0x4200] =	vst v10  }
0x6f: {  	v17 =	vmul.f32 v21, v17;
	v19 =	vmul.f32 v21, v19;
	v10 =	vld [tilespmem:s31+$0x4200];
	[tilespmem:s29+$0x4210] =	vst v11  }
0x70: {  	v11 =	vld [tilespmem:s31+$0x4210];
	v23 =	vperm.xlane v22, v3;
	[tilespmem:s29+$0x4240] =	vst v16;
	v16 =	vmul.f32 v21, v20  }
0x71: {  	[tilespmem:s29+$0x4220] =	vst v14  }
0x72: {  	v14 =	vld [tilespmem:s31+$0x4220];
	v20 =	vadd.f32 v23, v22;
	[tilespmem:s29+$0x4260] =	vst v19  }
0x73: {  	[tilespmem:s29+$0x4230] =	vst v15  }
0x74: {  	v15 =	vld [tilespmem:s31+$0x4230];
	v19 =	vmul.f32 v10, v10;
	v21 =	vsub.f32 v10, v9;
	v20 =	vmax.f32 v20, $1.000000020e-24;
	[tilespmem:s29+$0x4270] =	vst v16  }
0x75: {  	v16 =	vld [tilespmem:s31+$0x4240];
	v22 =	vmul.f32 v11, v11;
	v23 =	vshra.s32 v20, $0x1;
	v24 =	vmul.f32 $5.000000000e-01, v20;
	[tilespmem:s29+$0x4250] =	vst v17;
	s29 =	smov.u32 s31  }
0x76: {  	v20 =	vmul.f32 v21, v21;
	v21 =	vsub.f32 v11, v6;
	v23 =	vsub.s32 $0x5F3759DF, v23  }
0x77: {  	v17 =	vld [tilespmem:s29+$0x4250];
	v22 =	vadd.f32 v22, v19;
	v25 =	vmul.f32 v14, v14;
	v26 =	vmul.f32 v23, v24  }
0x78: {  	v27 =	vsub.f32 v14, v7;
	v19 =	vld [tilespmem:s29+$0x4260];
	v18 =	vadd.f32 v20, v18;
	v21 =	vmul.f32 v21, v21  }
0x79: {  	v22 =	vadd.f32 v25, v22;
	v25 =	vmul.f32 v15, v15;
	v26 =	vmul.f32 v23, v26  }
0x7a: {  	v20 =	vld [tilespmem:s29+$0x4270];
	v18 =	vadd.f32 v21, v18;
	v21 =	vmul.f32 v27, v27;
	v27 =	vsub.f32 v15, v4  }
0x7b: {  	v22 =	vadd.f32 v25, v22;
	v25 =	vmul.f32 v16, v16;
	v26 =	vsub.f32 $1.500000000e+00, v26  }
0x7c: {  	v28 =	vmul.f32 v17, v17;
	v27 =	vmul.f32 v27, v27;
	v29 =	vsub.f32 v17, v8  }
0x7d: {  	v18 =	vadd.f32 v21, v18;
	v22 =	vadd.f32 v25, v22;
	v21 =	vmul.f32 v23, v26  }
0x7e: {  	v23 =	vmul.f32 v19, v19;
	v25 =	vsub.f32 v16, v5;
	v26 =	vsub.f32 v19, v12  }
0x7f: {  	v18 =	vadd.f32 v27, v18;
	v22 =	vadd.f32 v28, v22;
	v27 =	vmul.f32 v21, v24  }
0x80: {  	v29 =	vmul.f32 v29, v29;
	v28 =	vmul.f32 v20, v20;
	v30 =	vsub.f32 v20, v13  }
0x81: {  	v22 =	vadd.f32 v23, v22;
	v23 =	vmul.f32 v25, v25;
	v25 =	vmul.f32 v27, v21  }
0x82: {  	v26 =	vmul.f32 v26, v26  }
0x83: {  	v22 =	vadd.f32 v28, v22;
	v25 =	vsub.f32 $1.500000000e+00, v25  }
0x84: {  	v18 =	vadd.f32 v23, v18  }
0x85: {  	v21 =	vmul.f32 v25, v21;
	v23 =	vperm.xlane v22, v0  }
0x86: {  	v18 =	vadd.f32 v29, v18  }
0x87: {  	v24 =	vmul.f32 v21, v24;
	v22 =	vadd.f32 v23, v22  }
0x88: {  	v18 =	vadd.f32 v26, v18;
	v23 =	vmul.f32 v30, v30  }
.Ltmp0:
0x89: {  	v24 =	vmul.f32 v24, v21;
	v25 =	vperm.xlane v22, v1;
	(pc) =	sbr.rel @p0 .LBB2_2-.Ltmp0, $3  }
0x8a: {  	v18 =	vadd.f32 v23, v18  }
0x8b: {  	v23 =	vsub.f32 $1.500000000e+00, v24;
	v22 =	vadd.f32 v25, v22;
	_ =	sdelay $0x1  }
0x8c: {  	v21 =	vmul.f32 v23, v21;
	v23 =	vperm.xlane v22, v2  }
0x8d: {  	_ = 	snop  }
0x8e: {  	v22 =	vadd.f32 v23, v22;
	_ =	sdelay $0x1  }
0x8f: {  	v23 =	vperm.xlane v22, v3;
	_ =	sdelay $0x1  }
0x90: {  	v22 =	vadd.f32 v23, v22;
	_ =	sdelay $0x1  }
0x91: {  	v22 =	vmax.f32 v22, $1.000000020e-24  }
0x92: {  	v23 =	vshra.s32 v22, $0x1;
	v22 =	vmul.f32 $5.000000000e-01, v22  }
0x93: {  	v23 =	vsub.s32 $0x5F3759DF, v23  }
0x94: {  	v24 =	vmul.f32 v23, v22;
	_ =	sdelay $0x1  }
0x95: {  	v24 =	vmul.f32 v23, v24;
	_ =	sdelay $0x1  }
0x96: {  	v24 =	vsub.f32 $1.500000000e+00, v24;
	_ =	sdelay $0x1  }
0x97: {  	v23 =	vmul.f32 v23, v24;
	_ =	sdelay $0x1  }
0x98: {  	v24 =	vmul.f32 v23, v22;
	_ =	sdelay $0x1  }
0x99: {  	v24 =	vmul.f32 v24, v23;
	_ =	sdelay $0x1  }
0x9a: {  	v24 =	vsub.f32 $1.500000000e+00, v24;
	_ =	sdelay $0x1  }
0x9b: {  	v23 =	vmul.f32 v24, v23;
	_ =	sdelay $0x1  }
0x9c: {  	v9 =	vmul.f32 v21, v9;
	v22 =	vmul.f32 v23, v22  }
0x9d: {  	v6 =	vmul.f32 v21, v6  }
0x9e: {  	v7 =	vmul.f32 v21, v7;
	[tilespmem:s29+$0x200] =	vst v9;
	v9 =	vmul.f32 v22, v23  }
0x9f: {  	v4 =	vmul.f32 v21, v4;
	[tilespmem:s29+$0x210] =	vst v6  }
0xa0: {  	v5 =	vmul.f32 v21, v5;
	[tilespmem:s29+$0x220] =	vst v7;
	v6 =	vsub.f32 $1.500000000e+00, v9  }
0xa1: {  	[tilespmem:s29+$0x230] =	vst v4;
	v4 =	vmul.f32 v21, v8  }
0xa2: {  	[tilespmem:s29+$0x240] =	vst v5;
	v5 =	vmul.f32 v21, v12;
	v6 =	vmul.f32 v6, v23  }
0xa3: {  	[tilespmem:s29+$0x250] =	vst v4;
	v4 =	vmul.f32 v21, v13  }
0xa4: {  	[tilespmem:s29+$0x260] =	vst v5;
	v5 =	vmul.f32 v6, v10  }
0xa5: {  	[tilespmem:s29+$0x270] =	vst v4;
	v4 =	vmul.f32 v6, v11  }
0xa6: {  	v7 =	vmul.f32 v6, v14;
	[tilespmem:s29+$0x4200] =	vst v5  }
0xa7: {  	v5 =	vmul.f32 v6, v16;
	[tilespmem:s29+$0x4210] =	vst v4  }
0xa8: {  	v4 =	vmul.f32 v6, v19;
	[tilespmem:s29+$0x4220] =	vst v7  }
0xa9: {  	v7 =	vmul.f32 v6, v20;
	[tilespmem:s29+$0x4240] =	vst v5  }
0xaa: {  	v5 =	vmul.f32 v6, v15;
	[tilespmem:s29+$0x4260] =	vst v4  }
0xab: {  	v4 =	vmul.f32 v6, v17;
	[tilespmem:s29+$0x4270] =	vst v7  }
0xac: {  	[tilespmem:s29+$0x4230] =	vst v5  }
0xad: {  	[tilespmem:s29+$0x4250] =	vst v4;
	s29 =	simm.s32 $0x0  }
0xae: {  	[hbm4b:s6+s29] =	stream.linear.scatter [tilespmem:s23], [sflag:$0x2], $0x4000, $0x38;
	[tilespmem:$0x8280] =	vst v63  }
0xaf: {  	_ =	swait.ge [sflag:s19], $0x4000  }
0xb0: {  	[sflag:s19] =	ssyncset.done $0x0  }
0xb1: {  	[sflag:s19] =	ssyncadd.s32 $0xFFFFC000  }
0xb2: {  	[hbm4b:s7+s29] =	stream.linear.scatter [tilespmem:s21], [sflag:$0x2], $0x4000, $0x38;
	[tilespmem:$0x8280] =	vst v63  }
0xb3: {  	_ =	swait.ge [sflag:s19], $0x4000  }
0xb4: {  	[sflag:s19] =	ssyncset.done $0x0  }
0xb5: {  	[sflag:s19] =	ssyncadd.s32 $0xFFFFC000  }
0xb6: {  	[tilespmem:s21], [sflag:$0x1] =	stream.indirect.gather [hbm4b:s1+s20], $0x80, s20, s20, $0xb8;
	[tilespmem:$0x8280] =	vst v63  }
0xb7: {  	_ =	swait.ge [sflag:s22], $0x4000  }
0xb8: {  	[sflag:s22] =	ssyncset.done $0x0  }
0xb9: {  	[sflag:s22] =	ssyncadd.s32 $0xFFFFC000  }
0xba: {  	[tilespmem:s23], [sflag:$0x2] =	stream.linear.gather [hbm4b:s8+s29], $0x4000, $0x38;
	[tilespmem:$0x8280] =	vst v63  }
0xbb: {  	_ =	swait.ge [sflag:s19], $0x4000  }
0xbc: {  	[sflag:s19] =	ssyncset.done $0x0  }
0xbd: {  	s29 =	simm.s32 $0x0;
	[sflag:s19] =	ssyncadd.s32 $0xFFFFC000  }
0xbe: {  	v9 =	vld [tilespmem:s29+$0x200]  }
0xbf: {  	v6 =	vld [tilespmem:s29+$0x210];
	_ =	sdelay $0x1  }
0xc0: {  	v7 =	vld [tilespmem:s29+$0x220];
	_ =	sdelay $0x1  }
0xc1: {  	v4 =	vld [tilespmem:s29+$0x230]  }
0xc2: {  	v8 =	vmul.f32 v9, v9;
	v10 =	vmul.f32 v6, v6  }
0xc3: {  	v5 =	vld [tilespmem:s29+$0x240]  }
0xc4: {  	v11 =	vmul.f32 v7, v7;
	v10 =	vadd.f32 v10, v8  }
0xc5: {  	v8 =	vld [tilespmem:s29+$0x250]  }
0xc6: {  	v10 =	vadd.f32 v11, v10;
	v11 =	vmul.f32 v4, v4  }
0xc7: {  	v12 =	vld [tilespmem:s29+$0x260]  }
0xc8: {  	v10 =	vadd.f32 v11, v10;
	v11 =	vmul.f32 v5, v5  }
0xc9: {  	v13 =	vld [tilespmem:s29+$0x270]  }
0xca: {  	v10 =	vadd.f32 v11, v10;
	v11 =	vmul.f32 v8, v8;
	_ =	sdelay $0x1  }
0xcb: {  	v10 =	vadd.f32 v11, v10;
	v11 =	vmul.f32 v12, v12;
	_ =	sdelay $0x1  }
0xcc: {  	v10 =	vadd.f32 v11, v10;
	v11 =	vmul.f32 v13, v13;
	_ =	sdelay $0x1  }
0xcd: {  	v10 =	vadd.f32 v11, v10;
	_ =	sdelay $0x1  }
0xce: {  	v11 =	vperm.xlane v10, v0;
	_ =	sdelay $0x1  }
0xcf: {  	v10 =	vadd.f32 v11, v10;
	_ =	sdelay $0x1  }
0xd0: {  	v11 =	vperm.xlane v10, v1;
	_ =	sdelay $0x1  }
0xd1: {  	v10 =	vadd.f32 v11, v10;
	_ =	sdelay $0x1  }
0xd2: {  	v11 =	vperm.xlane v10, v2;
	_ =	sdelay $0x1  }
0xd3: {  	v15 =	vadd.f32 v11, v10  }
0xd4: {  	v10 =	vld [tilespmem:s29+$0x4200]  }
0xd5: {  	v11 =	vld [tilespmem:s29+$0x4210];
	v16 =	vperm.xlane v15, v3;
	_ =	sdelay $0x1  }
0xd6: {  	v14 =	vld [tilespmem:s29+$0x4220];
	v16 =	vadd.f32 v16, v15;
	_ =	sdelay $0x1  }
0xd7: {  	v15 =	vld [tilespmem:s29+$0x4230];
	v17 =	vmul.f32 v10, v10;
	v16 =	vmax.f32 v16, $1.000000020e-24  }
0xd8: {  	v19 =	vmul.f32 v11, v11;
	v20 =	vshra.s32 v16, $0x1;
	v22 =	vmul.f32 $5.000000000e-01, v16  }
0xd9: {  	v16 =	vld [tilespmem:s29+$0x4240];
	v23 =	vsub.s32 $0x5F3759DF, v20  }
0xda: {  	v17 =	vadd.f32 v19, v17;
	v20 =	vmul.f32 v14, v14;
	v21 =	vmul.f32 v23, v22  }
0xdb: {  	v19 =	vld [tilespmem:s29+$0x4250]  }
0xdc: {  	v45 =	vmul.f32 v15, v15;
	v17 =	vadd.f32 v20, v17;
	v21 =	vmul.f32 v23, v21  }
0xdd: {  	v25 =	vsub.f32 v10, v9;
	v20 =	vld [tilespmem:s29+$0x4260]  }
0xde: {  	v17 =	vadd.f32 v45, v17;
	v46 =	vmul.f32 v16, v16;
	v26 =	vsub.f32 $1.500000000e+00, v21  }
0xdf: {  	v27 =	vsub.f32 v11, v6;
	v25 =	vmul.f32 v25, v25;
	v21 =	vld [tilespmem:s29+$0x4270]  }
0xe0: {  	v28 =	vmul.f32 v19, v19;
	v17 =	vadd.f32 v46, v17;
	v23 =	vmul.f32 v23, v26  }
0xe1: {  	v48 =	vsub.f32 v14, v7;
	v47 =	vmul.f32 v27, v27;
	v18 =	vadd.f32 v25, v18  }
0xe2: {  	v49 =	vmul.f32 v20, v20;
	v17 =	vadd.f32 v28, v17;
	v50 =	vmul.f32 v23, v22  }
0xe3: {  	v51 =	vmul.f32 v48, v48;
	v52 =	vsub.f32 v15, v4;
	v18 =	vadd.f32 v47, v18  }
0xe4: {  	v53 =	vmul.f32 v21, v21;
	v17 =	vadd.f32 v49, v17;
	v54 =	vmul.f32 v50, v23  }
0xe5: {  	v25 =	vmul.f32 v52, v52;
	v55 =	vsub.f32 v16, v5;
	v18 =	vadd.f32 v51, v18  }
0xe6: {  	v17 =	vadd.f32 v53, v17;
	v26 =	vsub.f32 $1.500000000e+00, v54  }
0xe7: {  	v56 =	vsub.f32 v19, v8;
	v24 =	vmul.f32 v55, v55;
	v18 =	vadd.f32 v25, v18  }
0xe8: {  	v57 =	vperm.xlane v17, v0;
	v23 =	vmul.f32 v26, v23  }
0xe9: {  	v27 =	vmul.f32 v56, v56;
	v58 =	vsub.f32 v20, v12;
	v18 =	vadd.f32 v24, v18  }
0xea: {  	v17 =	vadd.f32 v57, v17;
	v22 =	vmul.f32 v23, v22  }
0xeb: {  	v59 =	vmul.f32 v58, v58;
	v18 =	vadd.f32 v27, v18  }
0xec: {  	v60 =	vsub.f32 v21, v13;
	v61 =	vperm.xlane v17, v1;
	v22 =	vmul.f32 v22, v23  }
0xed: {  	v18 =	vadd.f32 v59, v18  }
0xee: {  	v62 =	vmul.f32 v60, v60;
	v63 =	vsub.f32 $1.500000000e+00, v22;
	v22 =	vadd.f32 v61, v17;
	_ =	sdelay $0x1  }
0xef: {  	s30 =	simm.s32 $0x200;
	v17 =	vadd.f32 v62, v18;
	v18 =	vmul.f32 v63, v23;
	v23 =	vperm.xlane v22, v2  }
.LBB2_4:
0xf0: {  	_ = 	snop  }
0xf1: {  	p0 =	sne.s32 s30, $0xFE00;
	s31 =	smov.u32 s30;
	s30 =	sadd.s32 $0x200, s30;
	v22 =	vadd.f32 v23, v22;
	v9 =	vmul.f32 v18, v9  }
0xf2: {  	s31 =	sshra.s32 s31, $0x2;
	v6 =	vmul.f32 v18, v6  }
0xf3: {  	v7 =	vmul.f32 v18, v7;
	v23 =	vperm.xlane v22, v3;
	[tilespmem:s29+$0x200] =	vst v9  }
0xf4: {  	v4 =	vmul.f32 v18, v4;
	v9 =	vld [tilespmem:s31+$0x200];
	[tilespmem:s29+$0x210] =	vst v6  }
0xf5: {  	v5 =	vmul.f32 v18, v5;
	v6 =	vld [tilespmem:s31+$0x210];
	v22 =	vadd.f32 v23, v22;
	[tilespmem:s29+$0x220] =	vst v7  }
0xf6: {  	v8 =	vmul.f32 v18, v8;
	v7 =	vld [tilespmem:s31+$0x220];
	[tilespmem:s29+$0x230] =	vst v4  }
0xf7: {  	v12 =	vmul.f32 v18, v12;
	v4 =	vld [tilespmem:s31+$0x230];
	v22 =	vmax.f32 v22, $1.000000020e-24;
	[tilespmem:s29+$0x240] =	vst v5  }
0xf8: {  	v13 =	vmul.f32 v18, v13;
	v5 =	vld [tilespmem:s31+$0x240];
	v23 =	vshra.s32 v22, $0x1;
	v22 =	vmul.f32 $5.000000000e-01, v22;
	[tilespmem:s29+$0x250] =	vst v8  }
0xf9: {  	v8 =	vld [tilespmem:s31+$0x250];
	v18 =	vmul.f32 v9, v9;
	v23 =	vsub.s32 $0x5F3759DF, v23;
	[tilespmem:s29+$0x260] =	vst v12  }
0xfa: {  	v12 =	vmul.f32 v6, v6;
	v24 =	vmul.f32 v23, v22;
	[tilespmem:s29+$0x270] =	vst v13;
	_ =	sdelay $0x1  }
0xfb: {  	v13 =	vmul.f32 v7, v7;
	v12 =	vadd.f32 v12, v18;
	v18 =	vmul.f32 v23, v24;
	_ =	sdelay $0x1  }
0xfc: {  	v24 =	vmul.f32 v4, v4;
	v13 =	vadd.f32 v13, v12;
	v18 =	vsub.f32 $1.500000000e+00, v18  }
0xfd: {  	v12 =	vld [tilespmem:s31+$0x260]  }
0xfe: {  	v25 =	vmul.f32 v5, v5;
	v24 =	vadd.f32 v24, v13;
	v18 =	vmul.f32 v23, v18  }
0xff: {  	v13 =	vld [tilespmem:s31+$0x270]  }
0x100: {  	v23 =	vadd.f32 v25, v24;
	v24 =	vmul.f32 v8, v8;
	v25 =	vmul.f32 v18, v22;
	_ =	sdelay $0x1  }
0x101: {  	v23 =	vadd.f32 v24, v23;
	v24 =	vmul.f32 v12, v12;
	v25 =	vmul.f32 v25, v18;
	_ =	sdelay $0x1  }
0x102: {  	v23 =	vadd.f32 v24, v23;
	v24 =	vmul.f32 v13, v13;
	v25 =	vsub.f32 $1.500000000e+00, v25;
	_ =	sdelay $0x1  }
0x103: {  	v23 =	vadd.f32 v24, v23;
	v18 =	vmul.f32 v25, v18;
	_ =	sdelay $0x1  }
0x104: {  	v24 =	vperm.xlane v23, v0;
	v22 =	vmul.f32 v18, v22;
	_ =	sdelay $0x1  }
0x105: {  	v23 =	vadd.f32 v24, v23;
	v22 =	vmul.f32 v22, v18;
	_ =	sdelay $0x1  }
0x106: {  	v24 =	vperm.xlane v23, v1;
	v22 =	vsub.f32 $1.500000000e+00, v22;
	_ =	sdelay $0x1  }
0x107: {  	v23 =	vadd.f32 v24, v23;
	v18 =	vmul.f32 v22, v18;
	_ =	sdelay $0x1  }
0x108: {  	v22 =	vperm.xlane v23, v2;
	v10 =	vmul.f32 v18, v10  }
0x109: {  	v11 =	vmul.f32 v18, v11;
	v14 =	vmul.f32 v18, v14  }
0x10a: {  	v15 =	vmul.f32 v18, v15;
	v16 =	vmul.f32 v18, v16;
	v22 =	vadd.f32 v22, v23;
	[tilespmem:s29+$0x4200] =	vst v10  }
0x10b: {  	v19 =	vmul.f32 v18, v19;
	v20 =	vmul.f32 v18, v20;
	v10 =	vld [tilespmem:s31+$0x4200];
	[tilespmem:s29+$0x4210] =	vst v11  }
0x10c: {  	v11 =	vld [tilespmem:s31+$0x4210];
	v23 =	vperm.xlane v22, v3;
	[tilespmem:s29+$0x4240] =	vst v16;
	v16 =	vmul.f32 v18, v21  }
0x10d: {  	[tilespmem:s29+$0x4220] =	vst v14  }
0x10e: {  	v14 =	vld [tilespmem:s31+$0x4220];
	v18 =	vadd.f32 v23, v22;
	[tilespmem:s29+$0x4260] =	vst v20  }
0x10f: {  	[tilespmem:s29+$0x4230] =	vst v15  }
0x110: {  	v15 =	vld [tilespmem:s31+$0x4230];
	v20 =	vmul.f32 v10, v10;
	v21 =	vsub.f32 v10, v9;
	v18 =	vmax.f32 v18, $1.000000020e-24;
	[tilespmem:s29+$0x4270] =	vst v16  }
0x111: {  	v16 =	vld [tilespmem:s31+$0x4240];
	v22 =	vmul.f32 v11, v11;
	v23 =	vshra.s32 v18, $0x1;
	v18 =	vmul.f32 $5.000000000e-01, v18;
	[tilespmem:s29+$0x4250] =	vst v19;
	s29 =	smov.u32 s31  }
0x112: {  	v24 =	vsub.f32 v11, v6;
	v21 =	vmul.f32 v21, v21;
	v23 =	vsub.s32 $0x5F3759DF, v23  }
0x113: {  	v19 =	vld [tilespmem:s29+$0x4250];
	v22 =	vadd.f32 v22, v20;
	v25 =	vmul.f32 v14, v14;
	v26 =	vmul.f32 v23, v18  }
0x114: {  	v24 =	vmul.f32 v24, v24;
	v27 =	vsub.f32 v14, v7;
	v20 =	vld [tilespmem:s29+$0x4260];
	v17 =	vadd.f32 v21, v17  }
0x115: {  	v22 =	vadd.f32 v25, v22;
	v25 =	vmul.f32 v15, v15;
	v26 =	vmul.f32 v23, v26  }
0x116: {  	v21 =	vld [tilespmem:s29+$0x4270];
	v17 =	vadd.f32 v24, v17;
	v24 =	vmul.f32 v27, v27;
	v27 =	vsub.f32 v15, v4  }
0x117: {  	v22 =	vadd.f32 v25, v22;
	v25 =	vmul.f32 v16, v16;
	v26 =	vsub.f32 $1.500000000e+00, v26  }
0x118: {  	v28 =	vmul.f32 v19, v19;
	v27 =	vmul.f32 v27, v27;
	v29 =	vsub.f32 v19, v8  }
0x119: {  	v17 =	vadd.f32 v24, v17;
	v22 =	vadd.f32 v25, v22;
	v23 =	vmul.f32 v23, v26  }
0x11a: {  	v24 =	vmul.f32 v20, v20;
	v25 =	vsub.f32 v16, v5;
	v26 =	vsub.f32 v20, v12  }
0x11b: {  	v17 =	vadd.f32 v27, v17;
	v22 =	vadd.f32 v28, v22;
	v27 =	vmul.f32 v23, v18  }
0x11c: {  	v29 =	vmul.f32 v29, v29;
	v28 =	vmul.f32 v21, v21;
	v30 =	vsub.f32 v21, v13  }
0x11d: {  	v22 =	vadd.f32 v24, v22;
	v24 =	vmul.f32 v25, v25;
	v25 =	vmul.f32 v27, v23  }
0x11e: {  	v26 =	vmul.f32 v26, v26  }
0x11f: {  	v22 =	vadd.f32 v28, v22;
	v25 =	vsub.f32 $1.500000000e+00, v25  }
0x120: {  	v17 =	vadd.f32 v24, v17  }
0x121: {  	v23 =	vmul.f32 v25, v23;
	v24 =	vperm.xlane v22, v0  }
0x122: {  	v17 =	vadd.f32 v29, v17  }
0x123: {  	v18 =	vmul.f32 v23, v18;
	v22 =	vadd.f32 v24, v22  }
0x124: {  	v17 =	vadd.f32 v26, v17;
	v24 =	vmul.f32 v30, v30  }
.Ltmp1:
0x125: {  	v18 =	vmul.f32 v18, v23;
	v25 =	vperm.xlane v22, v1;
	(pc) =	sbr.rel @p0 .LBB2_4-.Ltmp1, $3  }
0x126: {  	v17 =	vadd.f32 v24, v17  }
0x127: {  	v18 =	vsub.f32 $1.500000000e+00, v18;
	v22 =	vadd.f32 v25, v22;
	_ =	sdelay $0x1  }
0x128: {  	v18 =	vmul.f32 v18, v23;
	v23 =	vperm.xlane v22, v2  }
0x129: {  	_ = 	snop  }
0x12a: {  	v22 =	vadd.f32 v23, v22;
	_ =	sdelay $0x1  }
0x12b: {  	v23 =	vperm.xlane v22, v3;
	_ =	sdelay $0x1  }
0x12c: {  	v22 =	vadd.f32 v23, v22;
	_ =	sdelay $0x1  }
0x12d: {  	v22 =	vmax.f32 v22, $1.000000020e-24  }
0x12e: {  	v23 =	vshra.s32 v22, $0x1;
	v22 =	vmul.f32 $5.000000000e-01, v22  }
0x12f: {  	v23 =	vsub.s32 $0x5F3759DF, v23  }
0x130: {  	v24 =	vmul.f32 v23, v22;
	_ =	sdelay $0x1  }
0x131: {  	v24 =	vmul.f32 v23, v24;
	_ =	sdelay $0x1  }
0x132: {  	v24 =	vsub.f32 $1.500000000e+00, v24;
	_ =	sdelay $0x1  }
0x133: {  	v23 =	vmul.f32 v23, v24;
	_ =	sdelay $0x1  }
0x134: {  	v24 =	vmul.f32 v23, v22;
	_ =	sdelay $0x1  }
0x135: {  	v24 =	vmul.f32 v24, v23;
	_ =	sdelay $0x1  }
0x136: {  	v24 =	vsub.f32 $1.500000000e+00, v24;
	_ =	sdelay $0x1  }
0x137: {  	v23 =	vmul.f32 v24, v23;
	_ =	sdelay $0x1  }
0x138: {  	v9 =	vmul.f32 v18, v9;
	v22 =	vmul.f32 v23, v22  }
0x139: {  	v6 =	vmul.f32 v18, v6  }
0x13a: {  	v7 =	vmul.f32 v18, v7;
	[tilespmem:s29+$0x200] =	vst v9;
	v9 =	vmul.f32 v22, v23  }
0x13b: {  	v4 =	vmul.f32 v18, v4;
	[tilespmem:s29+$0x210] =	vst v6  }
0x13c: {  	v5 =	vmul.f32 v18, v5;
	[tilespmem:s29+$0x220] =	vst v7;
	v6 =	vsub.f32 $1.500000000e+00, v9  }
0x13d: {  	[tilespmem:s29+$0x230] =	vst v4;
	v4 =	vmul.f32 v18, v8  }
0x13e: {  	[tilespmem:s29+$0x240] =	vst v5;
	v5 =	vmul.f32 v18, v12;
	v6 =	vmul.f32 v6, v23  }
0x13f: {  	[tilespmem:s29+$0x250] =	vst v4;
	v4 =	vmul.f32 v18, v13  }
0x140: {  	[tilespmem:s29+$0x260] =	vst v5;
	v5 =	vmul.f32 v6, v10  }
0x141: {  	[tilespmem:s29+$0x270] =	vst v4;
	v4 =	vmul.f32 v6, v11  }
0x142: {  	v7 =	vmul.f32 v6, v14;
	[tilespmem:s29+$0x4200] =	vst v5  }
0x143: {  	v5 =	vmul.f32 v6, v16;
	[tilespmem:s29+$0x4210] =	vst v4  }
0x144: {  	v4 =	vmul.f32 v6, v20;
	[tilespmem:s29+$0x4220] =	vst v7  }
0x145: {  	v7 =	vmul.f32 v6, v21;
	[tilespmem:s29+$0x4240] =	vst v5  }
0x146: {  	v5 =	vmul.f32 v6, v15;
	[tilespmem:s29+$0x4260] =	vst v4  }
0x147: {  	v4 =	vmul.f32 v6, v19;
	[tilespmem:s29+$0x4270] =	vst v7  }
0x148: {  	[tilespmem:s29+$0x4230] =	vst v5  }
0x149: {  	[tilespmem:s29+$0x4250] =	vst v4;
	s29 =	simm.s32 $0x0  }
0x14a: {  	[hbm4b:s9+s29] =	stream.linear.scatter [tilespmem:s23], [sflag:$0x2], $0x4000, $0x38;
	[tilespmem:$0x8280] =	vst v63  }
0x14b: {  	_ =	swait.ge [sflag:s19], $0x4000  }
0x14c: {  	[sflag:s19] =	ssyncset.done $0x0  }
0x14d: {  	[sflag:s19] =	ssyncadd.s32 $0xFFFFC000  }
0x14e: {  	[hbm4b:s10+s29] =	stream.linear.scatter [tilespmem:s21], [sflag:$0x2], $0x4000, $0x38;
	[tilespmem:$0x8280] =	vst v63  }
0x14f: {  	_ =	swait.ge [sflag:s19], $0x4000  }
0x150: {  	[sflag:s19] =	ssyncset.done $0x0  }
0x151: {  	[sflag:s19] =	ssyncadd.s32 $0xFFFFC000  }
0x152: {  	[tilespmem:s21], [sflag:$0x1] =	stream.indirect.gather [hbm4b:s1+s20], $0x80, s24, s20, $0xb8;
	[tilespmem:$0x8280] =	vst v63  }
0x153: {  	_ =	swait.ge [sflag:s22], $0x4000  }
0x154: {  	[sflag:s22] =	ssyncset.done $0x0  }
0x155: {  	[sflag:s22] =	ssyncadd.s32 $0xFFFFC000  }
0x156: {  	[tilespmem:s23], [sflag:$0x2] =	stream.linear.gather [hbm4b:s11+s29], $0x4000, $0x38;
	[tilespmem:$0x8280] =	vst v63  }
0x157: {  	_ =	swait.ge [sflag:s19], $0x4000  }
0x158: {  	[sflag:s19] =	ssyncset.done $0x0  }
0x159: {  	s29 =	simm.s32 $0x0;
	[sflag:s19] =	ssyncadd.s32 $0xFFFFC000  }
0x15a: {  	v9 =	vld [tilespmem:s29+$0x200]  }
0x15b: {  	v6 =	vld [tilespmem:s29+$0x210];
	_ =	sdelay $0x1  }
0x15c: {  	v7 =	vld [tilespmem:s29+$0x220];
	_ =	sdelay $0x1  }
0x15d: {  	v4 =	vld [tilespmem:s29+$0x230]  }
0x15e: {  	v8 =	vmul.f32 v9, v9;
	v10 =	vmul.f32 v6, v6  }
0x15f: {  	v5 =	vld [tilespmem:s29+$0x240]  }
0x160: {  	v11 =	vmul.f32 v7, v7;
	v10 =	vadd.f32 v10, v8  }
0x161: {  	v8 =	vld [tilespmem:s29+$0x250]  }
0x162: {  	v10 =	vadd.f32 v11, v10;
	v11 =	vmul.f32 v4, v4  }
0x163: {  	v12 =	vld [tilespmem:s29+$0x260]  }
0x164: {  	v10 =	vadd.f32 v11, v10;
	v11 =	vmul.f32 v5, v5  }
0x165: {  	v13 =	vld [tilespmem:s29+$0x270]  }
0x166: {  	v10 =	vadd.f32 v11, v10;
	v11 =	vmul.f32 v8, v8;
	_ =	sdelay $0x1  }
0x167: {  	v10 =	vadd.f32 v11, v10;
	v11 =	vmul.f32 v12, v12;
	_ =	sdelay $0x1  }
0x168: {  	v10 =	vadd.f32 v11, v10;
	v11 =	vmul.f32 v13, v13;
	_ =	sdelay $0x1  }
0x169: {  	v10 =	vadd.f32 v11, v10;
	_ =	sdelay $0x1  }
0x16a: {  	v11 =	vperm.xlane v10, v0;
	_ =	sdelay $0x1  }
0x16b: {  	v10 =	vadd.f32 v11, v10;
	_ =	sdelay $0x1  }
0x16c: {  	v11 =	vperm.xlane v10, v1;
	_ =	sdelay $0x1  }
0x16d: {  	v10 =	vadd.f32 v11, v10;
	_ =	sdelay $0x1  }
0x16e: {  	v11 =	vperm.xlane v10, v2;
	_ =	sdelay $0x1  }
0x16f: {  	v15 =	vadd.f32 v11, v10  }
0x170: {  	v10 =	vld [tilespmem:s29+$0x4200]  }
0x171: {  	v11 =	vld [tilespmem:s29+$0x4210];
	v16 =	vperm.xlane v15, v3;
	_ =	sdelay $0x1  }
0x172: {  	v14 =	vld [tilespmem:s29+$0x4220];
	v16 =	vadd.f32 v16, v15;
	_ =	sdelay $0x1  }
0x173: {  	v15 =	vld [tilespmem:s29+$0x4230];
	v18 =	vmul.f32 v10, v10;
	v16 =	vmax.f32 v16, $1.000000020e-24  }
0x174: {  	v19 =	vmul.f32 v11, v11;
	v20 =	vshra.s32 v16, $0x1;
	v21 =	vmul.f32 $5.000000000e-01, v16  }
0x175: {  	v16 =	vld [tilespmem:s29+$0x4240];
	v22 =	vsub.s32 $0x5F3759DF, v20  }
0x176: {  	v19 =	vadd.f32 v19, v18;
	v20 =	vmul.f32 v14, v14;
	v23 =	vmul.f32 v22, v21  }
0x177: {  	v18 =	vld [tilespmem:s29+$0x4250]  }
0x178: {  	v52 =	vmul.f32 v15, v15;
	v20 =	vadd.f32 v20, v19;
	v23 =	vmul.f32 v22, v23  }
0x179: {  	v25 =	vsub.f32 v10, v9;
	v19 =	vld [tilespmem:s29+$0x4260]  }
0x17a: {  	v24 =	vadd.f32 v52, v20;
	v26 =	vmul.f32 v16, v16;
	v23 =	vsub.f32 $1.500000000e+00, v23  }
0x17b: {  	v27 =	vsub.f32 v11, v6;
	v25 =	vmul.f32 v25, v25;
	v20 =	vld [tilespmem:s29+$0x4270]  }
0x17c: {  	v28 =	vmul.f32 v18, v18;
	v24 =	vadd.f32 v26, v24;
	v22 =	vmul.f32 v22, v23  }
0x17d: {  	v53 =	vsub.f32 v14, v7;
	v17 =	vadd.f32 v25, v17;
	v23 =	vmul.f32 v27, v27  }
0x17e: {  	v54 =	vmul.f32 v19, v19;
	v24 =	vadd.f32 v28, v24;
	v55 =	vmul.f32 v22, v21  }
0x17f: {  	v56 =	vsub.f32 v15, v4;
	v17 =	vadd.f32 v23, v17;
	v23 =	vmul.f32 v53, v53  }
0x180: {  	v57 =	vmul.f32 v20, v20;
	v24 =	vadd.f32 v54, v24;
	v58 =	vmul.f32 v55, v22  }
0x181: {  	v25 =	vmul.f32 v56, v56;
	v17 =	vadd.f32 v23, v17;
	v23 =	vsub.f32 v16, v5  }
0x182: {  	v24 =	vadd.f32 v57, v24;
	v26 =	vsub.f32 $1.500000000e+00, v58  }
0x183: {  	v59 =	vsub.f32 v18, v8;
	v17 =	vadd.f32 v25, v17;
	v23 =	vmul.f32 v23, v23  }
0x184: {  	v60 =	vmul.f32 v26, v22;
	v22 =	vperm.xlane v24, v0  }
0x185: {  	v61 =	vsub.f32 v19, v12;
	v27 =	vmul.f32 v59, v59;
	v17 =	vadd.f32 v23, v17  }
0x186: {  	v21 =	vmul.f32 v60, v21;
	v22 =	vadd.f32 v22, v24  }
0x187: {  	v23 =	vmul.f32 v61, v61;
	v17 =	vadd.f32 v27, v17  }
0x188: {  	v62 =	vsub.f32 v20, v13;
	v21 =	vmul.f32 v21, v60;
	v63 =	vperm.xlane v22, v1  }
0x189: {  	v17 =	vadd.f32 v23, v17  }
0x18a: {  	v23 =	vmul.f32 v62, v62;
	v21 =	vsub.f32 $1.500000000e+00, v21;
	v22 =	vadd.f32 v63, v22;
	_ =	sdelay $0x1  }
0x18b: {  	s30 =	simm.s32 $0x200;
	v17 =	vadd.f32 v23, v17;
	v21 =	vmul.f32 v21, v60;
	v23 =	vperm.xlane v22, v2  }
.LBB2_6:
0x18c: {  	_ = 	snop  }
0x18d: {  	p0 =	sne.s32 s30, $0xFE00;
	s31 =	smov.u32 s30;
	s30 =	sadd.s32 $0x200, s30;
	v22 =	vadd.f32 v23, v22;
	v9 =	vmul.f32 v21, v9  }
0x18e: {  	s31 =	sshra.s32 s31, $0x2;
	v6 =	vmul.f32 v21, v6  }
0x18f: {  	v7 =	vmul.f32 v21, v7;
	v23 =	vperm.xlane v22, v3;
	[tilespmem:s29+$0x200] =	vst v9  }
0x190: {  	v4 =	vmul.f32 v21, v4;
	v9 =	vld [tilespmem:s31+$0x200];
	[tilespmem:s29+$0x210] =	vst v6  }
0x191: {  	v5 =	vmul.f32 v21, v5;
	v6 =	vld [tilespmem:s31+$0x210];
	v22 =	vadd.f32 v23, v22;
	[tilespmem:s29+$0x220] =	vst v7  }
0x192: {  	v8 =	vmul.f32 v21, v8;
	v7 =	vld [tilespmem:s31+$0x220];
	[tilespmem:s29+$0x230] =	vst v4  }
0x193: {  	v12 =	vmul.f32 v21, v12;
	v4 =	vld [tilespmem:s31+$0x230];
	v22 =	vmax.f32 v22, $1.000000020e-24;
	[tilespmem:s29+$0x240] =	vst v5  }
0x194: {  	v13 =	vmul.f32 v21, v13;
	v5 =	vld [tilespmem:s31+$0x240];
	v23 =	vshra.s32 v22, $0x1;
	v22 =	vmul.f32 $5.000000000e-01, v22;
	[tilespmem:s29+$0x250] =	vst v8  }
0x195: {  	v8 =	vld [tilespmem:s31+$0x250];
	v21 =	vmul.f32 v9, v9;
	v23 =	vsub.s32 $0x5F3759DF, v23;
	[tilespmem:s29+$0x260] =	vst v12  }
0x196: {  	v12 =	vmul.f32 v6, v6;
	v24 =	vmul.f32 v23, v22;
	[tilespmem:s29+$0x270] =	vst v13;
	_ =	sdelay $0x1  }
0x197: {  	v13 =	vmul.f32 v7, v7;
	v12 =	vadd.f32 v12, v21;
	v21 =	vmul.f32 v23, v24;
	_ =	sdelay $0x1  }
0x198: {  	v24 =	vmul.f32 v4, v4;
	v13 =	vadd.f32 v13, v12;
	v21 =	vsub.f32 $1.500000000e+00, v21  }
0x199: {  	v12 =	vld [tilespmem:s31+$0x260]  }
0x19a: {  	v25 =	vmul.f32 v5, v5;
	v24 =	vadd.f32 v24, v13;
	v21 =	vmul.f32 v23, v21  }
0x19b: {  	v13 =	vld [tilespmem:s31+$0x270]  }
0x19c: {  	v23 =	vadd.f32 v25, v24;
	v24 =	vmul.f32 v8, v8;
	v25 =	vmul.f32 v21, v22;
	_ =	sdelay $0x1  }
0x19d: {  	v23 =	vadd.f32 v24, v23;
	v24 =	vmul.f32 v12, v12;
	v25 =	vmul.f32 v25, v21;
	_ =	sdelay $0x1  }
0x19e: {  	v23 =	vadd.f32 v24, v23;
	v24 =	vmul.f32 v13, v13;
	v25 =	vsub.f32 $1.500000000e+00, v25;
	_ =	sdelay $0x1  }
0x19f: {  	v23 =	vadd.f32 v24, v23;
	v21 =	vmul.f32 v25, v21;
	_ =	sdelay $0x1  }
0x1a0: {  	v24 =	vperm.xlane v23, v0;
	v22 =	vmul.f32 v21, v22;
	_ =	sdelay $0x1  }
0x1a1: {  	v23 =	vadd.f32 v24, v23;
	v22 =	vmul.f32 v22, v21;
	_ =	sdelay $0x1  }
0x1a2: {  	v24 =	vperm.xlane v23, v1;
	v22 =	vsub.f32 $1.500000000e+00, v22;
	_ =	sdelay $0x1  }
0x1a3: {  	v23 =	vadd.f32 v24, v23;
	v21 =	vmul.f32 v22, v21;
	_ =	sdelay $0x1  }
0x1a4: {  	v22 =	vperm.xlane v23, v2;
	v10 =	vmul.f32 v21, v10  }
0x1a5: {  	v11 =	vmul.f32 v21, v11;
	v14 =	vmul.f32 v21, v14  }
0x1a6: {  	v15 =	vmul.f32 v21, v15;
	v16 =	vmul.f32 v21, v16;
	v22 =	vadd.f32 v22, v23;
	[tilespmem:s29+$0x4200] =	vst v10  }
0x1a7: {  	v18 =	vmul.f32 v21, v18;
	v19 =	vmul.f32 v21, v19;
	v10 =	vld [tilespmem:s31+$0x4200];
	[tilespmem:s29+$0x4210] =	vst v11  }
0x1a8: {  	v11 =	vld [tilespmem:s31+$0x4210];
	v23 =	vperm.xlane v22, v3;
	[tilespmem:s29+$0x4240] =	vst v16;
	v16 =	vmul.f32 v21, v20  }
0x1a9: {  	[tilespmem:s29+$0x4220] =	vst v14  }
0x1aa: {  	v14 =	vld [tilespmem:s31+$0x4220];
	v20 =	vadd.f32 v23, v22;
	[tilespmem:s29+$0x4260] =	vst v19  }
0x1ab: {  	[tilespmem:s29+$0x4230] =	vst v15  }
0x1ac: {  	v15 =	vld [tilespmem:s31+$0x4230];
	v19 =	vmul.f32 v10, v10;
	v21 =	vsub.f32 v10, v9;
	v20 =	vmax.f32 v20, $1.000000020e-24;
	[tilespmem:s29+$0x4270] =	vst v16  }
0x1ad: {  	v16 =	vld [tilespmem:s31+$0x4240];
	v22 =	vmul.f32 v11, v11;
	v23 =	vshra.s32 v20, $0x1;
	v24 =	vmul.f32 $5.000000000e-01, v20;
	[tilespmem:s29+$0x4250] =	vst v18;
	s29 =	smov.u32 s31  }
0x1ae: {  	v20 =	vmul.f32 v21, v21;
	v21 =	vsub.f32 v11, v6;
	v23 =	vsub.s32 $0x5F3759DF, v23  }
0x1af: {  	v18 =	vld [tilespmem:s29+$0x4250];
	v22 =	vadd.f32 v22, v19;
	v25 =	vmul.f32 v14, v14;
	v26 =	vmul.f32 v23, v24  }
0x1b0: {  	v27 =	vsub.f32 v14, v7;
	v19 =	vld [tilespmem:s29+$0x4260];
	v17 =	vadd.f32 v20, v17;
	v21 =	vmul.f32 v21, v21  }
0x1b1: {  	v22 =	vadd.f32 v25, v22;
	v25 =	vmul.f32 v15, v15;
	v26 =	vmul.f32 v23, v26  }
0x1b2: {  	v20 =	vld [tilespmem:s29+$0x4270];
	v17 =	vadd.f32 v21, v17;
	v21 =	vmul.f32 v27, v27;
	v27 =	vsub.f32 v15, v4  }
0x1b3: {  	v22 =	vadd.f32 v25, v22;
	v25 =	vmul.f32 v16, v16;
	v26 =	vsub.f32 $1.500000000e+00, v26  }
0x1b4: {  	v28 =	vmul.f32 v18, v18;
	v27 =	vmul.f32 v27, v27;
	v29 =	vsub.f32 v18, v8  }
0x1b5: {  	v17 =	vadd.f32 v21, v17;
	v22 =	vadd.f32 v25, v22;
	v21 =	vmul.f32 v23, v26  }
0x1b6: {  	v23 =	vmul.f32 v19, v19;
	v25 =	vsub.f32 v16, v5;
	v26 =	vsub.f32 v19, v12  }
0x1b7: {  	v17 =	vadd.f32 v27, v17;
	v22 =	vadd.f32 v28, v22;
	v27 =	vmul.f32 v21, v24  }
0x1b8: {  	v29 =	vmul.f32 v29, v29;
	v28 =	vmul.f32 v20, v20;
	v30 =	vsub.f32 v20, v13  }
0x1b9: {  	v22 =	vadd.f32 v23, v22;
	v23 =	vmul.f32 v25, v25;
	v25 =	vmul.f32 v27, v21  }
0x1ba: {  	v26 =	vmul.f32 v26, v26  }
0x1bb: {  	v22 =	vadd.f32 v28, v22;
	v25 =	vsub.f32 $1.500000000e+00, v25  }
0x1bc: {  	v17 =	vadd.f32 v23, v17  }
0x1bd: {  	v21 =	vmul.f32 v25, v21;
	v23 =	vperm.xlane v22, v0  }
0x1be: {  	v17 =	vadd.f32 v29, v17  }
0x1bf: {  	v24 =	vmul.f32 v21, v24;
	v22 =	vadd.f32 v23, v22  }
0x1c0: {  	v17 =	vadd.f32 v26, v17;
	v23 =	vmul.f32 v30, v30  }
.Ltmp2:
0x1c1: {  	v24 =	vmul.f32 v24, v21;
	v25 =	vperm.xlane v22, v1;
	(pc) =	sbr.rel @p0 .LBB2_6-.Ltmp2, $3  }
0x1c2: {  	v17 =	vadd.f32 v23, v17  }
0x1c3: {  	v23 =	vsub.f32 $1.500000000e+00, v24;
	v22 =	vadd.f32 v25, v22;
	_ =	sdelay $0x1  }
0x1c4: {  	v21 =	vmul.f32 v23, v21;
	v23 =	vperm.xlane v22, v2  }
0x1c5: {  	_ = 	snop  }
0x1c6: {  	v22 =	vadd.f32 v23, v22;
	_ =	sdelay $0x1  }
0x1c7: {  	v23 =	vperm.xlane v22, v3;
	_ =	sdelay $0x1  }
0x1c8: {  	v22 =	vadd.f32 v23, v22;
	_ =	sdelay $0x1  }
0x1c9: {  	v22 =	vmax.f32 v22, $1.000000020e-24  }
0x1ca: {  	v23 =	vshra.s32 v22, $0x1;
	v22 =	vmul.f32 $5.000000000e-01, v22  }
0x1cb: {  	v23 =	vsub.s32 $0x5F3759DF, v23  }
0x1cc: {  	v24 =	vmul.f32 v23, v22;
	_ =	sdelay $0x1  }
0x1cd: {  	v24 =	vmul.f32 v23, v24;
	_ =	sdelay $0x1  }
0x1ce: {  	v24 =	vsub.f32 $1.500000000e+00, v24;
	_ =	sdelay $0x1  }
0x1cf: {  	v23 =	vmul.f32 v23, v24;
	_ =	sdelay $0x1  }
0x1d0: {  	v24 =	vmul.f32 v23, v22;
	_ =	sdelay $0x1  }
0x1d1: {  	v24 =	vmul.f32 v24, v23;
	_ =	sdelay $0x1  }
0x1d2: {  	v24 =	vsub.f32 $1.500000000e+00, v24;
	_ =	sdelay $0x1  }
0x1d3: {  	v23 =	vmul.f32 v24, v23;
	_ =	sdelay $0x1  }
0x1d4: {  	v9 =	vmul.f32 v21, v9;
	v22 =	vmul.f32 v23, v22  }
0x1d5: {  	v6 =	vmul.f32 v21, v6  }
0x1d6: {  	v7 =	vmul.f32 v21, v7;
	[tilespmem:s29+$0x200] =	vst v9;
	v9 =	vmul.f32 v22, v23  }
0x1d7: {  	v4 =	vmul.f32 v21, v4;
	[tilespmem:s29+$0x210] =	vst v6  }
0x1d8: {  	v5 =	vmul.f32 v21, v5;
	[tilespmem:s29+$0x220] =	vst v7;
	v6 =	vsub.f32 $1.500000000e+00, v9  }
0x1d9: {  	[tilespmem:s29+$0x230] =	vst v4;
	v4 =	vmul.f32 v21, v8  }
0x1da: {  	[tilespmem:s29+$0x240] =	vst v5;
	v5 =	vmul.f32 v21, v12;
	v6 =	vmul.f32 v6, v23  }
0x1db: {  	[tilespmem:s29+$0x250] =	vst v4;
	v4 =	vmul.f32 v21, v13  }
0x1dc: {  	[tilespmem:s29+$0x260] =	vst v5;
	v5 =	vmul.f32 v6, v10  }
0x1dd: {  	[tilespmem:s29+$0x270] =	vst v4;
	v4 =	vmul.f32 v6, v11  }
0x1de: {  	v7 =	vmul.f32 v6, v14;
	[tilespmem:s29+$0x4200] =	vst v5  }
0x1df: {  	v5 =	vmul.f32 v6, v16;
	[tilespmem:s29+$0x4210] =	vst v4  }
0x1e0: {  	v4 =	vmul.f32 v6, v19;
	[tilespmem:s29+$0x4220] =	vst v7  }
0x1e1: {  	v7 =	vmul.f32 v6, v20;
	[tilespmem:s29+$0x4240] =	vst v5  }
0x1e2: {  	v5 =	vmul.f32 v6, v15;
	[tilespmem:s29+$0x4260] =	vst v4  }
0x1e3: {  	v4 =	vmul.f32 v6, v18;
	[tilespmem:s29+$0x4270] =	vst v7  }
0x1e4: {  	[tilespmem:s29+$0x4230] =	vst v5  }
0x1e5: {  	[tilespmem:s29+$0x4250] =	vst v4;
	s29 =	simm.s32 $0x0  }
0x1e6: {  	[hbm4b:s12+s29] =	stream.linear.scatter [tilespmem:s23], [sflag:$0x2], $0x4000, $0x38;
	[tilespmem:$0x8280] =	vst v63  }
0x1e7: {  	_ =	swait.ge [sflag:s19], $0x4000  }
0x1e8: {  	[sflag:s19] =	ssyncset.done $0x0  }
0x1e9: {  	[sflag:s19] =	ssyncadd.s32 $0xFFFFC000  }
0x1ea: {  	[hbm4b:s13+s29] =	stream.linear.scatter [tilespmem:s21], [sflag:$0x2], $0x4000, $0x38;
	[tilespmem:$0x8280] =	vst v63  }
0x1eb: {  	_ =	swait.ge [sflag:s19], $0x4000  }
0x1ec: {  	[sflag:s19] =	ssyncset.done $0x0  }
0x1ed: {  	[sflag:s19] =	ssyncadd.s32 $0xFFFFC000  }
0x1ee: {  	[tilespmem:s21], [sflag:$0x1] =	stream.indirect.gather [hbm4b:s1+s20], $0x80, s25, s20, $0xb8;
	[tilespmem:$0x8280] =	vst v63  }
0x1ef: {  	_ =	swait.ge [sflag:s22], $0x4000  }
0x1f0: {  	[sflag:s22] =	ssyncset.done $0x0  }
0x1f1: {  	[sflag:s22] =	ssyncadd.s32 $0xFFFFC000  }
0x1f2: {  	[tilespmem:s23], [sflag:$0x2] =	stream.linear.gather [hbm4b:s14+s29], $0x4000, $0x38;
	[tilespmem:$0x8280] =	vst v63  }
0x1f3: {  	_ =	swait.ge [sflag:s19], $0x4000  }
0x1f4: {  	[sflag:s19] =	ssyncset.done $0x0  }
0x1f5: {  	s29 =	simm.s32 $0x0;
	[sflag:s19] =	ssyncadd.s32 $0xFFFFC000  }
0x1f6: {  	v9 =	vld [tilespmem:s29+$0x200]  }
0x1f7: {  	v6 =	vld [tilespmem:s29+$0x210];
	_ =	sdelay $0x1  }
0x1f8: {  	v7 =	vld [tilespmem:s29+$0x220];
	_ =	sdelay $0x1  }
0x1f9: {  	v4 =	vld [tilespmem:s29+$0x230]  }
0x1fa: {  	v8 =	vmul.f32 v9, v9;
	v10 =	vmul.f32 v6, v6  }
0x1fb: {  	v5 =	vld [tilespmem:s29+$0x240]  }
0x1fc: {  	v11 =	vmul.f32 v7, v7;
	v10 =	vadd.f32 v10, v8  }
0x1fd: {  	v8 =	vld [tilespmem:s29+$0x250]  }
0x1fe: {  	v10 =	vadd.f32 v11, v10;
	v11 =	vmul.f32 v4, v4  }
0x1ff: {  	v12 =	vld [tilespmem:s29+$0x260]  }
0x200: {  	v10 =	vadd.f32 v11, v10;
	v11 =	vmul.f32 v5, v5  }
0x201: {  	v13 =	vld [tilespmem:s29+$0x270]  }
0x202: {  	v10 =	vadd.f32 v11, v10;
	v11 =	vmul.f32 v8, v8;
	_ =	sdelay $0x1  }
0x203: {  	v10 =	vadd.f32 v11, v10;
	v11 =	vmul.f32 v12, v12;
	_ =	sdelay $0x1  }
0x204: {  	v10 =	vadd.f32 v11, v10;
	v11 =	vmul.f32 v13, v13;
	_ =	sdelay $0x1  }
0x205: {  	v10 =	vadd.f32 v11, v10;
	_ =	sdelay $0x1  }
0x206: {  	v11 =	vperm.xlane v10, v0;
	_ =	sdelay $0x1  }
0x207: {  	v10 =	vadd.f32 v11, v10;
	_ =	sdelay $0x1  }
0x208: {  	v11 =	vperm.xlane v10, v1;
	_ =	sdelay $0x1  }
0x209: {  	v10 =	vadd.f32 v11, v10;
	_ =	sdelay $0x1  }
0x20a: {  	v11 =	vperm.xlane v10, v2;
	_ =	sdelay $0x1  }
0x20b: {  	v15 =	vadd.f32 v11, v10  }
0x20c: {  	v10 =	vld [tilespmem:s29+$0x4200]  }
0x20d: {  	v11 =	vld [tilespmem:s29+$0x4210];
	v16 =	vperm.xlane v15, v3;
	_ =	sdelay $0x1  }
0x20e: {  	v14 =	vld [tilespmem:s29+$0x4220];
	v16 =	vadd.f32 v16, v15;
	_ =	sdelay $0x1  }
0x20f: {  	v15 =	vld [tilespmem:s29+$0x4230];
	v18 =	vmul.f32 v10, v10;
	v16 =	vmax.f32 v16, $1.000000020e-24  }
0x210: {  	v19 =	vmul.f32 v11, v11;
	v20 =	vshra.s32 v16, $0x1;
	v21 =	vmul.f32 $5.000000000e-01, v16  }
0x211: {  	v16 =	vld [tilespmem:s29+$0x4240];
	v22 =	vsub.s32 $0x5F3759DF, v20  }
0x212: {  	v19 =	vadd.f32 v19, v18;
	v20 =	vmul.f32 v14, v14;
	v23 =	vmul.f32 v22, v21  }
0x213: {  	v18 =	vld [tilespmem:s29+$0x4250]  }
0x214: {  	v52 =	vmul.f32 v15, v15;
	v20 =	vadd.f32 v20, v19;
	v23 =	vmul.f32 v22, v23  }
0x215: {  	v25 =	vsub.f32 v10, v9;
	v19 =	vld [tilespmem:s29+$0x4260]  }
0x216: {  	v24 =	vadd.f32 v52, v20;
	v26 =	vmul.f32 v16, v16;
	v23 =	vsub.f32 $1.500000000e+00, v23  }
0x217: {  	v27 =	vsub.f32 v11, v6;
	v25 =	vmul.f32 v25, v25;
	v20 =	vld [tilespmem:s29+$0x4270]  }
0x218: {  	v28 =	vmul.f32 v18, v18;
	v24 =	vadd.f32 v26, v24;
	v22 =	vmul.f32 v22, v23  }
0x219: {  	v53 =	vsub.f32 v14, v7;
	v17 =	vadd.f32 v25, v17;
	v23 =	vmul.f32 v27, v27  }
0x21a: {  	v54 =	vmul.f32 v19, v19;
	v24 =	vadd.f32 v28, v24;
	v55 =	vmul.f32 v22, v21  }
0x21b: {  	v56 =	vsub.f32 v15, v4;
	v17 =	vadd.f32 v23, v17;
	v23 =	vmul.f32 v53, v53  }
0x21c: {  	v57 =	vmul.f32 v20, v20;
	v24 =	vadd.f32 v54, v24;
	v58 =	vmul.f32 v55, v22  }
0x21d: {  	v25 =	vmul.f32 v56, v56;
	v17 =	vadd.f32 v23, v17;
	v23 =	vsub.f32 v16, v5  }
0x21e: {  	v24 =	vadd.f32 v57, v24;
	v26 =	vsub.f32 $1.500000000e+00, v58  }
0x21f: {  	v59 =	vsub.f32 v18, v8;
	v17 =	vadd.f32 v25, v17;
	v23 =	vmul.f32 v23, v23  }
0x220: {  	v60 =	vmul.f32 v26, v22;
	v22 =	vperm.xlane v24, v0  }
0x221: {  	v61 =	vsub.f32 v19, v12;
	v27 =	vmul.f32 v59, v59;
	v17 =	vadd.f32 v23, v17  }
0x222: {  	v21 =	vmul.f32 v60, v21;
	v22 =	vadd.f32 v22, v24  }
0x223: {  	v23 =	vmul.f32 v61, v61;
	v17 =	vadd.f32 v27, v17  }
0x224: {  	v62 =	vsub.f32 v20, v13;
	v21 =	vmul.f32 v21, v60;
	v63 =	vperm.xlane v22, v1  }
0x225: {  	v17 =	vadd.f32 v23, v17  }
0x226: {  	v23 =	vmul.f32 v62, v62;
	v21 =	vsub.f32 $1.500000000e+00, v21;
	v22 =	vadd.f32 v63, v22;
	_ =	sdelay $0x1  }
0x227: {  	s30 =	simm.s32 $0x200;
	v17 =	vadd.f32 v23, v17;
	v21 =	vmul.f32 v21, v60;
	v23 =	vperm.xlane v22, v2  }
.LBB2_8:
0x228: {  	_ = 	snop  }
0x229: {  	p0 =	sne.s32 s30, $0xFE00;
	s31 =	smov.u32 s30;
	s30 =	sadd.s32 $0x200, s30;
	v22 =	vadd.f32 v23, v22;
	v9 =	vmul.f32 v21, v9  }
0x22a: {  	s31 =	sshra.s32 s31, $0x2;
	v6 =	vmul.f32 v21, v6  }
0x22b: {  	v7 =	vmul.f32 v21, v7;
	v23 =	vperm.xlane v22, v3;
	[tilespmem:s29+$0x200] =	vst v9  }
0x22c: {  	v4 =	vmul.f32 v21, v4;
	v9 =	vld [tilespmem:s31+$0x200];
	[tilespmem:s29+$0x210] =	vst v6  }
0x22d: {  	v5 =	vmul.f32 v21, v5;
	v6 =	vld [tilespmem:s31+$0x210];
	v22 =	vadd.f32 v23, v22;
	[tilespmem:s29+$0x220] =	vst v7  }
0x22e: {  	v8 =	vmul.f32 v21, v8;
	v7 =	vld [tilespmem:s31+$0x220];
	[tilespmem:s29+$0x230] =	vst v4  }
0x22f: {  	v12 =	vmul.f32 v21, v12;
	v4 =	vld [tilespmem:s31+$0x230];
	v22 =	vmax.f32 v22, $1.000000020e-24;
	[tilespmem:s29+$0x240] =	vst v5  }
0x230: {  	v13 =	vmul.f32 v21, v13;
	v5 =	vld [tilespmem:s31+$0x240];
	v23 =	vshra.s32 v22, $0x1;
	v22 =	vmul.f32 $5.000000000e-01, v22;
	[tilespmem:s29+$0x250] =	vst v8  }
0x231: {  	v8 =	vld [tilespmem:s31+$0x250];
	v21 =	vmul.f32 v9, v9;
	v23 =	vsub.s32 $0x5F3759DF, v23;
	[tilespmem:s29+$0x260] =	vst v12  }
0x232: {  	v12 =	vmul.f32 v6, v6;
	v24 =	vmul.f32 v23, v22;
	[tilespmem:s29+$0x270] =	vst v13;
	_ =	sdelay $0x1  }
0x233: {  	v13 =	vmul.f32 v7, v7;
	v12 =	vadd.f32 v12, v21;
	v21 =	vmul.f32 v23, v24;
	_ =	sdelay $0x1  }
0x234: {  	v24 =	vmul.f32 v4, v4;
	v13 =	vadd.f32 v13, v12;
	v21 =	vsub.f32 $1.500000000e+00, v21  }
0x235: {  	v12 =	vld [tilespmem:s31+$0x260]  }
0x236: {  	v25 =	vmul.f32 v5, v5;
	v24 =	vadd.f32 v24, v13;
	v21 =	vmul.f32 v23, v21  }
0x237: {  	v13 =	vld [tilespmem:s31+$0x270]  }
0x238: {  	v23 =	vadd.f32 v25, v24;
	v24 =	vmul.f32 v8, v8;
	v25 =	vmul.f32 v21, v22;
	_ =	sdelay $0x1  }
0x239: {  	v23 =	vadd.f32 v24, v23;
	v24 =	vmul.f32 v12, v12;
	v25 =	vmul.f32 v25, v21;
	_ =	sdelay $0x1  }
0x23a: {  	v23 =	vadd.f32 v24, v23;
	v24 =	vmul.f32 v13, v13;
	v25 =	vsub.f32 $1.500000000e+00, v25;
	_ =	sdelay $0x1  }
0x23b: {  	v23 =	vadd.f32 v24, v23;
	v21 =	vmul.f32 v25, v21;
	_ =	sdelay $0x1  }
0x23c: {  	v24 =	vperm.xlane v23, v0;
	v22 =	vmul.f32 v21, v22;
	_ =	sdelay $0x1  }
0x23d: {  	v23 =	vadd.f32 v24, v23;
	v22 =	vmul.f32 v22, v21;
	_ =	sdelay $0x1  }
0x23e: {  	v24 =	vperm.xlane v23, v1;
	v22 =	vsub.f32 $1.500000000e+00, v22;
	_ =	sdelay $0x1  }
0x23f: {  	v23 =	vadd.f32 v24, v23;
	v21 =	vmul.f32 v22, v21;
	_ =	sdelay $0x1  }
0x240: {  	v22 =	vperm.xlane v23, v2;
	v10 =	vmul.f32 v21, v10  }
0x241: {  	v11 =	vmul.f32 v21, v11;
	v14 =	vmul.f32 v21, v14  }
0x242: {  	v15 =	vmul.f32 v21, v15;
	v16 =	vmul.f32 v21, v16;
	v22 =	vadd.f32 v22, v23;
	[tilespmem:s29+$0x4200] =	vst v10  }
0x243: {  	v18 =	vmul.f32 v21, v18;
	v19 =	vmul.f32 v21, v19;
	v10 =	vld [tilespmem:s31+$0x4200];
	[tilespmem:s29+$0x4210] =	vst v11  }
0x244: {  	v11 =	vld [tilespmem:s31+$0x4210];
	v23 =	vperm.xlane v22, v3;
	[tilespmem:s29+$0x4240] =	vst v16;
	v16 =	vmul.f32 v21, v20  }
0x245: {  	[tilespmem:s29+$0x4220] =	vst v14  }
0x246: {  	v14 =	vld [tilespmem:s31+$0x4220];
	v20 =	vadd.f32 v23, v22;
	[tilespmem:s29+$0x4260] =	vst v19  }
0x247: {  	[tilespmem:s29+$0x4230] =	vst v15  }
0x248: {  	v15 =	vld [tilespmem:s31+$0x4230];
	v19 =	vmul.f32 v10, v10;
	v21 =	vsub.f32 v10, v9;
	v20 =	vmax.f32 v20, $1.000000020e-24;
	[tilespmem:s29+$0x4270] =	vst v16  }
0x249: {  	v16 =	vld [tilespmem:s31+$0x4240];
	v22 =	vmul.f32 v11, v11;
	v23 =	vshra.s32 v20, $0x1;
	v24 =	vmul.f32 $5.000000000e-01, v20;
	[tilespmem:s29+$0x4250] =	vst v18;
	s29 =	smov.u32 s31  }
0x24a: {  	v20 =	vmul.f32 v21, v21;
	v21 =	vsub.f32 v11, v6;
	v23 =	vsub.s32 $0x5F3759DF, v23  }
0x24b: {  	v18 =	vld [tilespmem:s29+$0x4250];
	v22 =	vadd.f32 v22, v19;
	v25 =	vmul.f32 v14, v14;
	v26 =	vmul.f32 v23, v24  }
0x24c: {  	v27 =	vsub.f32 v14, v7;
	v19 =	vld [tilespmem:s29+$0x4260];
	v17 =	vadd.f32 v20, v17;
	v21 =	vmul.f32 v21, v21  }
0x24d: {  	v22 =	vadd.f32 v25, v22;
	v25 =	vmul.f32 v15, v15;
	v26 =	vmul.f32 v23, v26  }
0x24e: {  	v20 =	vld [tilespmem:s29+$0x4270];
	v17 =	vadd.f32 v21, v17;
	v21 =	vmul.f32 v27, v27;
	v27 =	vsub.f32 v15, v4  }
0x24f: {  	v22 =	vadd.f32 v25, v22;
	v25 =	vmul.f32 v16, v16;
	v26 =	vsub.f32 $1.500000000e+00, v26  }
0x250: {  	v28 =	vmul.f32 v18, v18;
	v27 =	vmul.f32 v27, v27;
	v29 =	vsub.f32 v18, v8  }
0x251: {  	v17 =	vadd.f32 v21, v17;
	v22 =	vadd.f32 v25, v22;
	v21 =	vmul.f32 v23, v26  }
0x252: {  	v23 =	vmul.f32 v19, v19;
	v25 =	vsub.f32 v16, v5;
	v26 =	vsub.f32 v19, v12  }
0x253: {  	v17 =	vadd.f32 v27, v17;
	v22 =	vadd.f32 v28, v22;
	v27 =	vmul.f32 v21, v24  }
0x254: {  	v29 =	vmul.f32 v29, v29;
	v28 =	vmul.f32 v20, v20;
	v30 =	vsub.f32 v20, v13  }
0x255: {  	v22 =	vadd.f32 v23, v22;
	v23 =	vmul.f32 v25, v25;
	v25 =	vmul.f32 v27, v21  }
0x256: {  	v26 =	vmul.f32 v26, v26  }
0x257: {  	v22 =	vadd.f32 v28, v22;
	v25 =	vsub.f32 $1.500000000e+00, v25  }
0x258: {  	v17 =	vadd.f32 v23, v17  }
0x259: {  	v21 =	vmul.f32 v25, v21;
	v23 =	vperm.xlane v22, v0  }
0x25a: {  	v17 =	vadd.f32 v29, v17  }
0x25b: {  	v24 =	vmul.f32 v21, v24;
	v22 =	vadd.f32 v23, v22  }
0x25c: {  	v17 =	vadd.f32 v26, v17;
	v23 =	vmul.f32 v30, v30  }
.Ltmp3:
0x25d: {  	v24 =	vmul.f32 v24, v21;
	v25 =	vperm.xlane v22, v1;
	(pc) =	sbr.rel @p0 .LBB2_8-.Ltmp3, $3  }
0x25e: {  	v17 =	vadd.f32 v23, v17  }
0x25f: {  	v23 =	vsub.f32 $1.500000000e+00, v24;
	v22 =	vadd.f32 v25, v22;
	_ =	sdelay $0x1  }
0x260: {  	v21 =	vmul.f32 v23, v21;
	v23 =	vperm.xlane v22, v2  }
0x261: {  	_ = 	snop  }
0x262: {  	v22 =	vadd.f32 v23, v22;
	_ =	sdelay $0x1  }
0x263: {  	v23 =	vperm.xlane v22, v3;
	_ =	sdelay $0x1  }
0x264: {  	v22 =	vadd.f32 v23, v22;
	_ =	sdelay $0x1  }
0x265: {  	v22 =	vmax.f32 v22, $1.000000020e-24  }
0x266: {  	v59 =	vshra.s32 v22, $0x1;
	v22 =	vmul.f32 $5.000000000e-01, v22  }
0x267: {  	v23 =	vsub.s32 $0x5F3759DF, v59  }
0x268: {  	v24 =	vmul.f32 v23, v22;
	_ =	sdelay $0x1  }
0x269: {  	v24 =	vmul.f32 v23, v24;
	_ =	sdelay $0x1  }
0x26a: {  	v24 =	vsub.f32 $1.500000000e+00, v24;
	_ =	sdelay $0x1  }
0x26b: {  	v23 =	vmul.f32 v23, v24;
	_ =	sdelay $0x1  }
0x26c: {  	v24 =	vmul.f32 v23, v22;
	_ =	sdelay $0x1  }
0x26d: {  	v24 =	vmul.f32 v24, v23;
	_ =	sdelay $0x1  }
0x26e: {  	v24 =	vsub.f32 $1.500000000e+00, v24;
	_ =	sdelay $0x1  }
0x26f: {  	v23 =	vmul.f32 v24, v23;
	_ =	sdelay $0x1  }
0x270: {  	v9 =	vmul.f32 v21, v9;
	v22 =	vmul.f32 v23, v22  }
0x271: {  	v6 =	vmul.f32 v21, v6  }
0x272: {  	v7 =	vmul.f32 v21, v7;
	[tilespmem:s29+$0x200] =	vst v9;
	v60 =	vmul.f32 v22, v23  }
0x273: {  	v4 =	vmul.f32 v21, v4;
	[tilespmem:s29+$0x210] =	vst v6  }
0x274: {  	v5 =	vmul.f32 v21, v5;
	[tilespmem:s29+$0x220] =	vst v7;
	v61 =	vsub.f32 $1.500000000e+00, v60  }
0x275: {  	[tilespmem:s29+$0x230] =	vst v4;
	v4 =	vmul.f32 v21, v8  }
0x276: {  	[tilespmem:s29+$0x240] =	vst v5;
	v5 =	vmul.f32 v21, v12;
	v6 =	vmul.f32 v61, v23  }
0x277: {  	[tilespmem:s29+$0x250] =	vst v4;
	v4 =	vmul.f32 v21, v13  }
0x278: {  	[tilespmem:s29+$0x260] =	vst v5;
	v5 =	vmul.f32 v6, v10  }
0x279: {  	[tilespmem:s29+$0x270] =	vst v4;
	v4 =	vmul.f32 v6, v11  }
0x27a: {  	v62 =	vmul.f32 v6, v14;
	[tilespmem:s29+$0x4200] =	vst v5  }
0x27b: {  	v63 =	vmul.f32 v6, v20;
	[tilespmem:s29+$0x4210] =	vst v4  }
0x27c: {  	v5 =	vmul.f32 v6, v16;
	[tilespmem:s29+$0x4220] =	vst v62  }
0x27d: {  	v4 =	vmul.f32 v6, v19;
	[tilespmem:s29+$0x4270] =	vst v63  }
0x27e: {  	[tilespmem:s29+$0x4240] =	vst v5;
	v5 =	vmul.f32 v6, v15  }
0x27f: {  	[tilespmem:s29+$0x4260] =	vst v4;
	v4 =	vmul.f32 v6, v18  }
0x280: {  	[tilespmem:s29+$0x4230] =	vst v5  }
0x281: {  	[tilespmem:s29+$0x4250] =	vst v4  }
0x282: {  	[hbm4b:s15+s3] =	stream.linear.scatter [tilespmem:s23], [sflag:$0x2], $0x4000, $0x38;
	[tilespmem:$0x8280] =	vst v63  }
0x283: {  	_ =	swait.ge [sflag:s19], $0x4000  }
0x284: {  	[sflag:s19] =	ssyncset.done $0x0  }
0x285: {  	[sflag:s19] =	ssyncadd.s32 $0xFFFFC000  }
0x286: {  	[hbm4b:s16+s3] =	stream.linear.scatter [tilespmem:s21], [sflag:$0x2], $0x4000, $0x38;
	[tilespmem:$0x8280] =	vst v63  }
0x287: {  	_ =	swait.ge [sflag:s19], $0x4000  }
0x288: {  	s28 =	sadd.s32 $0x1, s28;
	[sflag:s19] =	ssyncset.done $0x0  }
0x289: {  	p0 =	sne.s32 s28, s18;
	[sflag:s19] =	ssyncadd.s32 $0xFFFFC000  }
.Ltmp4:
0x28a: {  	[tilespmem:$0x8200] =	vst v17;
	(pc) =	sbr.rel @p0 .LBB2_1-.Ltmp4, $4  }
0x28b: {  	[hbm4b:s17+s3] =	stream.linear.scatter [tilespmem:s26], [sflag:$0x2], $0x80, $0x38;
	[tilespmem:$0x8280] =	vst v63  }
0x28c: {  	_ =	swait.ge [sflag:s19], $0x80  }
0x28d: {  	[sflag:s19] =	ssyncset.done $0x0  }
0x28e: {  	[sflag:s19] =	ssyncadd.s32 $0xFFFFFF80  }
0x28f: {  	_ =	sfence.sel $0x180000  }
0x290: {  	[bflag:$0x0] =	sbarrier.arrive $0xFFFF  }
0x291: {  	p0 =	sne.s32 s2, $0x0;
	_ =	strace $0x90000047  }
0x292: {  	s0 =	sadd.s32 @!p0 $0x100000, s0;
	[bflag:$0x2] =	sbarrier.arrive $0xFFFF  }
0x293: {  	[sflag:s0] =	ssyncadd.tile.s32 @!p0 $0x1;
	_ =	shalt  }
.Lfunc_end2:
_tile_overlayer_lowered:
.L_overlay_start_2:
0x294: {  	(tag) =	ssettag $0x2  }
0x295: {  	s0 =	rddreg [dreg:$0x0];
	s2 =	stileid.u32  }
0x296: {  	s1 =	rddreg [dreg:$0x1];
	p0 =	sne.s32 s2, $0x0  }
0x297: {  	s3 =	rddreg [dreg:$0x2];
	[bflag:$0x3] =	sbarrier.arrive $0xFFFF;
	s2 =	simm.s32 @!p0 $0x1C02  }
0x298: {  	[timem:s3], [sflag:s2] =	dma.local @!p0 [hbm:s0], s1  }
0x299: {  	s0 =	simm.s32 @!p0 $0x2  }
0x29a: {  	_ =	swait.ge @!p0 [sflag:s0], s1  }
0x29b: {  	s1 =	ssub.s32 @!p0 $0x0, s1;
	[sflag:s0] =	ssyncset.done @!p0 $0x0  }
0x29c: {  	[sflag:s0] =	ssyncadd.s32 @!p0 s1  }
0x29d: {  	[bflag:$0x3] =	sbarrier.arrive $0xFFFF  }
0x29e: {  	_ =	shalt  }

</sc_bundles>
